<compile_context>
chip_gen: v7x
topology: tpu7x:2x2x1
jax: 0.10.2.dev20260603
libtpu: 0.0.44.dev20260713+nightly
codegen_flags: <defaults>
</compile_context>

<pallas_src>
import functools

import jax
import jax.numpy as jnp
from jax import lax
from jax.experimental import pallas as pl
from jax.experimental.pallas import tpu as pltpu
from jax.experimental.pallas import tpu_sc as plsc

NC = 2
NS = 16
LANES = 16
KCH = 128


def _make_deg(n_cnt, e_pad):
  e_per_tile = e_pad // (NC * NS)
  mesh = plsc.VectorSubcoreMesh(core_axis_name="c", subcore_axis_name="s")

  @functools.partial(
      pl.kernel,
      out_type=jax.ShapeDtypeStruct((NC * NS, n_cnt), jnp.float32),
      mesh=mesh,
      scratch_types=[
          pltpu.VMEM((e_per_tile,), jnp.int32),
          pltpu.VMEM((n_cnt,), jnp.float32),
      ],
      compiler_params=pltpu.CompilerParams(needs_layout_passes=False),
  )
  def deg_kernel(dst_hbm, out_hbm, dst_v, cnt_v):
    c = lax.axis_index("c")
    s = lax.axis_index("s")
    w = c * NS + s
    zeros = jnp.zeros((LANES,), jnp.float32)

    def zbody(i, carry):
      cnt_v[pl.ds(i * LANES, LANES)] = zeros
      return carry

    lax.fori_loop(0, n_cnt // LANES, zbody, 0)
    pltpu.sync_copy(dst_hbm.at[pl.ds(w * e_per_tile, e_per_tile)], dst_v)
    ones = jnp.ones((LANES,), jnp.float32)

    def body(i, carry):
      idx = dst_v[pl.ds(i * LANES, LANES)]
      plsc.addupdate_scatter(cnt_v, [idx], ones)
      return carry

    lax.fori_loop(0, e_per_tile // LANES, body, 0)
    pltpu.sync_copy(cnt_v, out_hbm.at[w])

  return deg_kernel


def _make_agg(n_pad, dh, e_pad):
  rows_per_tile = n_pad // NS
  chunks_per_tile = e_pad // (NS * KCH)
  nbuf = 4
  n_groups = 2
  cpg = chunks_per_tile // n_groups
  assert chunks_per_tile == n_groups * cpg
  assert cpg % nbuf == 0 and cpg >= 2 * nbuf
  mesh = plsc.VectorSubcoreMesh(core_axis_name="c", subcore_axis_name="s")

  @functools.partial(
      pl.kernel,
      out_type=jax.ShapeDtypeStruct((NC, n_pad, dh), jnp.bfloat16),
      mesh=mesh,
      scratch_types=[
          pltpu.VMEM_SHARED((n_pad, dh), jnp.bfloat16),
          pltpu.VMEM((cpg, 2, KCH), jnp.int32),
          [pltpu.VMEM((KCH, dh), jnp.bfloat16)] * nbuf,
          [pltpu.SemaphoreType.DMA] * nbuf,
          [pltpu.SemaphoreType.DMA] * nbuf,
      ],
      compiler_params=pltpu.CompilerParams(
          needs_layout_passes=False, use_tc_tiling_on_sc=False),
  )
  def agg_kernel(hs_hbm, sd_hbm, out_hbm, acc, idx_sd, rows, sem_g, sem_s):
    c = lax.axis_index("c")
    s = lax.axis_index("s")
    base = s * rows_per_tile

    def gather(b, j):
      return pltpu.make_async_copy(hs_hbm.at[c].at[idx_sd.at[j, 0]], rows[b],
                                   sem_g[b])

    def scatter(b, j):
      return pltpu.make_async_copy(rows[b], acc.at[idx_sd.at[j, 1]], sem_s[b])

    pltpu.sync_copy(hs_hbm.at[c].at[pl.ds(base, rows_per_tile)],
                    acc.at[pl.ds(base, rows_per_tile)])
    plsc.subcore_barrier()

    for g in range(n_groups):
      pltpu.sync_copy(
          sd_hbm.at[pl.ds(s * chunks_per_tile + g * cpg, cpg)], idx_sd)
      for b in range(nbuf):
        gather(b, b).start()

      def body(t, carry):
        for b in range(nbuf):
          j = t * nbuf + b
          gather(b, j).wait()
          scatter(b, j).start(add=True)

          @pl.when(j + nbuf < cpg)
          def _():
            scatter(b, j).wait()
            gather(b, j + nbuf).start()
        return carry

      lax.fori_loop(0, cpg // nbuf, body, 0)
      for b in range(nbuf):
        scatter(b, 0).wait()

    plsc.subcore_barrier()
    pltpu.sync_copy(acc.at[pl.ds(base, rows_per_tile)],
                    out_hbm.at[c].at[pl.ds(base, rows_per_tile)])

  return agg_kernel


def _make_agg_es(n_pad, d, e_pad):
  rows_per_tile = n_pad // NS
  chunks_per_core = e_pad // (NC * KCH)
  cpt = chunks_per_core // NS
  nbuf = 4
  assert cpt % nbuf == 0
  zrows = 128
  assert rows_per_tile % zrows == 0
  mesh = plsc.VectorSubcoreMesh(core_axis_name="c", subcore_axis_name="s")

  @functools.partial(
      pl.kernel,
      out_type=jax.ShapeDtypeStruct((NC, n_pad, d), jnp.float32),
      mesh=mesh,
      scratch_types=[
          pltpu.VMEM_SHARED((n_pad, d), jnp.float32),
          pltpu.VMEM((cpt, 2, KCH), jnp.int32),
          pltpu.VMEM((zrows, d), jnp.float32),
          [pltpu.VMEM((KCH, d), jnp.float32)] * nbuf,
          [pltpu.SemaphoreType.DMA] * nbuf,
          [pltpu.SemaphoreType.DMA] * nbuf,
      ],
      compiler_params=pltpu.CompilerParams(
          needs_layout_passes=False, use_tc_tiling_on_sc=False),
  )
  def agg_kernel(hs_hbm, sd_hbm, out_hbm, acc, idx_sd, zbuf, rows, sem_g,
                 sem_s):
    c = lax.axis_index("c")
    s = lax.axis_index("s")
    base = s * rows_per_tile

    def gather(b, j):
      return pltpu.make_async_copy(hs_hbm.at[idx_sd.at[j, 0]], rows[b],
                                   sem_g[b])

    def scatter(b, j):
      return pltpu.make_async_copy(rows[b], acc.at[idx_sd.at[j, 1]], sem_s[b])

    @pl.when(c == 0)
    def _():
      pltpu.sync_copy(hs_hbm.at[pl.ds(base, rows_per_tile)],
                      acc.at[pl.ds(base, rows_per_tile)])

    @pl.when(c == 1)
    def _():
      zv = jnp.zeros((LANES,), jnp.float32)

      def zb(i, carry):
        for k in range(d // LANES):
          zbuf[i, pl.ds(k * LANES, LANES)] = zv
        return carry

      lax.fori_loop(0, zrows, zb, 0)
      for r in range(rows_per_tile // zrows):
        pltpu.sync_copy(zbuf, acc.at[pl.ds(base + r * zrows, zrows)])

    plsc.subcore_barrier()
    pltpu.sync_copy(
        sd_hbm.at[pl.ds(c * chunks_per_core + s * cpt, cpt)], idx_sd)
    for b in range(nbuf):
      gather(b, b).start()

    def body(t, carry):
      for b in range(nbuf):
        j = t * nbuf + b
        gather(b, j).wait()
        scatter(b, j).start(add=True)

        @pl.when(j + nbuf < cpt)
        def _():
          scatter(b, j).wait()
          gather(b, j + nbuf).start()
      return carry

    lax.fori_loop(0, cpt // nbuf, body, 0)
    for b in range(nbuf):
      scatter(b, 0).wait()
    plsc.subcore_barrier()
    pltpu.sync_copy(acc.at[pl.ds(base, rows_per_tile)],
                    out_hbm.at[c].at[pl.ds(base, rows_per_tile)])

  return agg_kernel


def _dis_from_parts(degp_block):
  deg = jnp.sum(degp_block, axis=0) + 1.0
  return lax.rsqrt(deg)


def _make_mm1(n, n_pad, d_in, d_hid, bm):
  dh = d_hid // NC

  def body(x_ref, w_ref, degp_ref, o_ref):
    dis = _dis_from_parts(degp_ref[...])
    h = jnp.dot(x_ref[...], w_ref[...], preferred_element_type=jnp.float32)
    o_ref[0] = (h * dis[:, None]).astype(jnp.bfloat16)

  return pl.pallas_call(
      body,
      grid=(NC, n_pad // bm),
      in_specs=[
          pl.BlockSpec((bm, d_in), lambda c, i: (i, 0)),
          pl.BlockSpec((d_in, dh), lambda c, i: (0, c)),
          pl.BlockSpec((NC * NS, bm), lambda c, i: (0, i)),
      ],
      out_specs=pl.BlockSpec((1, bm, dh), lambda c, i: (c, i, 0)),
      out_shape=jax.ShapeDtypeStruct((NC, n_pad, dh), jnp.bfloat16),
  )


def _make_mm2(n_pad, d_hid, d_out, bm):
  dh_in = d_hid // NC

  def body(a_ref, degp_ref, b1_ref, w2_ref, o_ref):
    dis = _dis_from_parts(degp_ref[...])
    z = jnp.concatenate([a_ref[0], a_ref[1]], axis=-1).astype(jnp.float32)
    z = jnp.maximum(z * dis[:, None] + b1_ref[...], 0.0)
    h = jnp.dot(z, w2_ref[...], preferred_element_type=jnp.float32)
    o_ref[...] = h * dis[:, None]

  return pl.pallas_call(
      body,
      grid=(n_pad // bm,),
      in_specs=[
          pl.BlockSpec((NC, bm, dh_in), lambda i: (0, i, 0)),
          pl.BlockSpec((NC * NS, bm), lambda i: (0, i)),
          pl.BlockSpec((1, d_hid), lambda i: (0, 0)),
          pl.BlockSpec((d_hid, d_out), lambda i: (0, 0)),
      ],
      out_specs=pl.BlockSpec((bm, d_out), lambda i: (i, 0)),
      out_shape=jax.ShapeDtypeStruct((n_pad, d_out), jnp.float32),
  )


def _make_fin(n, n_pad, d_out, n_cls, bm):
  def body(a_ref, degp_ref, b2_ref, wc_ref, bc_ref, o_ref):
    dis = _dis_from_parts(degp_ref[...])
    z = a_ref[0] + a_ref[1]
    z = z * dis[:, None] + b2_ref[...]
    o_ref[...] = (
        jnp.dot(z, wc_ref[...], preferred_element_type=jnp.float32)
        + bc_ref[...])

  return pl.pallas_call(
      body,
      grid=(n_pad // bm,),
      in_specs=[
          pl.BlockSpec((NC, bm, d_out), lambda i: (0, i, 0)),
          pl.BlockSpec((NC * NS, bm), lambda i: (0, i)),
          pl.BlockSpec((1, d_out), lambda i: (0, 0)),
          pl.BlockSpec((d_out, n_cls), lambda i: (0, 0)),
          pl.BlockSpec((1, n_cls), lambda i: (0, 0)),
      ],
      out_specs=pl.BlockSpec((bm, n_cls), lambda i: (i, 0)),
      out_shape=jax.ShapeDtypeStruct((n, n_cls), jnp.float32),
  )


def kernel(x, edge_index, W1, b1, W2, b2, Wc, bc):
  n, d_in = x.shape
  d_hid = W1.shape[1]
  d_out = W2.shape[1]
  n_cls = Wc.shape[1]
  e = edge_index.shape[1]

  quantum = 2 * NS * KCH
  e_pad = ((e + quantum - 1) // quantum) * quantum
  pad = e_pad - e
  src = edge_index[0].astype(jnp.int32)
  dst = edge_index[1].astype(jnp.int32)
  bm = 1024
  n_pad = ((n + bm - 1) // bm) * bm
  src_p = jnp.concatenate([src, jnp.arange(pad, dtype=jnp.int32) % n])
  dst_p = jnp.concatenate(
      [dst, n + (jnp.arange(pad, dtype=jnp.int32) % (n_pad - n))])
  sd2 = jnp.stack([src_p.reshape(-1, KCH), dst_p.reshape(-1, KCH)], axis=1)
  degp = _make_deg(n_pad, e_pad)(dst_p)
  hs1 = _make_mm1(n, n_pad, d_in, d_hid, bm)(x, W1, degp)
  acc1 = _make_agg(n_pad, d_hid // NC, e_pad)(hs1, sd2)
  hs2 = _make_mm2(n_pad, d_hid, d_out, bm)(acc1, degp, b1.reshape(1, -1), W2)
  acc2 = _make_agg_es(n_pad, d_out, e_pad)(hs2, sd2)
  logits = _make_fin(n, n_pad, d_out, n_cls, bm)(
      acc2, degp, b2.reshape(1, -1), Wc, bc.reshape(1, -1))
  return logits

# --- scband reference (transcript-rebuilt; emitter-appended) ---
"""Pipeline reference for scband-gcn-18511309046055 (READ-ONLY COPY).

The authoritative reference and input builder live on the scoring server;
editing this copy changes nothing except your own understanding.
"""

import jax, jax.numpy as jnp
import numpy as np

N_NODES = 10000
N_EDGES = 160000
D_IN = 256
D_HID = 256
D_OUT = 64
N_CLASSES = 40


def setup_inputs(seed: int = 0) -> dict:
    key = jax.random.key(seed)
    ks = jax.random.split(key, 8)
    x = jax.random.normal(ks[0], (N_NODES, D_IN), dtype=jnp.float32)
    edge_index = jax.random.randint(ks[1], (2, N_EDGES), 0, N_NODES, dtype=jnp.int64)
    # GCNConv layer 1 params (glorot-like init)
    W1 = jax.random.normal(ks[2], (D_IN, D_HID), dtype=jnp.float32) * (1.0 / np.sqrt(D_IN))
    b1 = jnp.zeros((D_HID,), dtype=jnp.float32)
    # GCNConv layer 2 params
    W2 = jax.random.normal(ks[3], (D_HID, D_OUT), dtype=jnp.float32) * (1.0 / np.sqrt(D_HID))
    b2 = jnp.zeros((D_OUT,), dtype=jnp.float32)
    # classifier Linear params
    Wc = jax.random.normal(ks[4], (D_OUT, N_CLASSES), dtype=jnp.float32) * (1.0 / np.sqrt(D_OUT))
    bc = jnp.zeros((N_CLASSES,), dtype=jnp.float32)
    return {"x": x, "edge_index": edge_index, "W1": W1, "b1": b1, "W2": W2, "b2": b2, "Wc": Wc, "bc": bc}


def gcn_conv(x, src, dst, W, b, n_nodes):
    # PyG GCNConv with add_self_loops=True and symmetric normalization:
    # x' = D^{-1/2} (A + I) D^{-1/2} (x W) + b
    loop = jnp.arange(n_nodes, dtype=src.dtype)
    s = jnp.concatenate([src, loop])
    d = jnp.concatenate([dst, loop])
    deg = jnp.zeros((n_nodes,), dtype=x.dtype).at[d].add(1.0)
    deg_inv_sqrt = jnp.where(deg > 0, deg ** -0.5, 0.0)
    norm = deg_inv_sqrt[s] * deg_inv_sqrt[d]
    h = x @ W
    msg = h[s] * norm[:, None]
    out = jnp.zeros((n_nodes, W.shape[1]), dtype=x.dtype).at[d].add(msg)
    return out + b


def reference(x, edge_index, W1, b1, W2, b2, Wc, bc):
    src, dst = edge_index[0], edge_index[1]
    n = x.shape[0]
    # encode
    z = gcn_conv(x, src, dst, W1, b1, n)
    z = jax.nn.relu(z)
    # dropout p=0.5 is identity in eval mode
    z = gcn_conv(z, src, dst, W2, b2, n)
    # classify
    logits = z @ Wc + bc
    return logits

if __name__ == "__main__":
    import jax
    _d = setup_inputs()
    print(jax.jit(kernel)(*tuple(_d.values())))

</pallas_src>

<mosaic_0001>
#map = affine_map<(d0, d1) -> (0)>
#map1 = affine_map<(d0, d1) -> (0, 0)>
module attributes {stable_mosaic.version = 14 : i64} {
  func.func @deg_kernel(%arg0: i32, %arg1: i32, %arg2: memref<163840xi32, #tpu.memory_space<hbm>>, %arg3: memref<32x10240xf32, #tpu.memory_space<hbm>>, %arg4: memref<5120xi32, #tpu.memory_space<vmem>>, %arg5: memref<10240xf32, #tpu.memory_space<vmem>>) attributes {dimension_semantics = [#tpu.dimension_semantics<core_parallel>, #tpu.dimension_semantics<subcore_parallel>], iteration_bounds = array<i64: 2, 16>, scalar_prefetch = 0 : i64, scratch_operands = 2 : i64, tpu.core_type = #tpu.core_type<sc_vector_subcore>, window_params = [{transform_indices = #map}, {transform_indices = #map1}]} {
    %mul3A = arith.constant 16 : i32
    %mul3A_0 = arith.muli %arg0, %mul3A : i32
    %add3A = arith.addi %mul3A_0, %arg1 : i32
    %broadcast_in_dim3A = arith.constant 0.000000e+00 : f32
    %broadcast_in_dim3A_1 = vector.broadcast %broadcast_in_dim3A : f32 to vector<16xf32>
    %scan3A = arith.constant 0 : i32
    %scan3A_2 = arith.constant 0 : i32
    %scan3A_3 = arith.constant 640 : i32
    %scan3A_4 = arith.addi %scan3A_2, %scan3A_3 : i32
    %scan3A_5 = arith.constant 1 : i32
    scf.for %scan3A_17 = %scan3A_2 to %scan3A_4 step %scan3A_5  : i32 {
      %mul3A_18 = arith.constant 16 : i32
      %mul3A_19 = arith.muli %scan3A_17, %mul3A_18 : i32
      %swap3A = arith.index_cast %mul3A_19 : i32 to index
      %swap3A_20 = tpu.vector_load %arg5[%swap3A] {strides = array<i32>} : memref<10240xf32, #tpu.memory_space<vmem>>, vector<16xf32>,
      tpu.vector_store %arg5[%swap3A], %broadcast_in_dim3A_1 {strides = array<i32>} : memref<10240xf32, #tpu.memory_space<vmem>>, vector<16xf32>,
    }
    %scan3A_6 = arith.constant 640 : i32
    %mul3A_7 = arith.constant 5120 : i32
    %mul3A_8 = arith.muli %add3A, %mul3A_7 : i32
    "tpu.region"() ({
      %run_scoped3A = tpu.sem_alloc : memref<!tpu.dma_semaphore, #tpu.memory_space<semaphore_mem>>
      %dma_start3A = tpu.memref_slice %arg2[%mul3A_8] : memref<163840xi32, #tpu.memory_space<hbm>> -> memref<5120xi32, #tpu.memory_space<hbm>>
      %dma_start3A_17 = tpu.memref_slice %arg2[%mul3A_8] : memref<163840xi32, #tpu.memory_space<hbm>> -> memref<5120xi32, #tpu.memory_space<hbm>>
      tpu.enqueue_dma source(%dma_start3A_17 : memref<5120xi32, #tpu.memory_space<hbm>>) target(%arg4 : memref<5120xi32, #tpu.memory_space<vmem>>) target_semaphore(%run_scoped3A : memref<!tpu.dma_semaphore, #tpu.memory_space<semaphore_mem>>)
      %dma_wait3A = tpu.memref_slice %arg2[%mul3A_8] : memref<163840xi32, #tpu.memory_space<hbm>> -> memref<5120xi32, #tpu.memory_space<hbm>>
      %dma_wait3A_18 = tpu.memref_slice %arg2[%mul3A_8] : memref<163840xi32, #tpu.memory_space<hbm>> -> memref<5120xi32, #tpu.memory_space<hbm>>
      tpu.wait_dma2 semaphore(%run_scoped3A : memref<!tpu.dma_semaphore, #tpu.memory_space<semaphore_mem>>) src(%dma_wait3A_18 : memref<5120xi32, #tpu.memory_space<hbm>>) dst(%arg4 : memref<5120xi32, #tpu.memory_space<vmem>>)
      tpu.yield
    }) : () -> ()
    %broadcast_in_dim3A_9 = arith.constant 1.000000e+00 : f32
    %broadcast_in_dim3A_10 = vector.broadcast %broadcast_in_dim3A_9 : f32 to vector<16xf32>
    %scan3A_11 = arith.constant 0 : i32
    %scan3A_12 = arith.constant 0 : i32
    %scan3A_13 = arith.constant 320 : i32
    %scan3A_14 = arith.addi %scan3A_12, %scan3A_13 : i32
    %scan3A_15 = arith.constant 1 : i32
    scf.for %scan3A_17 = %scan3A_12 to %scan3A_14 step %scan3A_15  : i32 {
      %mul3A_18 = arith.constant 16 : i32
      %mul3A_19 = arith.muli %scan3A_17, %mul3A_18 : i32
      %get3A = arith.index_cast %mul3A_19 : i32 to index
      %get3A_20 = tpu.vector_load %arg4[%get3A] {strides = array<i32>} : memref<5120xi32, #tpu.memory_space<vmem>>, vector<16xi32>,
      tpu.vector_store_idx %arg5[%get3A_20], %broadcast_in_dim3A_10 {add = true} : memref<10240xf32, #tpu.memory_space<vmem>>[vector<16xi32>], vector<16xf32>,
    }
    %scan3A_16 = arith.constant 320 : i32
    "tpu.region"() ({
      %run_scoped3A = tpu.sem_alloc : memref<!tpu.dma_semaphore, #tpu.memory_space<semaphore_mem>>
      %dma_start3A = arith.constant 0 : i32
      %dma_start3A_17 = tpu.memref_slice %arg3[%add3A, %dma_start3A] : memref<32x10240xf32, #tpu.memory_space<hbm>> -> memref<1x10240xf32, #tpu.memory_space<hbm>>
      %dma_start3A_18 = tpu.memref_squeeze %dma_start3A_17 : memref<1x10240xf32, #tpu.memory_space<hbm>> -> memref<10240xf32, #tpu.memory_space<hbm>>
      %dma_start3A_19 = arith.constant 0 : i32
      %dma_start3A_20 = tpu.memref_slice %arg3[%add3A, %dma_start3A_19] : memref<32x10240xf32, #tpu.memory_space<hbm>> -> memref<1x10240xf32, #tpu.memory_space<hbm>>
      %dma_start3A_21 = tpu.memref_squeeze %dma_start3A_20 : memref<1x10240xf32, #tpu.memory_space<hbm>> -> memref<10240xf32, #tpu.memory_space<hbm>>
      tpu.enqueue_dma source(%arg5 : memref<10240xf32, #tpu.memory_space<vmem>>) target(%dma_start3A_21 : memref<10240xf32, #tpu.memory_space<hbm>>) target_semaphore(%run_scoped3A : memref<!tpu.dma_semaphore, #tpu.memory_space<semaphore_mem>>)
      %dma_wait3A = arith.constant 0 : i32
      %dma_wait3A_22 = tpu.memref_slice %arg3[%add3A, %dma_wait3A] : memref<32x10240xf32, #tpu.memory_space<hbm>> -> memref<1x10240xf32, #tpu.memory_space<hbm>>
      %dma_wait3A_23 = tpu.memref_squeeze %dma_wait3A_22 : memref<1x10240xf32, #tpu.memory_space<hbm>> -> memref<10240xf32, #tpu.memory_space<hbm>>
      %dma_wait3A_24 = arith.constant 0 : i32
      %dma_wait3A_25 = tpu.memref_slice %arg3[%add3A, %dma_wait3A_24] : memref<32x10240xf32, #tpu.memory_space<hbm>> -> memref<1x10240xf32, #tpu.memory_space<hbm>>
      %dma_wait3A_26 = tpu.memref_squeeze %dma_wait3A_25 : memref<1x10240xf32, #tpu.memory_space<hbm>> -> memref<10240xf32, #tpu.memory_space<hbm>>
      tpu.wait_dma2 semaphore(%run_scoped3A : memref<!tpu.dma_semaphore, #tpu.memory_space<semaphore_mem>>) src(%arg5 : memref<10240xf32, #tpu.memory_space<vmem>>) dst(%dma_wait3A_26 : memref<10240xf32, #tpu.memory_space<hbm>>)
      tpu.yield
    }) : () -> ()
    return
  }
}

#map = affine_map<(d0, d1) -> (0, 0, 0)>
module attributes {stable_mosaic.version = 14 : i64} {
  func.func @agg_kernel(%arg0: i32, %arg1: i32, %arg2: memref<2x10240x128xbf16, #tpu.memory_space<hbm>>, %arg3: memref<1280x2x128xi32, #tpu.memory_space<hbm>>, %arg4: memref<2x10240x128xbf16, #tpu.memory_space<hbm>>, %arg5: memref<10240x128xbf16, #tpu.memory_space<vmem_shared>>, %arg6: memref<40x2x128xi32, #tpu.memory_space<vmem>>, %arg7: memref<128x128xbf16, #tpu.memory_space<vmem>>, %arg8: memref<128x128xbf16, #tpu.memory_space<vmem>>, %arg9: memref<128x128xbf16, #tpu.memory_space<vmem>>, %arg10: memref<128x128xbf16, #tpu.memory_space<vmem>>, %arg11: memref<!tpu.dma_semaphore, #tpu.memory_space<semaphore_mem>>, %arg12: memref<!tpu.dma_semaphore, #tpu.memory_space<semaphore_mem>>, %arg13: memref<!tpu.dma_semaphore, #tpu.memory_space<semaphore_mem>>, %arg14: memref<!tpu.dma_semaphore, #tpu.memory_space<semaphore_mem>>, %arg15: memref<!tpu.dma_semaphore, #tpu.memory_space<semaphore_mem>>, %arg16: memref<!tpu.dma_semaphore, #tpu.memory_space<semaphore_mem>>, %arg17: memref<!tpu.dma_semaphore, #tpu.memory_space<semaphore_mem>>, %arg18: memref<!tpu.dma_semaphore, #tpu.memory_space<semaphore_mem>>) attributes {dimension_semantics = [#tpu.dimension_semantics<core_parallel>, #tpu.dimension_semantics<subcore_parallel>], iteration_bounds = array<i64: 2, 16>, scalar_prefetch = 0 : i64, scratch_operands = 14 : i64, tpu.core_type = #tpu.core_type<sc_vector_subcore>, window_params = [{transform_indices = #map}, {transform_indices = #map}, {transform_indices = #map}]} {
    %mul3A = arith.constant 640 : i32
    %mul3A_0 = arith.muli %arg1, %mul3A : i32
    "tpu.region"() ({
      %run_scoped3A = tpu.sem_alloc : memref<!tpu.dma_semaphore, #tpu.memory_space<semaphore_mem>>
      %dma_start3A_178 = arith.constant 0 : i32
      %dma_start3A_179 = tpu.memref_slice %arg5[%mul3A_0, %dma_start3A_178] : memref<10240x128xbf16, #tpu.memory_space<vmem_shared>> -> memref<640x128xbf16, #tpu.memory_space<vmem_shared>>
      %dma_start3A_180 = arith.constant 0 : i32
      %dma_start3A_181 = arith.constant 0 : i32
      %dma_start3A_182 = tpu.memref_slice %arg2[%arg0, %dma_start3A_180, %dma_start3A_181] : memref<2x10240x128xbf16, #tpu.memory_space<hbm>> -> memref<1x10240x128xbf16, #tpu.memory_space<hbm>>
      %dma_start3A_183 = tpu.memref_squeeze %dma_start3A_182 : memref<1x10240x128xbf16, #tpu.memory_space<hbm>> -> memref<10240x128xbf16, #tpu.memory_space<hbm>>
      %dma_start3A_184 = arith.constant 0 : i32
      %dma_start3A_185 = tpu.memref_slice %dma_start3A_183[%mul3A_0, %dma_start3A_184] : memref<10240x128xbf16, #tpu.memory_space<hbm>> -> memref<640x128xbf16, #tpu.memory_space<hbm>>
      tpu.enqueue_dma source(%dma_start3A_185 : memref<640x128xbf16, #tpu.memory_space<hbm>>) target(%dma_start3A_179 : memref<640x128xbf16, #tpu.memory_space<vmem_shared>>) target_semaphore(%run_scoped3A : memref<!tpu.dma_semaphore, #tpu.memory_space<semaphore_mem>>)
      %dma_wait3A_186 = arith.constant 0 : i32
      %dma_wait3A_187 = tpu.memref_slice %arg5[%mul3A_0, %dma_wait3A_186] : memref<10240x128xbf16, #tpu.memory_space<vmem_shared>> -> memref<640x128xbf16, #tpu.memory_space<vmem_shared>>
      %dma_wait3A_188 = arith.constant 0 : i32
      %dma_wait3A_189 = arith.constant 0 : i32
      %dma_wait3A_190 = tpu.memref_slice %arg2[%arg0, %dma_wait3A_188, %dma_wait3A_189] : memref<2x10240x128xbf16, #tpu.memory_space<hbm>> -> memref<1x10240x128xbf16, #tpu.memory_space<hbm>>
      %dma_wait3A_191 = tpu.memref_squeeze %dma_wait3A_190 : memref<1x10240x128xbf16, #tpu.memory_space<hbm>> -> memref<10240x128xbf16, #tpu.memory_space<hbm>>
      %dma_wait3A_192 = arith.constant 0 : i32
      %dma_wait3A_193 = tpu.memref_slice %dma_wait3A_191[%mul3A_0, %dma_wait3A_192] : memref<10240x128xbf16, #tpu.memory_space<hbm>> -> memref<640x128xbf16, #tpu.memory_space<hbm>>
      tpu.wait_dma2 semaphore(%run_scoped3A : memref<!tpu.dma_semaphore, #tpu.memory_space<semaphore_mem>>) src(%dma_wait3A_193 : memref<640x128xbf16, #tpu.memory_space<hbm>>) dst(%dma_wait3A_187 : memref<640x128xbf16, #tpu.memory_space<vmem_shared>>)
      tpu.yield
    }) : () -> ()
    %barrier3A = arith.constant 0 : index
    tpu.barrier barrier_id(%barrier3A)
    %mul3A_1 = arith.constant 80 : i32
    %mul3A_2 = arith.muli %arg1, %mul3A_1 : i32
    %add3A = arith.constant 0 : i32
    %add3A_3 = arith.addi %mul3A_2, %add3A : i32
    "tpu.region"() ({
      %run_scoped3A = tpu.sem_alloc : memref<!tpu.dma_semaphore, #tpu.memory_space<semaphore_mem>>
      %dma_start3A_178 = arith.constant 0 : i32
      %dma_start3A_179 = arith.constant 0 : i32
      %dma_start3A_180 = tpu.memref_slice %arg3[%add3A_3, %dma_start3A_178, %dma_start3A_179] : memref<1280x2x128xi32, #tpu.memory_space<hbm>> -> memref<40x2x128xi32, #tpu.memory_space<hbm>>
      %dma_start3A_181 = arith.constant 0 : i32
      %dma_start3A_182 = arith.constant 0 : i32
      %dma_start3A_183 = tpu.memref_slice %arg3[%add3A_3, %dma_start3A_181, %dma_start3A_182] : memref<1280x2x128xi32, #tpu.memory_space<hbm>> -> memref<40x2x128xi32, #tpu.memory_space<hbm>>
      tpu.enqueue_dma source(%dma_start3A_183 : memref<40x2x128xi32, #tpu.memory_space<hbm>>) target(%arg6 : memref<40x2x128xi32, #tpu.memory_space<vmem>>) target_semaphore(%run_scoped3A : memref<!tpu.dma_semaphore, #tpu.memory_space<semaphore_mem>>)
      %dma_wait3A_184 = arith.constant 0 : i32
      %dma_wait3A_185 = arith.constant 0 : i32
      %dma_wait3A_186 = tpu.memref_slice %arg3[%add3A_3, %dma_wait3A_184, %dma_wait3A_185] : memref<1280x2x128xi32, #tpu.memory_space<hbm>> -> memref<40x2x128xi32, #tpu.memory_space<hbm>>
      %dma_wait3A_187 = arith.constant 0 : i32
      %dma_wait3A_188 = arith.constant 0 : i32
      %dma_wait3A_189 = tpu.memref_slice %arg3[%add3A_3, %dma_wait3A_187, %dma_wait3A_188] : memref<1280x2x128xi32, #tpu.memory_space<hbm>> -> memref<40x2x128xi32, #tpu.memory_space<hbm>>
      tpu.wait_dma2 semaphore(%run_scoped3A : memref<!tpu.dma_semaphore, #tpu.memory_space<semaphore_mem>>) src(%dma_wait3A_189 : memref<40x2x128xi32, #tpu.memory_space<hbm>>) dst(%arg6 : memref<40x2x128xi32, #tpu.memory_space<vmem>>)
      tpu.yield
    }) : () -> ()
    %dma_start3A = arith.constant 0 : i32
    %dma_start3A_4 = arith.constant 0 : i32
    %dma_start3A_5 = arith.constant 0 : i32
    %dma_start3A_6 = tpu.memref_slice %arg6[%dma_start3A, %dma_start3A_4, %dma_start3A_5] : memref<40x2x128xi32, #tpu.memory_space<vmem>> -> memref<1x1x128xi32, #tpu.memory_space<vmem>>
    %dma_start3A_7 = tpu.memref_squeeze %dma_start3A_6 : memref<1x1x128xi32, #tpu.memory_space<vmem>> -> memref<128xi32, #tpu.memory_space<vmem>>
    %dma_start3A_8 = arith.constant 0 : i32
    %dma_start3A_9 = arith.constant 0 : i32
    %dma_start3A_10 = tpu.memref_slice %arg2[%arg0, %dma_start3A_8, %dma_start3A_9] : memref<2x10240x128xbf16, #tpu.memory_space<hbm>> -> memref<1x10240x128xbf16, #tpu.memory_space<hbm>>
    %dma_start3A_11 = tpu.memref_squeeze %dma_start3A_10 : memref<1x10240x128xbf16, #tpu.memory_space<hbm>> -> memref<10240x128xbf16, #tpu.memory_space<hbm>>
    %dma_start3A_12 = arith.constant 0 : i32
    %dma_start3A_13 = arith.constant 0 : i32
    %dma_start3A_14 = tpu.memref_slice %dma_start3A_11[%dma_start3A_12, %dma_start3A_13] : memref<10240x128xbf16, #tpu.memory_space<hbm>> -> memref<10240x128xbf16, #tpu.memory_space<hbm>>
    tpu.enqueue_indirect_dma source(%dma_start3A_14 : memref<10240x128xbf16, #tpu.memory_space<hbm>>) target(%arg7 : memref<128x128xbf16, #tpu.memory_space<vmem>>) offsets(%dma_start3A_7 : memref<128xi32, #tpu.memory_space<vmem>>) semaphore(%arg11 : memref<!tpu.dma_semaphore, #tpu.memory_space<semaphore_mem>>)
    %dma_start3A_15 = arith.constant 1 : i32
    %dma_start3A_16 = arith.constant 0 : i32
    %dma_start3A_17 = arith.constant 0 : i32
    %dma_start3A_18 = tpu.memref_slice %arg6[%dma_start3A_15, %dma_start3A_16, %dma_start3A_17] : memref<40x2x128xi32, #tpu.memory_space<vmem>> -> memref<1x1x128xi32, #tpu.memory_space<vmem>>
    %dma_start3A_19 = tpu.memref_squeeze %dma_start3A_18 : memref<1x1x128xi32, #tpu.memory_space<vmem>> -> memref<128xi32, #tpu.memory_space<vmem>>
    %dma_start3A_20 = arith.constant 0 : i32
    %dma_start3A_21 = arith.constant 0 : i32
    %dma_start3A_22 = tpu.memref_slice %arg2[%arg0, %dma_start3A_20, %dma_start3A_21] : memref<2x10240x128xbf16, #tpu.memory_space<hbm>> -> memref<1x10240x128xbf16, #tpu.memory_space<hbm>>
    %dma_start3A_23 = tpu.memref_squeeze %dma_start3A_22 : memref<1x10240x128xbf16, #tpu.memory_space<hbm>> -> memref<10240x128xbf16, #tpu.memory_space<hbm>>
    %dma_start3A_24 = arith.constant 0 : i32
    %dma_start3A_25 = arith.constant 0 : i32
    %dma_start3A_26 = tpu.memref_slice %dma_start3A_23[%dma_start3A_24, %dma_start3A_25] : memref<10240x128xbf16, #tpu.memory_space<hbm>> -> memref<10240x128xbf16, #tpu.memory_space<hbm>>
    tpu.enqueue_indirect_dma source(%dma_start3A_26 : memref<10240x128xbf16, #tpu.memory_space<hbm>>) target(%arg8 : memref<128x128xbf16, #tpu.memory_space<vmem>>) offsets(%dma_start3A_19 : memref<128xi32, #tpu.memory_space<vmem>>) semaphore(%arg12 : memref<!tpu.dma_semaphore, #tpu.memory_space<semaphore_mem>>)
    %dma_start3A_27 = arith.constant 2 : i32
    %dma_start3A_28 = arith.constant 0 : i32
    %dma_start3A_29 = arith.constant 0 : i32
    %dma_start3A_30 = tpu.memref_slice %arg6[%dma_start3A_27, %dma_start3A_28, %dma_start3A_29] : memref<40x2x128xi32, #tpu.memory_space<vmem>> -> memref<1x1x128xi32, #tpu.memory_space<vmem>>
    %dma_start3A_31 = tpu.memref_squeeze %dma_start3A_30 : memref<1x1x128xi32, #tpu.memory_space<vmem>> -> memref<128xi32, #tpu.memory_space<vmem>>
    %dma_start3A_32 = arith.constant 0 : i32
    %dma_start3A_33 = arith.constant 0 : i32
    %dma_start3A_34 = tpu.memref_slice %arg2[%arg0, %dma_start3A_32, %dma_start3A_33] : memref<2x10240x128xbf16, #tpu.memory_space<hbm>> -> memref<1x10240x128xbf16, #tpu.memory_space<hbm>>
    %dma_start3A_35 = tpu.memref_squeeze %dma_start3A_34 : memref<1x10240x128xbf16, #tpu.memory_space<hbm>> -> memref<10240x128xbf16, #tpu.memory_space<hbm>>
    %dma_start3A_36 = arith.constant 0 : i32
    %dma_start3A_37 = arith.constant 0 : i32
    %dma_start3A_38 = tpu.memref_slice %dma_start3A_35[%dma_start3A_36, %dma_start3A_37] : memref<10240x128xbf16, #tpu.memory_space<hbm>> -> memref<10240x128xbf16, #tpu.memory_space<hbm>>
    tpu.enqueue_indirect_dma source(%dma_start3A_38 : memref<10240x128xbf16, #tpu.memory_space<hbm>>) target(%arg9 : memref<128x128xbf16, #tpu.memory_space<vmem>>) offsets(%dma_start3A_31 : memref<128xi32, #tpu.memory_space<vmem>>) semaphore(%arg13 : memref<!tpu.dma_semaphore, #tpu.memory_space<semaphore_mem>>)
    %dma_start3A_39 = arith.constant 3 : i32
    %dma_start3A_40 = arith.constant 0 : i32
    %dma_start3A_41 = arith.constant 0 : i32
    %dma_start3A_42 = tpu.memref_slice %arg6[%dma_start3A_39, %dma_start3A_40, %dma_start3A_41] : memref<40x2x128xi32, #tpu.memory_space<vmem>> -> memref<1x1x128xi32, #tpu.memory_space<vmem>>
    %dma_start3A_43 = tpu.memref_squeeze %dma_start3A_42 : memref<1x1x128xi32, #tpu.memory_space<vmem>> -> memref<128xi32, #tpu.memory_space<vmem>>
    %dma_start3A_44 = arith.constant 0 : i32
    %dma_start3A_45 = arith.constant 0 : i32
    %dma_start3A_46 = tpu.memref_slice %arg2[%arg0, %dma_start3A_44, %dma_start3A_45] : memref<2x10240x128xbf16, #tpu.memory_space<hbm>> -> memref<1x10240x128xbf16, #tpu.memory_space<hbm>>
    %dma_start3A_47 = tpu.memref_squeeze %dma_start3A_46 : memref<1x10240x128xbf16, #tpu.memory_space<hbm>> -> memref<10240x128xbf16, #tpu.memory_space<hbm>>
    %dma_start3A_48 = arith.constant 0 : i32
    %dma_start3A_49 = arith.constant 0 : i32
    %dma_start3A_50 = tpu.memref_slice %dma_start3A_47[%dma_start3A_48, %dma_start3A_49] : memref<10240x128xbf16, #tpu.memory_space<hbm>> -> memref<10240x128xbf16, #tpu.memory_space<hbm>>
    tpu.enqueue_indirect_dma source(%dma_start3A_50 : memref<10240x128xbf16, #tpu.memory_space<hbm>>) target(%arg10 : memref<128x128xbf16, #tpu.memory_space<vmem>>) offsets(%dma_start3A_43 : memref<128xi32, #tpu.memory_space<vmem>>) semaphore(%arg14 : memref<!tpu.dma_semaphore, #tpu.memory_space<semaphore_mem>>)
    %scan3A = arith.constant 0 : i32
    %scan3A_51 = arith.constant 0 : i32
    %scan3A_52 = arith.constant 10 : i32
    %scan3A_53 = arith.addi %scan3A_51, %scan3A_52 : i32
    %scan3A_54 = arith.constant 1 : i32
    scf.for %scan3A_178 = %scan3A_51 to %scan3A_53 step %scan3A_54  : i32 {
      %mul3A_179 = arith.constant 4 : i32
      %mul3A_180 = arith.muli %scan3A_178, %mul3A_179 : i32
      %add3A_181 = arith.constant 0 : i32
      %add3A_182 = arith.addi %mul3A_180, %add3A_181 : i32
      %dma_wait3A_183 = arith.constant 0 : i32
      %dma_wait3A_184 = arith.constant 0 : i32
      %dma_wait3A_185 = tpu.memref_slice %arg6[%add3A_182, %dma_wait3A_183, %dma_wait3A_184] : memref<40x2x128xi32, #tpu.memory_space<vmem>> -> memref<1x1x128xi32, #tpu.memory_space<vmem>>
      %dma_wait3A_186 = tpu.memref_squeeze %dma_wait3A_185 : memref<1x1x128xi32, #tpu.memory_space<vmem>> -> memref<128xi32, #tpu.memory_space<vmem>>
      %dma_wait3A_187 = arith.constant 0 : i32
      %dma_wait3A_188 = arith.constant 0 : i32
      %dma_wait3A_189 = tpu.memref_slice %arg2[%arg0, %dma_wait3A_187, %dma_wait3A_188] : memref<2x10240x128xbf16, #tpu.memory_space<hbm>> -> memref<1x10240x128xbf16, #tpu.memory_space<hbm>>
      %dma_wait3A_190 = tpu.memref_squeeze %dma_wait3A_189 : memref<1x10240x128xbf16, #tpu.memory_space<hbm>> -> memref<10240x128xbf16, #tpu.memory_space<hbm>>
      %dma_wait3A_191 = arith.constant 0 : i32
      %dma_wait3A_192 = arith.constant 0 : i32
      %dma_wait3A_193 = tpu.memref_slice %dma_wait3A_190[%dma_wait3A_191, %dma_wait3A_192] : memref<10240x128xbf16, #tpu.memory_space<hbm>> -> memref<10240x128xbf16, #tpu.memory_space<hbm>>
      tpu.wait_indirect_dma semaphore(%arg11 : memref<!tpu.dma_semaphore, #tpu.memory_space<semaphore_mem>>) src(%dma_wait3A_193 : memref<10240x128xbf16, #tpu.memory_space<hbm>>) dst(%arg7 : memref<128x128xbf16, #tpu.memory_space<vmem>>)
      %dma_start3A_194 = arith.constant 1 : i32
      %dma_start3A_195 = arith.constant 0 : i32
      %dma_start3A_196 = tpu.memref_slice %arg6[%add3A_182, %dma_start3A_194, %dma_start3A_195] : memref<40x2x128xi32, #tpu.memory_space<vmem>> -> memref<1x1x128xi32, #tpu.memory_space<vmem>>
      %dma_start3A_197 = tpu.memref_squeeze %dma_start3A_196 : memref<1x1x128xi32, #tpu.memory_space<vmem>> -> memref<128xi32, #tpu.memory_space<vmem>>
      %dma_start3A_198 = arith.constant 0 : i32
      %dma_start3A_199 = arith.constant 0 : i32
      %dma_start3A_200 = tpu.memref_slice %arg5[%dma_start3A_198, %dma_start3A_199] : memref<10240x128xbf16, #tpu.memory_space<vmem_shared>> -> memref<10240x128xbf16, #tpu.memory_space<vmem_shared>>
      tpu.enqueue_indirect_dma source(%arg7 : memref<128x128xbf16, #tpu.memory_space<vmem>>) target(%dma_start3A_200 : memref<10240x128xbf16, #tpu.memory_space<vmem_shared>>) offsets(%dma_start3A_197 : memref<128xi32, #tpu.memory_space<vmem>>) semaphore(%arg15 : memref<!tpu.dma_semaphore, #tpu.memory_space<semaphore_mem>>) {add = true}
      %add3A_201 = arith.constant 4 : i32
      %add3A_202 = arith.addi %add3A_182, %add3A_201 : i32
      %lt3A = arith.constant 40 : i32
      %lt3A_203 = arith.cmpi slt, %add3A_202, %lt3A : i32
      %convert_element_type3A = arith.extui %lt3A_203 : i1 to i32
      %cond3A = arith.constant 0 : i32
      %cond3A_204 = arith.cmpi ne, %convert_element_type3A, %cond3A : i32
      scf.if %cond3A_204 {
        %dma_wait3A_292 = arith.constant 1 : i32
        %dma_wait3A_293 = arith.constant 0 : i32
        %dma_wait3A_294 = tpu.memref_slice %arg6[%add3A_182, %dma_wait3A_292, %dma_wait3A_293] : memref<40x2x128xi32, #tpu.memory_space<vmem>> -> memref<1x1x128xi32, #tpu.memory_space<vmem>>
        %dma_wait3A_295 = tpu.memref_squeeze %dma_wait3A_294 : memref<1x1x128xi32, #tpu.memory_space<vmem>> -> memref<128xi32, #tpu.memory_space<vmem>>
        %dma_wait3A_296 = arith.constant 0 : i32
        %dma_wait3A_297 = arith.constant 0 : i32
        %dma_wait3A_298 = tpu.memref_slice %arg5[%dma_wait3A_296, %dma_wait3A_297] : memref<10240x128xbf16, #tpu.memory_space<vmem_shared>> -> memref<10240x128xbf16, #tpu.memory_space<vmem_shared>>
        tpu.wait_indirect_dma semaphore(%arg15 : memref<!tpu.dma_semaphore, #tpu.memory_space<semaphore_mem>>) src(%arg7 : memref<128x128xbf16, #tpu.memory_space<vmem>>) dst(%dma_wait3A_298 : memref<10240x128xbf16, #tpu.memory_space<vmem_shared>>)
        %add3A_299 = arith.constant 4 : i32
        %add3A_300 = arith.addi %add3A_182, %add3A_299 : i32
        %dma_start3A_301 = arith.constant 0 : i32
        %dma_start3A_302 = arith.constant 0 : i32
        %dma_start3A_303 = tpu.memref_slice %arg6[%add3A_300, %dma_start3A_301, %dma_start3A_302] : memref<40x2x128xi32, #tpu.memory_space<vmem>> -> memref<1x1x128xi32, #tpu.memory_space<vmem>>
        %dma_start3A_304 = tpu.memref_squeeze %dma_start3A_303 : memref<1x1x128xi32, #tpu.memory_space<vmem>> -> memref<128xi32, #tpu.memory_space<vmem>>
        %dma_start3A_305 = arith.constant 0 : i32
        %dma_start3A_306 = arith.constant 0 : i32
        %dma_start3A_307 = tpu.memref_slice %arg2[%arg0, %dma_start3A_305, %dma_start3A_306] : memref<2x10240x128xbf16, #tpu.memory_space<hbm>> -> memref<1x10240x128xbf16, #tpu.memory_space<hbm>>
        %dma_start3A_308 = tpu.memref_squeeze %dma_start3A_307 : memref<1x10240x128xbf16, #tpu.memory_space<hbm>> -> memref<10240x128xbf16, #tpu.memory_space<hbm>>
        %dma_start3A_309 = arith.constant 0 : i32
        %dma_start3A_310 = arith.constant 0 : i32
        %dma_start3A_311 = tpu.memref_slice %dma_start3A_308[%dma_start3A_309, %dma_start3A_310] : memref<10240x128xbf16, #tpu.memory_space<hbm>> -> memref<10240x128xbf16, #tpu.memory_space<hbm>>
        tpu.enqueue_indirect_dma source(%dma_start3A_311 : memref<10240x128xbf16, #tpu.memory_space<hbm>>) target(%arg7 : memref<128x128xbf16, #tpu.memory_space<vmem>>) offsets(%dma_start3A_304 : memref<128xi32, #tpu.memory_space<vmem>>) semaphore(%arg11 : memref<!tpu.dma_semaphore, #tpu.memory_space<semaphore_mem>>)
      } else {
      }
      %mul3A_205 = arith.constant 4 : i32
      %mul3A_206 = arith.muli %scan3A_178, %mul3A_205 : i32
      %add3A_207 = arith.constant 1 : i32
      %add3A_208 = arith.addi %mul3A_206, %add3A_207 : i32
      %dma_wait3A_209 = arith.constant 0 : i32
      %dma_wait3A_210 = arith.constant 0 : i32
      %dma_wait3A_211 = tpu.memref_slice %arg6[%add3A_208, %dma_wait3A_209, %dma_wait3A_210] : memref<40x2x128xi32, #tpu.memory_space<vmem>> -> memref<1x1x128xi32, #tpu.memory_space<vmem>>
      %dma_wait3A_212 = tpu.memref_squeeze %dma_wait3A_211 : memref<1x1x128xi32, #tpu.memory_space<vmem>> -> memref<128xi32, #tpu.memory_space<vmem>>
      %dma_wait3A_213 = arith.constant 0 : i32
      %dma_wait3A_214 = arith.constant 0 : i32
      %dma_wait3A_215 = tpu.memref_slice %arg2[%arg0, %dma_wait3A_213, %dma_wait3A_214] : memref<2x10240x128xbf16, #tpu.memory_space<hbm>> -> memref<1x10240x128xbf16, #tpu.memory_space<hbm>>
      %dma_wait3A_216 = tpu.memref_squeeze %dma_wait3A_215 : memref<1x10240x128xbf16, #tpu.memory_space<hbm>> -> memref<10240x128xbf16, #tpu.memory_space<hbm>>
      %dma_wait3A_217 = arith.constant 0 : i32
      %dma_wait3A_218 = arith.constant 0 : i32
      %dma_wait3A_219 = tpu.memref_slice %dma_wait3A_216[%dma_wait3A_217, %dma_wait3A_218] : memref<10240x128xbf16, #tpu.memory_space<hbm>> -> memref<10240x128xbf16, #tpu.memory_space<hbm>>
      tpu.wait_indirect_dma semaphore(%arg12 : memref<!tpu.dma_semaphore, #tpu.memory_space<semaphore_mem>>) src(%dma_wait3A_219 : memref<10240x128xbf16, #tpu.memory_space<hbm>>) dst(%arg8 : memref<128x128xbf16, #tpu.memory_space<vmem>>)
      %dma_start3A_220 = arith.constant 1 : i32
      %dma_start3A_221 = arith.constant 0 : i32
      %dma_start3A_222 = tpu.memref_slice %arg6[%add3A_208, %dma_start3A_220, %dma_start3A_221] : memref<40x2x128xi32, #tpu.memory_space<vmem>> -> memref<1x1x128xi32, #tpu.memory_space<vmem>>
      %dma_start3A_223 = tpu.memref_squeeze %dma_start3A_222 : memref<1x1x128xi32, #tpu.memory_space<vmem>> -> memref<128xi32, #tpu.memory_space<vmem>>
      %dma_start3A_224 = arith.constant 0 : i32
      %dma_start3A_225 = arith.constant 0 : i32
      %dma_start3A_226 = tpu.memref_slice %arg5[%dma_start3A_224, %dma_start3A_225] : memref<10240x128xbf16, #tpu.memory_space<vmem_shared>> -> memref<10240x128xbf16, #tpu.memory_space<vmem_shared>>
      tpu.enqueue_indirect_dma source(%arg8 : memref<128x128xbf16, #tpu.memory_space<vmem>>) target(%dma_start3A_226 : memref<10240x128xbf16, #tpu.memory_space<vmem_shared>>) offsets(%dma_start3A_223 : memref<128xi32, #tpu.memory_space<vmem>>) semaphore(%arg16 : memref<!tpu.dma_semaphore, #tpu.memory_space<semaphore_mem>>) {add = true}
      %add3A_227 = arith.constant 4 : i32
      %add3A_228 = arith.addi %add3A_208, %add3A_227 : i32
      %lt3A_229 = arith.constant 40 : i32
      %lt3A_230 = arith.cmpi slt, %add3A_228, %lt3A_229 : i32
      %convert_element_type3A_231 = arith.extui %lt3A_230 : i1 to i32
      %cond3A_232 = arith.constant 0 : i32
      %cond3A_233 = arith.cmpi ne, %convert_element_type3A_231, %cond3A_232 : i32
      scf.if %cond3A_233 {
        %dma_wait3A_292 = arith.constant 1 : i32
        %dma_wait3A_293 = arith.constant 0 : i32
        %dma_wait3A_294 = tpu.memref_slice %arg6[%add3A_208, %dma_wait3A_292, %dma_wait3A_293] : memref<40x2x128xi32, #tpu.memory_space<vmem>> -> memref<1x1x128xi32, #tpu.memory_space<vmem>>
        %dma_wait3A_295 = tpu.memref_squeeze %dma_wait3A_294 : memref<1x1x128xi32, #tpu.memory_space<vmem>> -> memref<128xi32, #tpu.memory_space<vmem>>
        %dma_wait3A_296 = arith.constant 0 : i32
        %dma_wait3A_297 = arith.constant 0 : i32
        %dma_wait3A_298 = tpu.memref_slice %arg5[%dma_wait3A_296, %dma_wait3A_297] : memref<10240x128xbf16, #tpu.memory_space<vmem_shared>> -> memref<10240x128xbf16, #tpu.memory_space<vmem_shared>>
        tpu.wait_indirect_dma semaphore(%arg16 : memref<!tpu.dma_semaphore, #tpu.memory_space<semaphore_mem>>) src(%arg8 : memref<128x128xbf16, #tpu.memory_space<vmem>>) dst(%dma_wait3A_298 : memref<10240x128xbf16, #tpu.memory_space<vmem_shared>>)
        %add3A_299 = arith.constant 4 : i32
        %add3A_300 = arith.addi %add3A_208, %add3A_299 : i32
        %dma_start3A_301 = arith.constant 0 : i32
        %dma_start3A_302 = arith.constant 0 : i32
        %dma_start3A_303 = tpu.memref_slice %arg6[%add3A_300, %dma_start3A_301, %dma_start3A_302] : memref<40x2x128xi32, #tpu.memory_space<vmem>> -> memref<1x1x128xi32, #tpu.memory_space<vmem>>
        %dma_start3A_304 = tpu.memref_squeeze %dma_start3A_303 : memref<1x1x128xi32, #tpu.memory_space<vmem>> -> memref<128xi32, #tpu.memory_space<vmem>>
        %dma_start3A_305 = arith.constant 0 : i32
        %dma_start3A_306 = arith.constant 0 : i32
        %dma_start3A_307 = tpu.memref_slice %arg2[%arg0, %dma_start3A_305, %dma_start3A_306] : memref<2x10240x128xbf16, #tpu.memory_space<hbm>> -> memref<1x10240x128xbf16, #tpu.memory_space<hbm>>
        %dma_start3A_308 = tpu.memref_squeeze %dma_start3A_307 : memref<1x10240x128xbf16, #tpu.memory_space<hbm>> -> memref<10240x128xbf16, #tpu.memory_space<hbm>>
        %dma_start3A_309 = arith.constant 0 : i32
        %dma_start3A_310 = arith.constant 0 : i32
        %dma_start3A_311 = tpu.memref_slice %dma_start3A_308[%dma_start3A_309, %dma_start3A_310] : memref<10240x128xbf16, #tpu.memory_space<hbm>> -> memref<10240x128xbf16, #tpu.memory_space<hbm>>
        tpu.enqueue_indirect_dma source(%dma_start3A_311 : memref<10240x128xbf16, #tpu.memory_space<hbm>>) target(%arg8 : memref<128x128xbf16, #tpu.memory_space<vmem>>) offsets(%dma_start3A_304 : memref<128xi32, #tpu.memory_space<vmem>>) semaphore(%arg12 : memref<!tpu.dma_semaphore, #tpu.memory_space<semaphore_mem>>)
      } else {
      }
      %mul3A_234 = arith.constant 4 : i32
      %mul3A_235 = arith.muli %scan3A_178, %mul3A_234 : i32
      %add3A_236 = arith.constant 2 : i32
      %add3A_237 = arith.addi %mul3A_235, %add3A_236 : i32
      %dma_wait3A_238 = arith.constant 0 : i32
      %dma_wait3A_239 = arith.constant 0 : i32
      %dma_wait3A_240 = tpu.memref_slice %arg6[%add3A_237, %dma_wait3A_238, %dma_wait3A_239] : memref<40x2x128xi32, #tpu.memory_space<vmem>> -> memref<1x1x128xi32, #tpu.memory_space<vmem>>
      %dma_wait3A_241 = tpu.memref_squeeze %dma_wait3A_240 : memref<1x1x128xi32, #tpu.memory_space<vmem>> -> memref<128xi32, #tpu.memory_space<vmem>>
      %dma_wait3A_242 = arith.constant 0 : i32
      %dma_wait3A_243 = arith.constant 0 : i32
      %dma_wait3A_244 = tpu.memref_slice %arg2[%arg0, %dma_wait3A_242, %dma_wait3A_243] : memref<2x10240x128xbf16, #tpu.memory_space<hbm>> -> memref<1x10240x128xbf16, #tpu.memory_space<hbm>>
      %dma_wait3A_245 = tpu.memref_squeeze %dma_wait3A_244 : memref<1x10240x128xbf16, #tpu.memory_space<hbm>> -> memref<10240x128xbf16, #tpu.memory_space<hbm>>
      %dma_wait3A_246 = arith.constant 0 : i32
      %dma_wait3A_247 = arith.constant 0 : i32
      %dma_wait3A_248 = tpu.memref_slice %dma_wait3A_245[%dma_wait3A_246, %dma_wait3A_247] : memref<10240x128xbf16, #tpu.memory_space<hbm>> -> memref<10240x128xbf16, #tpu.memory_space<hbm>>
      tpu.wait_indirect_dma semaphore(%arg13 : memref<!tpu.dma_semaphore, #tpu.memory_space<semaphore_mem>>) src(%dma_wait3A_248 : memref<10240x128xbf16, #tpu.memory_space<hbm>>) dst(%arg9 : memref<128x128xbf16, #tpu.memory_space<vmem>>)
      %dma_start3A_249 = arith.constant 1 : i32
      %dma_start3A_250 = arith.constant 0 : i32
      %dma_start3A_251 = tpu.memref_slice %arg6[%add3A_237, %dma_start3A_249, %dma_start3A_250] : memref<40x2x128xi32, #tpu.memory_space<vmem>> -> memref<1x1x128xi32, #tpu.memory_space<vmem>>
      %dma_start3A_252 = tpu.memref_squeeze %dma_start3A_251 : memref<1x1x128xi32, #tpu.memory_space<vmem>> -> memref<128xi32, #tpu.memory_space<vmem>>
      %dma_start3A_253 = arith.constant 0 : i32
      %dma_start3A_254 = arith.constant 0 : i32
      %dma_start3A_255 = tpu.memref_slice %arg5[%dma_start3A_253, %dma_start3A_254] : memref<10240x128xbf16, #tpu.memory_space<vmem_shared>> -> memref<10240x128xbf16, #tpu.memory_space<vmem_shared>>
      tpu.enqueue_indirect_dma source(%arg9 : memref<128x128xbf16, #tpu.memory_space<vmem>>) target(%dma_start3A_255 : memref<10240x128xbf16, #tpu.memory_space<vmem_shared>>) offsets(%dma_start3A_252 : memref<128xi32, #tpu.memory_space<vmem>>) semaphore(%arg17 : memref<!tpu.dma_semaphore, #tpu.memory_space<semaphore_mem>>) {add = true}
      %add3A_256 = arith.constant 4 : i32
      %add3A_257 = arith.addi %add3A_237, %add3A_256 : i32
      %lt3A_258 = arith.constant 40 : i32
      %lt3A_259 = arith.cmpi slt, %add3A_257, %lt3A_258 : i32
      %convert_element_type3A_260 = arith.extui %lt3A_259 : i1 to i32
      %cond3A_261 = arith.constant 0 : i32
      %cond3A_262 = arith.cmpi ne, %convert_element_type3A_260, %cond3A_261 : i32
      scf.if %cond3A_262 {
        %dma_wait3A_292 = arith.constant 1 : i32
        %dma_wait3A_293 = arith.constant 0 : i32
        %dma_wait3A_294 = tpu.memref_slice %arg6[%add3A_237, %dma_wait3A_292, %dma_wait3A_293] : memref<40x2x128xi32, #tpu.memory_space<vmem>> -> memref<1x1x128xi32, #tpu.memory_space<vmem>>
        %dma_wait3A_295 = tpu.memref_squeeze %dma_wait3A_294 : memref<1x1x128xi32, #tpu.memory_space<vmem>> -> memref<128xi32, #tpu.memory_space<vmem>>
        %dma_wait3A_296 = arith.constant 0 : i32
        %dma_wait3A_297 = arith.constant 0 : i32
        %dma_wait3A_298 = tpu.memref_slice %arg5[%dma_wait3A_296, %dma_wait3A_297] : memref<10240x128xbf16, #tpu.memory_space<vmem_shared>> -> memref<10240x128xbf16, #tpu.memory_space<vmem_shared>>
        tpu.wait_indirect_dma semaphore(%arg17 : memref<!tpu.dma_semaphore, #tpu.memory_space<semaphore_mem>>) src(%arg9 : memref<128x128xbf16, #tpu.memory_space<vmem>>) dst(%dma_wait3A_298 : memref<10240x128xbf16, #tpu.memory_space<vmem_shared>>)
        %add3A_299 = arith.constant 4 : i32
        %add3A_300 = arith.addi %add3A_237, %add3A_299 : i32
        %dma_start3A_301 = arith.constant 0 : i32
        %dma_start3A_302 = arith.constant 0 : i32
        %dma_start3A_303 = tpu.memref_slice %arg6[%add3A_300, %dma_start3A_301, %dma_start3A_302] : memref<40x2x128xi32, #tpu.memory_space<vmem>> -> memref<1x1x128xi32, #tpu.memory_space<vmem>>
        %dma_start3A_304 = tpu.memref_squeeze %dma_start3A_303 : memref<1x1x128xi32, #tpu.memory_space<vmem>> -> memref<128xi32, #tpu.memory_space<vmem>>
        %dma_start3A_305 = arith.constant 0 : i32
        %dma_start3A_306 = arith.constant 0 : i32
        %dma_start3A_307 = tpu.memref_slice %arg2[%arg0, %dma_start3A_305, %dma_start3A_306] : memref<2x10240x128xbf16, #tpu.memory_space<hbm>> -> memref<1x10240x128xbf16, #tpu.memory_space<hbm>>
        %dma_start3A_308 = tpu.memref_squeeze %dma_start3A_307 : memref<1x10240x128xbf16, #tpu.memory_space<hbm>> -> memref<10240x128xbf16, #tpu.memory_space<hbm>>
        %dma_start3A_309 = arith.constant 0 : i32
        %dma_start3A_310 = arith.constant 0 : i32
        %dma_start3A_311 = tpu.memref_slice %dma_start3A_308[%dma_start3A_309, %dma_start3A_310] : memref<10240x128xbf16, #tpu.memory_space<hbm>> -> memref<10240x128xbf16, #tpu.memory_space<hbm>>
        tpu.enqueue_indirect_dma source(%dma_start3A_311 : memref<10240x128xbf16, #tpu.memory_space<hbm>>) target(%arg9 : memref<128x128xbf16, #tpu.memory_space<vmem>>) offsets(%dma_start3A_304 : memref<128xi32, #tpu.memory_space<vmem>>) semaphore(%arg13 : memref<!tpu.dma_semaphore, #tpu.memory_space<semaphore_mem>>)
      } else {
      }
      %mul3A_263 = arith.constant 4 : i32
      %mul3A_264 = arith.muli %scan3A_178, %mul3A_263 : i32
      %add3A_265 = arith.constant 3 : i32
      %add3A_266 = arith.addi %mul3A_264, %add3A_265 : i32
      %dma_wait3A_267 = arith.constant 0 : i32
      %dma_wait3A_268 = arith.constant 0 : i32
      %dma_wait3A_269 = tpu.memref_slice %arg6[%add3A_266, %dma_wait3A_267, %dma_wait3A_268] : memref<40x2x128xi32, #tpu.memory_space<vmem>> -> memref<1x1x128xi32, #tpu.memory_space<vmem>>
      %dma_wait3A_270 = tpu.memref_squeeze %dma_wait3A_269 : memref<1x1x128xi32, #tpu.memory_space<vmem>> -> memref<128xi32, #tpu.memory_space<vmem>>
      %dma_wait3A_271 = arith.constant 0 : i32
      %dma_wait3A_272 = arith.constant 0 : i32
      %dma_wait3A_273 = tpu.memref_slice %arg2[%arg0, %dma_wait3A_271, %dma_wait3A_272] : memref<2x10240x128xbf16, #tpu.memory_space<hbm>> -> memref<1x10240x128xbf16, #tpu.memory_space<hbm>>
      %dma_wait3A_274 = tpu.memref_squeeze %dma_wait3A_273 : memref<1x10240x128xbf16, #tpu.memory_space<hbm>> -> memref<10240x128xbf16, #tpu.memory_space<hbm>>
      %dma_wait3A_275 = arith.constant 0 : i32
      %dma_wait3A_276 = arith.constant 0 : i32
      %dma_wait3A_277 = tpu.memref_slice %dma_wait3A_274[%dma_wait3A_275, %dma_wait3A_276] : memref<10240x128xbf16, #tpu.memory_space<hbm>> -> memref<10240x128xbf16, #tpu.memory_space<hbm>>
      tpu.wait_indirect_dma semaphore(%arg14 : memref<!tpu.dma_semaphore, #tpu.memory_space<semaphore_mem>>) src(%dma_wait3A_277 : memref<10240x128xbf16, #tpu.memory_space<hbm>>) dst(%arg10 : memref<128x128xbf16, #tpu.memory_space<vmem>>)
      %dma_start3A_278 = arith.constant 1 : i32
      %dma_start3A_279 = arith.constant 0 : i32
      %dma_start3A_280 = tpu.memref_slice %arg6[%add3A_266, %dma_start3A_278, %dma_start3A_279] : memref<40x2x128xi32, #tpu.memory_space<vmem>> -> memref<1x1x128xi32, #tpu.memory_space<vmem>>
      %dma_start3A_281 = tpu.memref_squeeze %dma_start3A_280 : memref<1x1x128xi32, #tpu.memory_space<vmem>> -> memref<128xi32, #tpu.memory_space<vmem>>
      %dma_start3A_282 = arith.constant 0 : i32
      %dma_start3A_283 = arith.constant 0 : i32
      %dma_start3A_284 = tpu.memref_slice %arg5[%dma_start3A_282, %dma_start3A_283] : memref<10240x128xbf16, #tpu.memory_space<vmem_shared>> -> memref<10240x128xbf16, #tpu.memory_space<vmem_shared>>
      tpu.enqueue_indirect_dma source(%arg10 : memref<128x128xbf16, #tpu.memory_space<vmem>>) target(%dma_start3A_284 : memref<10240x128xbf16, #tpu.memory_space<vmem_shared>>) offsets(%dma_start3A_281 : memref<128xi32, #tpu.memory_space<vmem>>) semaphore(%arg18 : memref<!tpu.dma_semaphore, #tpu.memory_space<semaphore_mem>>) {add = true}
      %add3A_285 = arith.constant 4 : i32
      %add3A_286 = arith.addi %add3A_266, %add3A_285 : i32
      %lt3A_287 = arith.constant 40 : i32
      %lt3A_288 = arith.cmpi slt, %add3A_286, %lt3A_287 : i32
      %convert_element_type3A_289 = arith.extui %lt3A_288 : i1 to i32
      %cond3A_290 = arith.constant 0 : i32
      %cond3A_291 = arith.cmpi ne, %convert_element_type3A_289, %cond3A_290 : i32
      scf.if %cond3A_291 {
        %dma_wait3A_292 = arith.constant 1 : i32
        %dma_wait3A_293 = arith.constant 0 : i32
        %dma_wait3A_294 = tpu.memref_slice %arg6[%add3A_266, %dma_wait3A_292, %dma_wait3A_293] : memref<40x2x128xi32, #tpu.memory_space<vmem>> -> memref<1x1x128xi32, #tpu.memory_space<vmem>>
        %dma_wait3A_295 = tpu.memref_squeeze %dma_wait3A_294 : memref<1x1x128xi32, #tpu.memory_space<vmem>> -> memref<128xi32, #tpu.memory_space<vmem>>
        %dma_wait3A_296 = arith.constant 0 : i32
        %dma_wait3A_297 = arith.constant 0 : i32
        %dma_wait3A_298 = tpu.memref_slice %arg5[%dma_wait3A_296, %dma_wait3A_297] : memref<10240x128xbf16, #tpu.memory_space<vmem_shared>> -> memref<10240x128xbf16, #tpu.memory_space<vmem_shared>>
        tpu.wait_indirect_dma semaphore(%arg18 : memref<!tpu.dma_semaphore, #tpu.memory_space<semaphore_mem>>) src(%arg10 : memref<128x128xbf16, #tpu.memory_space<vmem>>) dst(%dma_wait3A_298 : memref<10240x128xbf16, #tpu.memory_space<vmem_shared>>)
        %add3A_299 = arith.constant 4 : i32
        %add3A_300 = arith.addi %add3A_266, %add3A_299 : i32
        %dma_start3A_301 = arith.constant 0 : i32
        %dma_start3A_302 = arith.constant 0 : i32
        %dma_start3A_303 = tpu.memref_slice %arg6[%add3A_300, %dma_start3A_301, %dma_start3A_302] : memref<40x2x128xi32, #tpu.memory_space<vmem>> -> memref<1x1x128xi32, #tpu.memory_space<vmem>>
        %dma_start3A_304 = tpu.memref_squeeze %dma_start3A_303 : memref<1x1x128xi32, #tpu.memory_space<vmem>> -> memref<128xi32, #tpu.memory_space<vmem>>
        %dma_start3A_305 = arith.constant 0 : i32
        %dma_start3A_306 = arith.constant 0 : i32
        %dma_start3A_307 = tpu.memref_slice %arg2[%arg0, %dma_start3A_305, %dma_start3A_306] : memref<2x10240x128xbf16, #tpu.memory_space<hbm>> -> memref<1x10240x128xbf16, #tpu.memory_space<hbm>>
        %dma_start3A_308 = tpu.memref_squeeze %dma_start3A_307 : memref<1x10240x128xbf16, #tpu.memory_space<hbm>> -> memref<10240x128xbf16, #tpu.memory_space<hbm>>
        %dma_start3A_309 = arith.constant 0 : i32
        %dma_start3A_310 = arith.constant 0 : i32
        %dma_start3A_311 = tpu.memref_slice %dma_start3A_308[%dma_start3A_309, %dma_start3A_310] : memref<10240x128xbf16, #tpu.memory_space<hbm>> -> memref<10240x128xbf16, #tpu.memory_space<hbm>>
        tpu.enqueue_indirect_dma source(%dma_start3A_311 : memref<10240x128xbf16, #tpu.memory_space<hbm>>) target(%arg10 : memref<128x128xbf16, #tpu.memory_space<vmem>>) offsets(%dma_start3A_304 : memref<128xi32, #tpu.memory_space<vmem>>) semaphore(%arg14 : memref<!tpu.dma_semaphore, #tpu.memory_space<semaphore_mem>>)
      } else {
      }
    }
    %scan3A_55 = arith.constant 10 : i32
    %dma_wait3A = arith.constant 0 : i32
    %dma_wait3A_56 = arith.constant 1 : i32
    %dma_wait3A_57 = arith.constant 0 : i32
    %dma_wait3A_58 = tpu.memref_slice %arg6[%dma_wait3A, %dma_wait3A_56, %dma_wait3A_57] : memref<40x2x128xi32, #tpu.memory_space<vmem>> -> memref<1x1x128xi32, #tpu.memory_space<vmem>>
    %dma_wait3A_59 = tpu.memref_squeeze %dma_wait3A_58 : memref<1x1x128xi32, #tpu.memory_space<vmem>> -> memref<128xi32, #tpu.memory_space<vmem>>
    %dma_wait3A_60 = arith.constant 0 : i32
    %dma_wait3A_61 = arith.constant 0 : i32
    %dma_wait3A_62 = tpu.memref_slice %arg5[%dma_wait3A_60, %dma_wait3A_61] : memref<10240x128xbf16, #tpu.memory_space<vmem_shared>> -> memref<10240x128xbf16, #tpu.memory_space<vmem_shared>>
    tpu.wait_indirect_dma semaphore(%arg15 : memref<!tpu.dma_semaphore, #tpu.memory_space<semaphore_mem>>) src(%arg7 : memref<128x128xbf16, #tpu.memory_space<vmem>>) dst(%dma_wait3A_62 : memref<10240x128xbf16, #tpu.memory_space<vmem_shared>>)
    %dma_wait3A_63 = arith.constant 0 : i32
    %dma_wait3A_64 = arith.constant 1 : i32
    %dma_wait3A_65 = arith.constant 0 : i32
    %dma_wait3A_66 = tpu.memref_slice %arg6[%dma_wait3A_63, %dma_wait3A_64, %dma_wait3A_65] : memref<40x2x128xi32, #tpu.memory_space<vmem>> -> memref<1x1x128xi32, #tpu.memory_space<vmem>>
    %dma_wait3A_67 = tpu.memref_squeeze %dma_wait3A_66 : memref<1x1x128xi32, #tpu.memory_space<vmem>> -> memref<128xi32, #tpu.memory_space<vmem>>
    %dma_wait3A_68 = arith.constant 0 : i32
    %dma_wait3A_69 = arith.constant 0 : i32
    %dma_wait3A_70 = tpu.memref_slice %arg5[%dma_wait3A_68, %dma_wait3A_69] : memref<10240x128xbf16, #tpu.memory_space<vmem_shared>> -> memref<10240x128xbf16, #tpu.memory_space<vmem_shared>>
    tpu.wait_indirect_dma semaphore(%arg16 : memref<!tpu.dma_semaphore, #tpu.memory_space<semaphore_mem>>) src(%arg8 : memref<128x128xbf16, #tpu.memory_space<vmem>>) dst(%dma_wait3A_70 : memref<10240x128xbf16, #tpu.memory_space<vmem_shared>>)
    %dma_wait3A_71 = arith.constant 0 : i32
    %dma_wait3A_72 = arith.constant 1 : i32
    %dma_wait3A_73 = arith.constant 0 : i32
    %dma_wait3A_74 = tpu.memref_slice %arg6[%dma_wait3A_71, %dma_wait3A_72, %dma_wait3A_73] : memref<40x2x128xi32, #tpu.memory_space<vmem>> -> memref<1x1x128xi32, #tpu.memory_space<vmem>>
    %dma_wait3A_75 = tpu.memref_squeeze %dma_wait3A_74 : memref<1x1x128xi32, #tpu.memory_space<vmem>> -> memref<128xi32, #tpu.memory_space<vmem>>
    %dma_wait3A_76 = arith.constant 0 : i32
    %dma_wait3A_77 = arith.constant 0 : i32
    %dma_wait3A_78 = tpu.memref_slice %arg5[%dma_wait3A_76, %dma_wait3A_77] : memref<10240x128xbf16, #tpu.memory_space<vmem_shared>> -> memref<10240x128xbf16, #tpu.memory_space<vmem_shared>>
    tpu.wait_indirect_dma semaphore(%arg17 : memref<!tpu.dma_semaphore, #tpu.memory_space<semaphore_mem>>) src(%arg9 : memref<128x128xbf16, #tpu.memory_space<vmem>>) dst(%dma_wait3A_78 : memref<10240x128xbf16, #tpu.memory_space<vmem_shared>>)
    %dma_wait3A_79 = arith.constant 0 : i32
    %dma_wait3A_80 = arith.constant 1 : i32
    %dma_wait3A_81 = arith.constant 0 : i32
    %dma_wait3A_82 = tpu.memref_slice %arg6[%dma_wait3A_79, %dma_wait3A_80, %dma_wait3A_81] : memref<40x2x128xi32, #tpu.memory_space<vmem>> -> memref<1x1x128xi32, #tpu.memory_space<vmem>>
    %dma_wait3A_83 = tpu.memref_squeeze %dma_wait3A_82 : memref<1x1x128xi32, #tpu.memory_space<vmem>> -> memref<128xi32, #tpu.memory_space<vmem>>
    %dma_wait3A_84 = arith.constant 0 : i32
    %dma_wait3A_85 = arith.constant 0 : i32
    %dma_wait3A_86 = tpu.memref_slice %arg5[%dma_wait3A_84, %dma_wait3A_85] : memref<10240x128xbf16, #tpu.memory_space<vmem_shared>> -> memref<10240x128xbf16, #tpu.memory_space<vmem_shared>>
    tpu.wait_indirect_dma semaphore(%arg18 : memref<!tpu.dma_semaphore, #tpu.memory_space<semaphore_mem>>) src(%arg10 : memref<128x128xbf16, #tpu.memory_space<vmem>>) dst(%dma_wait3A_86 : memref<10240x128xbf16, #tpu.memory_space<vmem_shared>>)
    %mul3A_87 = arith.constant 80 : i32
    %mul3A_88 = arith.muli %arg1, %mul3A_87 : i32
    %add3A_89 = arith.constant 40 : i32
    %add3A_90 = arith.addi %mul3A_88, %add3A_89 : i32
    "tpu.region"() ({
      %run_scoped3A = tpu.sem_alloc : memref<!tpu.dma_semaphore, #tpu.memory_space<semaphore_mem>>
      %dma_start3A_178 = arith.constant 0 : i32
      %dma_start3A_179 = arith.constant 0 : i32
      %dma_start3A_180 = tpu.memref_slice %arg3[%add3A_90, %dma_start3A_178, %dma_start3A_179] : memref<1280x2x128xi32, #tpu.memory_space<hbm>> -> memref<40x2x128xi32, #tpu.memory_space<hbm>>
      %dma_start3A_181 = arith.constant 0 : i32
      %dma_start3A_182 = arith.constant 0 : i32
      %dma_start3A_183 = tpu.memref_slice %arg3[%add3A_90, %dma_start3A_181, %dma_start3A_182] : memref<1280x2x128xi32, #tpu.memory_space<hbm>> -> memref<40x2x128xi32, #tpu.memory_space<hbm>>
      tpu.enqueue_dma source(%dma_start3A_183 : memref<40x2x128xi32, #tpu.memory_space<hbm>>) target(%arg6 : memref<40x2x128xi32, #tpu.memory_space<vmem>>) target_semaphore(%run_scoped3A : memref<!tpu.dma_semaphore, #tpu.memory_space<semaphore_mem>>)
      %dma_wait3A_184 = arith.constant 0 : i32
      %dma_wait3A_185 = arith.constant 0 : i32
      %dma_wait3A_186 = tpu.memref_slice %arg3[%add3A_90, %dma_wait3A_184, %dma_wait3A_185] : memref<1280x2x128xi32, #tpu.memory_space<hbm>> -> memref<40x2x128xi32, #tpu.memory_space<hbm>>
      %dma_wait3A_187 = arith.constant 0 : i32
      %dma_wait3A_188 = arith.constant 0 : i32
      %dma_wait3A_189 = tpu.memref_slice %arg3[%add3A_90, %dma_wait3A_187, %dma_wait3A_188] : memref<1280x2x128xi32, #tpu.memory_space<hbm>> -> memref<40x2x128xi32, #tpu.memory_space<hbm>>
      tpu.wait_dma2 semaphore(%run_scoped3A : memref<!tpu.dma_semaphore, #tpu.memory_space<semaphore_mem>>) src(%dma_wait3A_189 : memref<40x2x128xi32, #tpu.memory_space<hbm>>) dst(%arg6 : memref<40x2x128xi32, #tpu.memory_space<vmem>>)
      tpu.yield
    }) : () -> ()
    %dma_start3A_91 = arith.constant 0 : i32
    %dma_start3A_92 = arith.constant 0 : i32
    %dma_start3A_93 = arith.constant 0 : i32
    %dma_start3A_94 = tpu.memref_slice %arg6[%dma_start3A_91, %dma_start3A_92, %dma_start3A_93] : memref<40x2x128xi32, #tpu.memory_space<vmem>> -> memref<1x1x128xi32, #tpu.memory_space<vmem>>
    %dma_start3A_95 = tpu.memref_squeeze %dma_start3A_94 : memref<1x1x128xi32, #tpu.memory_space<vmem>> -> memref<128xi32, #tpu.memory_space<vmem>>
    %dma_start3A_96 = arith.constant 0 : i32
    %dma_start3A_97 = arith.constant 0 : i32
    %dma_start3A_98 = tpu.memref_slice %arg2[%arg0, %dma_start3A_96, %dma_start3A_97] : memref<2x10240x128xbf16, #tpu.memory_space<hbm>> -> memref<1x10240x128xbf16, #tpu.memory_space<hbm>>
    %dma_start3A_99 = tpu.memref_squeeze %dma_start3A_98 : memref<1x10240x128xbf16, #tpu.memory_space<hbm>> -> memref<10240x128xbf16, #tpu.memory_space<hbm>>
    %dma_start3A_100 = arith.constant 0 : i32
    %dma_start3A_101 = arith.constant 0 : i32
    %dma_start3A_102 = tpu.memref_slice %dma_start3A_99[%dma_start3A_100, %dma_start3A_101] : memref<10240x128xbf16, #tpu.memory_space<hbm>> -> memref<10240x128xbf16, #tpu.memory_space<hbm>>
    tpu.enqueue_indirect_dma source(%dma_start3A_102 : memref<10240x128xbf16, #tpu.memory_space<hbm>>) target(%arg7 : memref<128x128xbf16, #tpu.memory_space<vmem>>) offsets(%dma_start3A_95 : memref<128xi32, #tpu.memory_space<vmem>>) semaphore(%arg11 : memref<!tpu.dma_semaphore, #tpu.memory_space<semaphore_mem>>)
    %dma_start3A_103 = arith.constant 1 : i32
    %dma_start3A_104 = arith.constant 0 : i32
    %dma_start3A_105 = arith.constant 0 : i32
    %dma_start3A_106 = tpu.memref_slice %arg6[%dma_start3A_103, %dma_start3A_104, %dma_start3A_105] : memref<40x2x128xi32, #tpu.memory_space<vmem>> -> memref<1x1x128xi32, #tpu.memory_space<vmem>>
    %dma_start3A_107 = tpu.memref_squeeze %dma_start3A_106 : memref<1x1x128xi32, #tpu.memory_space<vmem>> -> memref<128xi32, #tpu.memory_space<vmem>>
    %dma_start3A_108 = arith.constant 0 : i32
    %dma_start3A_109 = arith.constant 0 : i32
    %dma_start3A_110 = tpu.memref_slice %arg2[%arg0, %dma_start3A_108, %dma_start3A_109] : memref<2x10240x128xbf16, #tpu.memory_space<hbm>> -> memref<1x10240x128xbf16, #tpu.memory_space<hbm>>
    %dma_start3A_111 = tpu.memref_squeeze %dma_start3A_110 : memref<1x10240x128xbf16, #tpu.memory_space<hbm>> -> memref<10240x128xbf16, #tpu.memory_space<hbm>>
    %dma_start3A_112 = arith.constant 0 : i32
    %dma_start3A_113 = arith.constant 0 : i32
    %dma_start3A_114 = tpu.memref_slice %dma_start3A_111[%dma_start3A_112, %dma_start3A_113] : memref<10240x128xbf16, #tpu.memory_space<hbm>> -> memref<10240x128xbf16, #tpu.memory_space<hbm>>
    tpu.enqueue_indirect_dma source(%dma_start3A_114 : memref<10240x128xbf16, #tpu.memory_space<hbm>>) target(%arg8 : memref<128x128xbf16, #tpu.memory_space<vmem>>) offsets(%dma_start3A_107 : memref<128xi32, #tpu.memory_space<vmem>>) semaphore(%arg12 : memref<!tpu.dma_semaphore, #tpu.memory_space<semaphore_mem>>)
    %dma_start3A_115 = arith.constant 2 : i32
    %dma_start3A_116 = arith.constant 0 : i32
    %dma_start3A_117 = arith.constant 0 : i32
    %dma_start3A_118 = tpu.memref_slice %arg6[%dma_start3A_115, %dma_start3A_116, %dma_start3A_117] : memref<40x2x128xi32, #tpu.memory_space<vmem>> -> memref<1x1x128xi32, #tpu.memory_space<vmem>>
    %dma_start3A_119 = tpu.memref_squeeze %dma_start3A_118 : memref<1x1x128xi32, #tpu.memory_space<vmem>> -> memref<128xi32, #tpu.memory_space<vmem>>
    %dma_start3A_120 = arith.constant 0 : i32
    %dma_start3A_121 = arith.constant 0 : i32
    %dma_start3A_122 = tpu.memref_slice %arg2[%arg0, %dma_start3A_120, %dma_start3A_121] : memref<2x10240x128xbf16, #tpu.memory_space<hbm>> -> memref<1x10240x128xbf16, #tpu.memory_space<hbm>>
    %dma_start3A_123 = tpu.memref_squeeze %dma_start3A_122 : memref<1x10240x128xbf16, #tpu.memory_space<hbm>> -> memref<10240x128xbf16, #tpu.memory_space<hbm>>
    %dma_start3A_124 = arith.constant 0 : i32
    %dma_start3A_125 = arith.constant 0 : i32
    %dma_start3A_126 = tpu.memref_slice %dma_start3A_123[%dma_start3A_124, %dma_start3A_125] : memref<10240x128xbf16, #tpu.memory_space<hbm>> -> memref<10240x128xbf16, #tpu.memory_space<hbm>>
    tpu.enqueue_indirect_dma source(%dma_start3A_126 : memref<10240x128xbf16, #tpu.memory_space<hbm>>) target(%arg9 : memref<128x128xbf16, #tpu.memory_space<vmem>>) offsets(%dma_start3A_119 : memref<128xi32, #tpu.memory_space<vmem>>) semaphore(%arg13 : memref<!tpu.dma_semaphore, #tpu.memory_space<semaphore_mem>>)
    %dma_start3A_127 = arith.constant 3 : i32
    %dma_start3A_128 = arith.constant 0 : i32
    %dma_start3A_129 = arith.constant 0 : i32
    %dma_start3A_130 = tpu.memref_slice %arg6[%dma_start3A_127, %dma_start3A_128, %dma_start3A_129] : memref<40x2x128xi32, #tpu.memory_space<vmem>> -> memref<1x1x128xi32, #tpu.memory_space<vmem>>
    %dma_start3A_131 = tpu.memref_squeeze %dma_start3A_130 : memref<1x1x128xi32, #tpu.memory_space<vmem>> -> memref<128xi32, #tpu.memory_space<vmem>>
    %dma_start3A_132 = arith.constant 0 : i32
    %dma_start3A_133 = arith.constant 0 : i32
    %dma_start3A_134 = tpu.memref_slice %arg2[%arg0, %dma_start3A_132, %dma_start3A_133] : memref<2x10240x128xbf16, #tpu.memory_space<hbm>> -> memref<1x10240x128xbf16, #tpu.memory_space<hbm>>
    %dma_start3A_135 = tpu.memref_squeeze %dma_start3A_134 : memref<1x10240x128xbf16, #tpu.memory_space<hbm>> -> memref<10240x128xbf16, #tpu.memory_space<hbm>>
    %dma_start3A_136 = arith.constant 0 : i32
    %dma_start3A_137 = arith.constant 0 : i32
    %dma_start3A_138 = tpu.memref_slice %dma_start3A_135[%dma_start3A_136, %dma_start3A_137] : memref<10240x128xbf16, #tpu.memory_space<hbm>> -> memref<10240x128xbf16, #tpu.memory_space<hbm>>
    tpu.enqueue_indirect_dma source(%dma_start3A_138 : memref<10240x128xbf16, #tpu.memory_space<hbm>>) target(%arg10 : memref<128x128xbf16, #tpu.memory_space<vmem>>) offsets(%dma_start3A_131 : memref<128xi32, #tpu.memory_space<vmem>>) semaphore(%arg14 : memref<!tpu.dma_semaphore, #tpu.memory_space<semaphore_mem>>)
    %scan3A_139 = arith.constant 0 : i32
    %scan3A_140 = arith.constant 0 : i32
    %scan3A_141 = arith.constant 10 : i32
    %scan3A_142 = arith.addi %scan3A_140, %scan3A_141 : i32
    %scan3A_143 = arith.constant 1 : i32
    scf.for %scan3A_178 = %scan3A_140 to %scan3A_142 step %scan3A_143  : i32 {
      %mul3A_179 = arith.constant 4 : i32
      %mul3A_180 = arith.muli %scan3A_178, %mul3A_179 : i32
      %add3A_181 = arith.constant 0 : i32
      %add3A_182 = arith.addi %mul3A_180, %add3A_181 : i32
      %dma_wait3A_183 = arith.constant 0 : i32
      %dma_wait3A_184 = arith.constant 0 : i32
      %dma_wait3A_185 = tpu.memref_slice %arg6[%add3A_182, %dma_wait3A_183, %dma_wait3A_184] : memref<40x2x128xi32, #tpu.memory_space<vmem>> -> memref<1x1x128xi32, #tpu.memory_space<vmem>>
      %dma_wait3A_186 = tpu.memref_squeeze %dma_wait3A_185 : memref<1x1x128xi32, #tpu.memory_space<vmem>> -> memref<128xi32, #tpu.memory_space<vmem>>
      %dma_wait3A_187 = arith.constant 0 : i32
      %dma_wait3A_188 = arith.constant 0 : i32
      %dma_wait3A_189 = tpu.memref_slice %arg2[%arg0, %dma_wait3A_187, %dma_wait3A_188] : memref<2x10240x128xbf16, #tpu.memory_space<hbm>> -> memref<1x10240x128xbf16, #tpu.memory_space<hbm>>
      %dma_wait3A_190 = tpu.memref_squeeze %dma_wait3A_189 : memref<1x10240x128xbf16, #tpu.memory_space<hbm>> -> memref<10240x128xbf16, #tpu.memory_space<hbm>>
      %dma_wait3A_191 = arith.constant 0 : i32
      %dma_wait3A_192 = arith.constant 0 : i32
      %dma_wait3A_193 = tpu.memref_slice %dma_wait3A_190[%dma_wait3A_191, %dma_wait3A_192] : memref<10240x128xbf16, #tpu.memory_space<hbm>> -> memref<10240x128xbf16, #tpu.memory_space<hbm>>
      tpu.wait_indirect_dma semaphore(%arg11 : memref<!tpu.dma_semaphore, #tpu.memory_space<semaphore_mem>>) src(%dma_wait3A_193 : memref<10240x128xbf16, #tpu.memory_space<hbm>>) dst(%arg7 : memref<128x128xbf16, #tpu.memory_space<vmem>>)
      %dma_start3A_194 = arith.constant 1 : i32
      %dma_start3A_195 = arith.constant 0 : i32
      %dma_start3A_196 = tpu.memref_slice %arg6[%add3A_182, %dma_start3A_194, %dma_start3A_195] : memref<40x2x128xi32, #tpu.memory_space<vmem>> -> memref<1x1x128xi32, #tpu.memory_space<vmem>>
      %dma_start3A_197 = tpu.memref_squeeze %dma_start3A_196 : memref<1x1x128xi32, #tpu.memory_space<vmem>> -> memref<128xi32, #tpu.memory_space<vmem>>
      %dma_start3A_198 = arith.constant 0 : i32
      %dma_start3A_199 = arith.constant 0 : i32
      %dma_start3A_200 = tpu.memref_slice %arg5[%dma_start3A_198, %dma_start3A_199] : memref<10240x128xbf16, #tpu.memory_space<vmem_shared>> -> memref<10240x128xbf16, #tpu.memory_space<vmem_shared>>
      tpu.enqueue_indirect_dma source(%arg7 : memref<128x128xbf16, #tpu.memory_space<vmem>>) target(%dma_start3A_200 : memref<10240x128xbf16, #tpu.memory_space<vmem_shared>>) offsets(%dma_start3A_197 : memref<128xi32, #tpu.memory_space<vmem>>) semaphore(%arg15 : memref<!tpu.dma_semaphore, #tpu.memory_space<semaphore_mem>>) {add = true}
      %add3A_201 = arith.constant 4 : i32
      %add3A_202 = arith.addi %add3A_182, %add3A_201 : i32
      %lt3A = arith.constant 40 : i32
      %lt3A_203 = arith.cmpi slt, %add3A_202, %lt3A : i32
      %convert_element_type3A = arith.extui %lt3A_203 : i1 to i32
      %cond3A = arith.constant 0 : i32
      %cond3A_204 = arith.cmpi ne, %convert_element_type3A, %cond3A : i32
      scf.if %cond3A_204 {
        %dma_wait3A_292 = arith.constant 1 : i32
        %dma_wait3A_293 = arith.constant 0 : i32
        %dma_wait3A_294 = tpu.memref_slice %arg6[%add3A_182, %dma_wait3A_292, %dma_wait3A_293] : memref<40x2x128xi32, #tpu.memory_space<vmem>> -> memref<1x1x128xi32, #tpu.memory_space<vmem>>
        %dma_wait3A_295 = tpu.memref_squeeze %dma_wait3A_294 : memref<1x1x128xi32, #tpu.memory_space<vmem>> -> memref<128xi32, #tpu.memory_space<vmem>>
        %dma_wait3A_296 = arith.constant 0 : i32
        %dma_wait3A_297 = arith.constant 0 : i32
        %dma_wait3A_298 = tpu.memref_slice %arg5[%dma_wait3A_296, %dma_wait3A_297] : memref<10240x128xbf16, #tpu.memory_space<vmem_shared>> -> memref<10240x128xbf16, #tpu.memory_space<vmem_shared>>
        tpu.wait_indirect_dma semaphore(%arg15 : memref<!tpu.dma_semaphore, #tpu.memory_space<semaphore_mem>>) src(%arg7 : memref<128x128xbf16, #tpu.memory_space<vmem>>) dst(%dma_wait3A_298 : memref<10240x128xbf16, #tpu.memory_space<vmem_shared>>)
        %add3A_299 = arith.constant 4 : i32
        %add3A_300 = arith.addi %add3A_182, %add3A_299 : i32
        %dma_start3A_301 = arith.constant 0 : i32
        %dma_start3A_302 = arith.constant 0 : i32
        %dma_start3A_303 = tpu.memref_slice %arg6[%add3A_300, %dma_start3A_301, %dma_start3A_302] : memref<40x2x128xi32, #tpu.memory_space<vmem>> -> memref<1x1x128xi32, #tpu.memory_space<vmem>>
        %dma_start3A_304 = tpu.memref_squeeze %dma_start3A_303 : memref<1x1x128xi32, #tpu.memory_space<vmem>> -> memref<128xi32, #tpu.memory_space<vmem>>
        %dma_start3A_305 = arith.constant 0 : i32
        %dma_start3A_306 = arith.constant 0 : i32
        %dma_start3A_307 = tpu.memref_slice %arg2[%arg0, %dma_start3A_305, %dma_start3A_306] : memref<2x10240x128xbf16, #tpu.memory_space<hbm>> -> memref<1x10240x128xbf16, #tpu.memory_space<hbm>>
        %dma_start3A_308 = tpu.memref_squeeze %dma_start3A_307 : memref<1x10240x128xbf16, #tpu.memory_space<hbm>> -> memref<10240x128xbf16, #tpu.memory_space<hbm>>
        %dma_start3A_309 = arith.constant 0 : i32
        %dma_start3A_310 = arith.constant 0 : i32
        %dma_start3A_311 = tpu.memref_slice %dma_start3A_308[%dma_start3A_309, %dma_start3A_310] : memref<10240x128xbf16, #tpu.memory_space<hbm>> -> memref<10240x128xbf16, #tpu.memory_space<hbm>>
        tpu.enqueue_indirect_dma source(%dma_start3A_311 : memref<10240x128xbf16, #tpu.memory_space<hbm>>) target(%arg7 : memref<128x128xbf16, #tpu.memory_space<vmem>>) offsets(%dma_start3A_304 : memref<128xi32, #tpu.memory_space<vmem>>) semaphore(%arg11 : memref<!tpu.dma_semaphore, #tpu.memory_space<semaphore_mem>>)
      } else {
      }
      %mul3A_205 = arith.constant 4 : i32
      %mul3A_206 = arith.muli %scan3A_178, %mul3A_205 : i32
      %add3A_207 = arith.constant 1 : i32
      %add3A_208 = arith.addi %mul3A_206, %add3A_207 : i32
      %dma_wait3A_209 = arith.constant 0 : i32
      %dma_wait3A_210 = arith.constant 0 : i32
      %dma_wait3A_211 = tpu.memref_slice %arg6[%add3A_208, %dma_wait3A_209, %dma_wait3A_210] : memref<40x2x128xi32, #tpu.memory_space<vmem>> -> memref<1x1x128xi32, #tpu.memory_space<vmem>>
      %dma_wait3A_212 = tpu.memref_squeeze %dma_wait3A_211 : memref<1x1x128xi32, #tpu.memory_space<vmem>> -> memref<128xi32, #tpu.memory_space<vmem>>
      %dma_wait3A_213 = arith.constant 0 : i32
      %dma_wait3A_214 = arith.constant 0 : i32
      %dma_wait3A_215 = tpu.memref_slice %arg2[%arg0, %dma_wait3A_213, %dma_wait3A_214] : memref<2x10240x128xbf16, #tpu.memory_space<hbm>> -> memref<1x10240x128xbf16, #tpu.memory_space<hbm>>
      %dma_wait3A_216 = tpu.memref_squeeze %dma_wait3A_215 : memref<1x10240x128xbf16, #tpu.memory_space<hbm>> -> memref<10240x128xbf16, #tpu.memory_space<hbm>>
      %dma_wait3A_217 = arith.constant 0 : i32
      %dma_wait3A_218 = arith.constant 0 : i32
      %dma_wait3A_219 = tpu.memref_slice %dma_wait3A_216[%dma_wait3A_217, %dma_wait3A_218] : memref<10240x128xbf16, #tpu.memory_space<hbm>> -> memref<10240x128xbf16, #tpu.memory_space<hbm>>
      tpu.wait_indirect_dma semaphore(%arg12 : memref<!tpu.dma_semaphore, #tpu.memory_space<semaphore_mem>>) src(%dma_wait3A_219 : memref<10240x128xbf16, #tpu.memory_space<hbm>>) dst(%arg8 : memref<128x128xbf16, #tpu.memory_space<vmem>>)
      %dma_start3A_220 = arith.constant 1 : i32
      %dma_start3A_221 = arith.constant 0 : i32
      %dma_start3A_222 = tpu.memref_slice %arg6[%add3A_208, %dma_start3A_220, %dma_start3A_221] : memref<40x2x128xi32, #tpu.memory_space<vmem>> -> memref<1x1x128xi32, #tpu.memory_space<vmem>>
      %dma_start3A_223 = tpu.memref_squeeze %dma_start3A_222 : memref<1x1x128xi32, #tpu.memory_space<vmem>> -> memref<128xi32, #tpu.memory_space<vmem>>
      %dma_start3A_224 = arith.constant 0 : i32
      %dma_start3A_225 = arith.constant 0 : i32
      %dma_start3A_226 = tpu.memref_slice %arg5[%dma_start3A_224, %dma_start3A_225] : memref<10240x128xbf16, #tpu.memory_space<vmem_shared>> -> memref<10240x128xbf16, #tpu.memory_space<vmem_shared>>
      tpu.enqueue_indirect_dma source(%arg8 : memref<128x128xbf16, #tpu.memory_space<vmem>>) target(%dma_start3A_226 : memref<10240x128xbf16, #tpu.memory_space<vmem_shared>>) offsets(%dma_start3A_223 : memref<128xi32, #tpu.memory_space<vmem>>) semaphore(%arg16 : memref<!tpu.dma_semaphore, #tpu.memory_space<semaphore_mem>>) {add = true}
      %add3A_227 = arith.constant 4 : i32
      %add3A_228 = arith.addi %add3A_208, %add3A_227 : i32
      %lt3A_229 = arith.constant 40 : i32
      %lt3A_230 = arith.cmpi slt, %add3A_228, %lt3A_229 : i32
      %convert_element_type3A_231 = arith.extui %lt3A_230 : i1 to i32
      %cond3A_232 = arith.constant 0 : i32
      %cond3A_233 = arith.cmpi ne, %convert_element_type3A_231, %cond3A_232 : i32
      scf.if %cond3A_233 {
        %dma_wait3A_292 = arith.constant 1 : i32
        %dma_wait3A_293 = arith.constant 0 : i32
        %dma_wait3A_294 = tpu.memref_slice %arg6[%add3A_208, %dma_wait3A_292, %dma_wait3A_293] : memref<40x2x128xi32, #tpu.memory_space<vmem>> -> memref<1x1x128xi32, #tpu.memory_space<vmem>>
        %dma_wait3A_295 = tpu.memref_squeeze %dma_wait3A_294 : memref<1x1x128xi32, #tpu.memory_space<vmem>> -> memref<128xi32, #tpu.memory_space<vmem>>
        %dma_wait3A_296 = arith.constant 0 : i32
        %dma_wait3A_297 = arith.constant 0 : i32
        %dma_wait3A_298 = tpu.memref_slice %arg5[%dma_wait3A_296, %dma_wait3A_297] : memref<10240x128xbf16, #tpu.memory_space<vmem_shared>> -> memref<10240x128xbf16, #tpu.memory_space<vmem_shared>>
        tpu.wait_indirect_dma semaphore(%arg16 : memref<!tpu.dma_semaphore, #tpu.memory_space<semaphore_mem>>) src(%arg8 : memref<128x128xbf16, #tpu.memory_space<vmem>>) dst(%dma_wait3A_298 : memref<10240x128xbf16, #tpu.memory_space<vmem_shared>>)
        %add3A_299 = arith.constant 4 : i32
        %add3A_300 = arith.addi %add3A_208, %add3A_299 : i32
        %dma_start3A_301 = arith.constant 0 : i32
        %dma_start3A_302 = arith.constant 0 : i32
        %dma_start3A_303 = tpu.memref_slice %arg6[%add3A_300, %dma_start3A_301, %dma_start3A_302] : memref<40x2x128xi32, #tpu.memory_space<vmem>> -> memref<1x1x128xi32, #tpu.memory_space<vmem>>
        %dma_start3A_304 = tpu.memref_squeeze %dma_start3A_303 : memref<1x1x128xi32, #tpu.memory_space<vmem>> -> memref<128xi32, #tpu.memory_space<vmem>>
        %dma_start3A_305 = arith.constant 0 : i32
        %dma_start3A_306 = arith.constant 0 : i32
        %dma_start3A_307 = tpu.memref_slice %arg2[%arg0, %dma_start3A_305, %dma_start3A_306] : memref<2x10240x128xbf16, #tpu.memory_space<hbm>> -> memref<1x10240x128xbf16, #tpu.memory_space<hbm>>
        %dma_start3A_308 = tpu.memref_squeeze %dma_start3A_307 : memref<1x10240x128xbf16, #tpu.memory_space<hbm>> -> memref<10240x128xbf16, #tpu.memory_space<hbm>>
        %dma_start3A_309 = arith.constant 0 : i32
        %dma_start3A_310 = arith.constant 0 : i32
        %dma_start3A_311 = tpu.memref_slice %dma_start3A_308[%dma_start3A_309, %dma_start3A_310] : memref<10240x128xbf16, #tpu.memory_space<hbm>> -> memref<10240x128xbf16, #tpu.memory_space<hbm>>
        tpu.enqueue_indirect_dma source(%dma_start3A_311 : memref<10240x128xbf16, #tpu.memory_space<hbm>>) target(%arg8 : memref<128x128xbf16, #tpu.memory_space<vmem>>) offsets(%dma_start3A_304 : memref<128xi32, #tpu.memory_space<vmem>>) semaphore(%arg12 : memref<!tpu.dma_semaphore, #tpu.memory_space<semaphore_mem>>)
      } else {
      }
      %mul3A_234 = arith.constant 4 : i32
      %mul3A_235 = arith.muli %scan3A_178, %mul3A_234 : i32
      %add3A_236 = arith.constant 2 : i32
      %add3A_237 = arith.addi %mul3A_235, %add3A_236 : i32
      %dma_wait3A_238 = arith.constant 0 : i32
      %dma_wait3A_239 = arith.constant 0 : i32
      %dma_wait3A_240 = tpu.memref_slice %arg6[%add3A_237, %dma_wait3A_238, %dma_wait3A_239] : memref<40x2x128xi32, #tpu.memory_space<vmem>> -> memref<1x1x128xi32, #tpu.memory_space<vmem>>
      %dma_wait3A_241 = tpu.memref_squeeze %dma_wait3A_240 : memref<1x1x128xi32, #tpu.memory_space<vmem>> -> memref<128xi32, #tpu.memory_space<vmem>>
      %dma_wait3A_242 = arith.constant 0 : i32
      %dma_wait3A_243 = arith.constant 0 : i32
      %dma_wait3A_244 = tpu.memref_slice %arg2[%arg0, %dma_wait3A_242, %dma_wait3A_243] : memref<2x10240x128xbf16, #tpu.memory_space<hbm>> -> memref<1x10240x128xbf16, #tpu.memory_space<hbm>>
      %dma_wait3A_245 = tpu.memref_squeeze %dma_wait3A_244 : memref<1x10240x128xbf16, #tpu.memory_space<hbm>> -> memref<10240x128xbf16, #tpu.memory_space<hbm>>
      %dma_wait3A_246 = arith.constant 0 : i32
      %dma_wait3A_247 = arith.constant 0 : i32
      %dma_wait3A_248 = tpu.memref_slice %dma_wait3A_245[%dma_wait3A_246, %dma_wait3A_247] : memref<10240x128xbf16, #tpu.memory_space<hbm>> -> memref<10240x128xbf16, #tpu.memory_space<hbm>>
      tpu.wait_indirect_dma semaphore(%arg13 : memref<!tpu.dma_semaphore, #tpu.memory_space<semaphore_mem>>) src(%dma_wait3A_248 : memref<10240x128xbf16, #tpu.memory_space<hbm>>) dst(%arg9 : memref<128x128xbf16, #tpu.memory_space<vmem>>)
      %dma_start3A_249 = arith.constant 1 : i32
      %dma_start3A_250 = arith.constant 0 : i32
      %dma_start3A_251 = tpu.memref_slice %arg6[%add3A_237, %dma_start3A_249, %dma_start3A_250] : memref<40x2x128xi32, #tpu.memory_space<vmem>> -> memref<1x1x128xi32, #tpu.memory_space<vmem>>
      %dma_start3A_252 = tpu.memref_squeeze %dma_start3A_251 : memref<1x1x128xi32, #tpu.memory_space<vmem>> -> memref<128xi32, #tpu.memory_space<vmem>>
      %dma_start3A_253 = arith.constant 0 : i32
      %dma_start3A_254 = arith.constant 0 : i32
      %dma_start3A_255 = tpu.memref_slice %arg5[%dma_start3A_253, %dma_start3A_254] : memref<10240x128xbf16, #tpu.memory_space<vmem_shared>> -> memref<10240x128xbf16, #tpu.memory_space<vmem_shared>>
      tpu.enqueue_indirect_dma source(%arg9 : memref<128x128xbf16, #tpu.memory_space<vmem>>) target(%dma_start3A_255 : memref<10240x128xbf16, #tpu.memory_space<vmem_shared>>) offsets(%dma_start3A_252 : memref<128xi32, #tpu.memory_space<vmem>>) semaphore(%arg17 : memref<!tpu.dma_semaphore, #tpu.memory_space<semaphore_mem>>) {add = true}
      %add3A_256 = arith.constant 4 : i32
      %add3A_257 = arith.addi %add3A_237, %add3A_256 : i32
      %lt3A_258 = arith.constant 40 : i32
      %lt3A_259 = arith.cmpi slt, %add3A_257, %lt3A_258 : i32
      %convert_element_type3A_260 = arith.extui %lt3A_259 : i1 to i32
      %cond3A_261 = arith.constant 0 : i32
      %cond3A_262 = arith.cmpi ne, %convert_element_type3A_260, %cond3A_261 : i32
      scf.if %cond3A_262 {
        %dma_wait3A_292 = arith.constant 1 : i32
        %dma_wait3A_293 = arith.constant 0 : i32
        %dma_wait3A_294 = tpu.memref_slice %arg6[%add3A_237, %dma_wait3A_292, %dma_wait3A_293] : memref<40x2x128xi32, #tpu.memory_space<vmem>> -> memref<1x1x128xi32, #tpu.memory_space<vmem>>
        %dma_wait3A_295 = tpu.memref_squeeze %dma_wait3A_294 : memref<1x1x128xi32, #tpu.memory_space<vmem>> -> memref<128xi32, #tpu.memory_space<vmem>>
        %dma_wait3A_296 = arith.constant 0 : i32
        %dma_wait3A_297 = arith.constant 0 : i32
        %dma_wait3A_298 = tpu.memref_slice %arg5[%dma_wait3A_296, %dma_wait3A_297] : memref<10240x128xbf16, #tpu.memory_space<vmem_shared>> -> memref<10240x128xbf16, #tpu.memory_space<vmem_shared>>
        tpu.wait_indirect_dma semaphore(%arg17 : memref<!tpu.dma_semaphore, #tpu.memory_space<semaphore_mem>>) src(%arg9 : memref<128x128xbf16, #tpu.memory_space<vmem>>) dst(%dma_wait3A_298 : memref<10240x128xbf16, #tpu.memory_space<vmem_shared>>)
        %add3A_299 = arith.constant 4 : i32
        %add3A_300 = arith.addi %add3A_237, %add3A_299 : i32
        %dma_start3A_301 = arith.constant 0 : i32
        %dma_start3A_302 = arith.constant 0 : i32
        %dma_start3A_303 = tpu.memref_slice %arg6[%add3A_300, %dma_start3A_301, %dma_start3A_302] : memref<40x2x128xi32, #tpu.memory_space<vmem>> -> memref<1x1x128xi32, #tpu.memory_space<vmem>>
        %dma_start3A_304 = tpu.memref_squeeze %dma_start3A_303 : memref<1x1x128xi32, #tpu.memory_space<vmem>> -> memref<128xi32, #tpu.memory_space<vmem>>
        %dma_start3A_305 = arith.constant 0 : i32
        %dma_start3A_306 = arith.constant 0 : i32
        %dma_start3A_307 = tpu.memref_slice %arg2[%arg0, %dma_start3A_305, %dma_start3A_306] : memref<2x10240x128xbf16, #tpu.memory_space<hbm>> -> memref<1x10240x128xbf16, #tpu.memory_space<hbm>>
        %dma_start3A_308 = tpu.memref_squeeze %dma_start3A_307 : memref<1x10240x128xbf16, #tpu.memory_space<hbm>> -> memref<10240x128xbf16, #tpu.memory_space<hbm>>
        %dma_start3A_309 = arith.constant 0 : i32
        %dma_start3A_310 = arith.constant 0 : i32
        %dma_start3A_311 = tpu.memref_slice %dma_start3A_308[%dma_start3A_309, %dma_start3A_310] : memref<10240x128xbf16, #tpu.memory_space<hbm>> -> memref<10240x128xbf16, #tpu.memory_space<hbm>>
        tpu.enqueue_indirect_dma source(%dma_start3A_311 : memref<10240x128xbf16, #tpu.memory_space<hbm>>) target(%arg9 : memref<128x128xbf16, #tpu.memory_space<vmem>>) offsets(%dma_start3A_304 : memref<128xi32, #tpu.memory_space<vmem>>) semaphore(%arg13 : memref<!tpu.dma_semaphore, #tpu.memory_space<semaphore_mem>>)
      } else {
      }
      %mul3A_263 = arith.constant 4 : i32
      %mul3A_264 = arith.muli %scan3A_178, %mul3A_263 : i32
      %add3A_265 = arith.constant 3 : i32
      %add3A_266 = arith.addi %mul3A_264, %add3A_265 : i32
      %dma_wait3A_267 = arith.constant 0 : i32
      %dma_wait3A_268 = arith.constant 0 : i32
      %dma_wait3A_269 = tpu.memref_slice %arg6[%add3A_266, %dma_wait3A_267, %dma_wait3A_268] : memref<40x2x128xi32, #tpu.memory_space<vmem>> -> memref<1x1x128xi32, #tpu.memory_space<vmem>>
      %dma_wait3A_270 = tpu.memref_squeeze %dma_wait3A_269 : memref<1x1x128xi32, #tpu.memory_space<vmem>> -> memref<128xi32, #tpu.memory_space<vmem>>
      %dma_wait3A_271 = arith.constant 0 : i32
      %dma_wait3A_272 = arith.constant 0 : i32
      %dma_wait3A_273 = tpu.memref_slice %arg2[%arg0, %dma_wait3A_271, %dma_wait3A_272] : memref<2x10240x128xbf16, #tpu.memory_space<hbm>> -> memref<1x10240x128xbf16, #tpu.memory_space<hbm>>
      %dma_wait3A_274 = tpu.memref_squeeze %dma_wait3A_273 : memref<1x10240x128xbf16, #tpu.memory_space<hbm>> -> memref<10240x128xbf16, #tpu.memory_space<hbm>>
      %dma_wait3A_275 = arith.constant 0 : i32
      %dma_wait3A_276 = arith.constant 0 : i32
      %dma_wait3A_277 = tpu.memref_slice %dma_wait3A_274[%dma_wait3A_275, %dma_wait3A_276] : memref<10240x128xbf16, #tpu.memory_space<hbm>> -> memref<10240x128xbf16, #tpu.memory_space<hbm>>
      tpu.wait_indirect_dma semaphore(%arg14 : memref<!tpu.dma_semaphore, #tpu.memory_space<semaphore_mem>>) src(%dma_wait3A_277 : memref<10240x128xbf16, #tpu.memory_space<hbm>>) dst(%arg10 : memref<128x128xbf16, #tpu.memory_space<vmem>>)
      %dma_start3A_278 = arith.constant 1 : i32
      %dma_start3A_279 = arith.constant 0 : i32
      %dma_start3A_280 = tpu.memref_slice %arg6[%add3A_266, %dma_start3A_278, %dma_start3A_279] : memref<40x2x128xi32, #tpu.memory_space<vmem>> -> memref<1x1x128xi32, #tpu.memory_space<vmem>>
      %dma_start3A_281 = tpu.memref_squeeze %dma_start3A_280 : memref<1x1x128xi32, #tpu.memory_space<vmem>> -> memref<128xi32, #tpu.memory_space<vmem>>
      %dma_start3A_282 = arith.constant 0 : i32
      %dma_start3A_283 = arith.constant 0 : i32
      %dma_start3A_284 = tpu.memref_slice %arg5[%dma_start3A_282, %dma_start3A_283] : memref<10240x128xbf16, #tpu.memory_space<vmem_shared>> -> memref<10240x128xbf16, #tpu.memory_space<vmem_shared>>
      tpu.enqueue_indirect_dma source(%arg10 : memref<128x128xbf16, #tpu.memory_space<vmem>>) target(%dma_start3A_284 : memref<10240x128xbf16, #tpu.memory_space<vmem_shared>>) offsets(%dma_start3A_281 : memref<128xi32, #tpu.memory_space<vmem>>) semaphore(%arg18 : memref<!tpu.dma_semaphore, #tpu.memory_space<semaphore_mem>>) {add = true}
      %add3A_285 = arith.constant 4 : i32
      %add3A_286 = arith.addi %add3A_266, %add3A_285 : i32
      %lt3A_287 = arith.constant 40 : i32
      %lt3A_288 = arith.cmpi slt, %add3A_286, %lt3A_287 : i32
      %convert_element_type3A_289 = arith.extui %lt3A_288 : i1 to i32
      %cond3A_290 = arith.constant 0 : i32
      %cond3A_291 = arith.cmpi ne, %convert_element_type3A_289, %cond3A_290 : i32
      scf.if %cond3A_291 {
        %dma_wait3A_292 = arith.constant 1 : i32
        %dma_wait3A_293 = arith.constant 0 : i32
        %dma_wait3A_294 = tpu.memref_slice %arg6[%add3A_266, %dma_wait3A_292, %dma_wait3A_293] : memref<40x2x128xi32, #tpu.memory_space<vmem>> -> memref<1x1x128xi32, #tpu.memory_space<vmem>>
        %dma_wait3A_295 = tpu.memref_squeeze %dma_wait3A_294 : memref<1x1x128xi32, #tpu.memory_space<vmem>> -> memref<128xi32, #tpu.memory_space<vmem>>
        %dma_wait3A_296 = arith.constant 0 : i32
        %dma_wait3A_297 = arith.constant 0 : i32
        %dma_wait3A_298 = tpu.memref_slice %arg5[%dma_wait3A_296, %dma_wait3A_297] : memref<10240x128xbf16, #tpu.memory_space<vmem_shared>> -> memref<10240x128xbf16, #tpu.memory_space<vmem_shared>>
        tpu.wait_indirect_dma semaphore(%arg18 : memref<!tpu.dma_semaphore, #tpu.memory_space<semaphore_mem>>) src(%arg10 : memref<128x128xbf16, #tpu.memory_space<vmem>>) dst(%dma_wait3A_298 : memref<10240x128xbf16, #tpu.memory_space<vmem_shared>>)
        %add3A_299 = arith.constant 4 : i32
        %add3A_300 = arith.addi %add3A_266, %add3A_299 : i32
        %dma_start3A_301 = arith.constant 0 : i32
        %dma_start3A_302 = arith.constant 0 : i32
        %dma_start3A_303 = tpu.memref_slice %arg6[%add3A_300, %dma_start3A_301, %dma_start3A_302] : memref<40x2x128xi32, #tpu.memory_space<vmem>> -> memref<1x1x128xi32, #tpu.memory_space<vmem>>
        %dma_start3A_304 = tpu.memref_squeeze %dma_start3A_303 : memref<1x1x128xi32, #tpu.memory_space<vmem>> -> memref<128xi32, #tpu.memory_space<vmem>>
        %dma_start3A_305 = arith.constant 0 : i32
        %dma_start3A_306 = arith.constant 0 : i32
        %dma_start3A_307 = tpu.memref_slice %arg2[%arg0, %dma_start3A_305, %dma_start3A_306] : memref<2x10240x128xbf16, #tpu.memory_space<hbm>> -> memref<1x10240x128xbf16, #tpu.memory_space<hbm>>
        %dma_start3A_308 = tpu.memref_squeeze %dma_start3A_307 : memref<1x10240x128xbf16, #tpu.memory_space<hbm>> -> memref<10240x128xbf16, #tpu.memory_space<hbm>>
        %dma_start3A_309 = arith.constant 0 : i32
        %dma_start3A_310 = arith.constant 0 : i32
        %dma_start3A_311 = tpu.memref_slice %dma_start3A_308[%dma_start3A_309, %dma_start3A_310] : memref<10240x128xbf16, #tpu.memory_space<hbm>> -> memref<10240x128xbf16, #tpu.memory_space<hbm>>
        tpu.enqueue_indirect_dma source(%dma_start3A_311 : memref<10240x128xbf16, #tpu.memory_space<hbm>>) target(%arg10 : memref<128x128xbf16, #tpu.memory_space<vmem>>) offsets(%dma_start3A_304 : memref<128xi32, #tpu.memory_space<vmem>>) semaphore(%arg14 : memref<!tpu.dma_semaphore, #tpu.memory_space<semaphore_mem>>)
      } else {
      }
    }
    %scan3A_144 = arith.constant 10 : i32
    %dma_wait3A_145 = arith.constant 0 : i32
    %dma_wait3A_146 = arith.constant 1 : i32
    %dma_wait3A_147 = arith.constant 0 : i32
    %dma_wait3A_148 = tpu.memref_slice %arg6[%dma_wait3A_145, %dma_wait3A_146, %dma_wait3A_147] : memref<40x2x128xi32, #tpu.memory_space<vmem>> -> memref<1x1x128xi32, #tpu.memory_space<vmem>>
    %dma_wait3A_149 = tpu.memref_squeeze %dma_wait3A_148 : memref<1x1x128xi32, #tpu.memory_space<vmem>> -> memref<128xi32, #tpu.memory_space<vmem>>
    %dma_wait3A_150 = arith.constant 0 : i32
    %dma_wait3A_151 = arith.constant 0 : i32
    %dma_wait3A_152 = tpu.memref_slice %arg5[%dma_wait3A_150, %dma_wait3A_151] : memref<10240x128xbf16, #tpu.memory_space<vmem_shared>> -> memref<10240x128xbf16, #tpu.memory_space<vmem_shared>>
    tpu.wait_indirect_dma semaphore(%arg15 : memref<!tpu.dma_semaphore, #tpu.memory_space<semaphore_mem>>) src(%arg7 : memref<128x128xbf16, #tpu.memory_space<vmem>>) dst(%dma_wait3A_152 : memref<10240x128xbf16, #tpu.memory_space<vmem_shared>>)
    %dma_wait3A_153 = arith.constant 0 : i32
    %dma_wait3A_154 = arith.constant 1 : i32
    %dma_wait3A_155 = arith.constant 0 : i32
    %dma_wait3A_156 = tpu.memref_slice %arg6[%dma_wait3A_153, %dma_wait3A_154, %dma_wait3A_155] : memref<40x2x128xi32, #tpu.memory_space<vmem>> -> memref<1x1x128xi32, #tpu.memory_space<vmem>>
    %dma_wait3A_157 = tpu.memref_squeeze %dma_wait3A_156 : memref<1x1x128xi32, #tpu.memory_space<vmem>> -> memref<128xi32, #tpu.memory_space<vmem>>
    %dma_wait3A_158 = arith.constant 0 : i32
    %dma_wait3A_159 = arith.constant 0 : i32
    %dma_wait3A_160 = tpu.memref_slice %arg5[%dma_wait3A_158, %dma_wait3A_159] : memref<10240x128xbf16, #tpu.memory_space<vmem_shared>> -> memref<10240x128xbf16, #tpu.memory_space<vmem_shared>>
    tpu.wait_indirect_dma semaphore(%arg16 : memref<!tpu.dma_semaphore, #tpu.memory_space<semaphore_mem>>) src(%arg8 : memref<128x128xbf16, #tpu.memory_space<vmem>>) dst(%dma_wait3A_160 : memref<10240x128xbf16, #tpu.memory_space<vmem_shared>>)
    %dma_wait3A_161 = arith.constant 0 : i32
    %dma_wait3A_162 = arith.constant 1 : i32
    %dma_wait3A_163 = arith.constant 0 : i32
    %dma_wait3A_164 = tpu.memref_slice %arg6[%dma_wait3A_161, %dma_wait3A_162, %dma_wait3A_163] : memref<40x2x128xi32, #tpu.memory_space<vmem>> -> memref<1x1x128xi32, #tpu.memory_space<vmem>>
    %dma_wait3A_165 = tpu.memref_squeeze %dma_wait3A_164 : memref<1x1x128xi32, #tpu.memory_space<vmem>> -> memref<128xi32, #tpu.memory_space<vmem>>
    %dma_wait3A_166 = arith.constant 0 : i32
    %dma_wait3A_167 = arith.constant 0 : i32
    %dma_wait3A_168 = tpu.memref_slice %arg5[%dma_wait3A_166, %dma_wait3A_167] : memref<10240x128xbf16, #tpu.memory_space<vmem_shared>> -> memref<10240x128xbf16, #tpu.memory_space<vmem_shared>>
    tpu.wait_indirect_dma semaphore(%arg17 : memref<!tpu.dma_semaphore, #tpu.memory_space<semaphore_mem>>) src(%arg9 : memref<128x128xbf16, #tpu.memory_space<vmem>>) dst(%dma_wait3A_168 : memref<10240x128xbf16, #tpu.memory_space<vmem_shared>>)
    %dma_wait3A_169 = arith.constant 0 : i32
    %dma_wait3A_170 = arith.constant 1 : i32
    %dma_wait3A_171 = arith.constant 0 : i32
    %dma_wait3A_172 = tpu.memref_slice %arg6[%dma_wait3A_169, %dma_wait3A_170, %dma_wait3A_171] : memref<40x2x128xi32, #tpu.memory_space<vmem>> -> memref<1x1x128xi32, #tpu.memory_space<vmem>>
    %dma_wait3A_173 = tpu.memref_squeeze %dma_wait3A_172 : memref<1x1x128xi32, #tpu.memory_space<vmem>> -> memref<128xi32, #tpu.memory_space<vmem>>
    %dma_wait3A_174 = arith.constant 0 : i32
    %dma_wait3A_175 = arith.constant 0 : i32
    %dma_wait3A_176 = tpu.memref_slice %arg5[%dma_wait3A_174, %dma_wait3A_175] : memref<10240x128xbf16, #tpu.memory_space<vmem_shared>> -> memref<10240x128xbf16, #tpu.memory_space<vmem_shared>>
    tpu.wait_indirect_dma semaphore(%arg18 : memref<!tpu.dma_semaphore, #tpu.memory_space<semaphore_mem>>) src(%arg10 : memref<128x128xbf16, #tpu.memory_space<vmem>>) dst(%dma_wait3A_176 : memref<10240x128xbf16, #tpu.memory_space<vmem_shared>>)
    %barrier3A_177 = arith.constant 0 : index
    tpu.barrier barrier_id(%barrier3A_177)
    "tpu.region"() ({
      %run_scoped3A = tpu.sem_alloc : memref<!tpu.dma_semaphore, #tpu.memory_space<semaphore_mem>>
      %dma_start3A_178 = arith.constant 0 : i32
      %dma_start3A_179 = arith.constant 0 : i32
      %dma_start3A_180 = tpu.memref_slice %arg4[%arg0, %dma_start3A_178, %dma_start3A_179] : memref<2x10240x128xbf16, #tpu.memory_space<hbm>> -> memref<1x10240x128xbf16, #tpu.memory_space<hbm>>
      %dma_start3A_181 = tpu.memref_squeeze %dma_start3A_180 : memref<1x10240x128xbf16, #tpu.memory_space<hbm>> -> memref<10240x128xbf16, #tpu.memory_space<hbm>>
      %dma_start3A_182 = arith.constant 0 : i32
      %dma_start3A_183 = tpu.memref_slice %dma_start3A_181[%mul3A_0, %dma_start3A_182] : memref<10240x128xbf16, #tpu.memory_space<hbm>> -> memref<640x128xbf16, #tpu.memory_space<hbm>>
      %dma_start3A_184 = arith.constant 0 : i32
      %dma_start3A_185 = tpu.memref_slice %arg5[%mul3A_0, %dma_start3A_184] : memref<10240x128xbf16, #tpu.memory_space<vmem_shared>> -> memref<640x128xbf16, #tpu.memory_space<vmem_shared>>
      tpu.enqueue_dma source(%dma_start3A_185 : memref<640x128xbf16, #tpu.memory_space<vmem_shared>>) target(%dma_start3A_183 : memref<640x128xbf16, #tpu.memory_space<hbm>>) target_semaphore(%run_scoped3A : memref<!tpu.dma_semaphore, #tpu.memory_space<semaphore_mem>>)
      %dma_wait3A_186 = arith.constant 0 : i32
      %dma_wait3A_187 = arith.constant 0 : i32
      %dma_wait3A_188 = tpu.memref_slice %arg4[%arg0, %dma_wait3A_186, %dma_wait3A_187] : memref<2x10240x128xbf16, #tpu.memory_space<hbm>> -> memref<1x10240x128xbf16, #tpu.memory_space<hbm>>
      %dma_wait3A_189 = tpu.memref_squeeze %dma_wait3A_188 : memref<1x10240x128xbf16, #tpu.memory_space<hbm>> -> memref<10240x128xbf16, #tpu.memory_space<hbm>>
      %dma_wait3A_190 = arith.constant 0 : i32
      %dma_wait3A_191 = tpu.memref_slice %dma_wait3A_189[%mul3A_0, %dma_wait3A_190] : memref<10240x128xbf16, #tpu.memory_space<hbm>> -> memref<640x128xbf16, #tpu.memory_space<hbm>>
      %dma_wait3A_192 = arith.constant 0 : i32
      %dma_wait3A_193 = tpu.memref_slice %arg5[%mul3A_0, %dma_wait3A_192] : memref<10240x128xbf16, #tpu.memory_space<vmem_shared>> -> memref<640x128xbf16, #tpu.memory_space<vmem_shared>>
      tpu.wait_dma2 semaphore(%run_scoped3A : memref<!tpu.dma_semaphore, #tpu.memory_space<semaphore_mem>>) src(%dma_wait3A_193 : memref<640x128xbf16, #tpu.memory_space<vmem_shared>>) dst(%dma_wait3A_191 : memref<640x128xbf16, #tpu.memory_space<hbm>>)
      tpu.yield
    }) : () -> ()
    return
  }
}

#map = affine_map<(d0, d1) -> (0, 0)>
#map1 = affine_map<(d0, d1) -> (0, 0, 0)>
module attributes {stable_mosaic.version = 14 : i64} {
  func.func @agg_kernel(%arg0: i32, %arg1: i32, %arg2: memref<10240x64xf32, #tpu.memory_space<hbm>>, %arg3: memref<1280x2x128xi32, #tpu.memory_space<hbm>>, %arg4: memref<2x10240x64xf32, #tpu.memory_space<hbm>>, %arg5: memref<10240x64xf32, #tpu.memory_space<vmem_shared>>, %arg6: memref<40x2x128xi32, #tpu.memory_space<vmem>>, %arg7: memref<128x64xf32, #tpu.memory_space<vmem>>, %arg8: memref<128x64xf32, #tpu.memory_space<vmem>>, %arg9: memref<128x64xf32, #tpu.memory_space<vmem>>, %arg10: memref<128x64xf32, #tpu.memory_space<vmem>>, %arg11: memref<128x64xf32, #tpu.memory_space<vmem>>, %arg12: memref<!tpu.dma_semaphore, #tpu.memory_space<semaphore_mem>>, %arg13: memref<!tpu.dma_semaphore, #tpu.memory_space<semaphore_mem>>, %arg14: memref<!tpu.dma_semaphore, #tpu.memory_space<semaphore_mem>>, %arg15: memref<!tpu.dma_semaphore, #tpu.memory_space<semaphore_mem>>, %arg16: memref<!tpu.dma_semaphore, #tpu.memory_space<semaphore_mem>>, %arg17: memref<!tpu.dma_semaphore, #tpu.memory_space<semaphore_mem>>, %arg18: memref<!tpu.dma_semaphore, #tpu.memory_space<semaphore_mem>>, %arg19: memref<!tpu.dma_semaphore, #tpu.memory_space<semaphore_mem>>) attributes {dimension_semantics = [#tpu.dimension_semantics<core_parallel>, #tpu.dimension_semantics<subcore_parallel>], iteration_bounds = array<i64: 2, 16>, scalar_prefetch = 0 : i64, scratch_operands = 15 : i64, tpu.core_type = #tpu.core_type<sc_vector_subcore>, window_params = [{transform_indices = #map}, {transform_indices = #map1}, {transform_indices = #map1}]} {
    %mul3A = arith.constant 640 : i32
    %mul3A_0 = arith.muli %arg1, %mul3A : i32
    %eq3A = arith.constant 0 : i32
    %eq3A_1 = arith.cmpi eq, %arg0, %eq3A : i32
    %convert_element_type3A = arith.extui %eq3A_1 : i1 to i32
    %cond3A = arith.constant 0 : i32
    %cond3A_2 = arith.cmpi ne, %convert_element_type3A, %cond3A : i32
    scf.if %cond3A_2 {
      "tpu.region"() ({
        %run_scoped3A = tpu.sem_alloc : memref<!tpu.dma_semaphore, #tpu.memory_space<semaphore_mem>>
        %dma_start3A_80 = arith.constant 0 : i32
        %dma_start3A_81 = tpu.memref_slice %arg5[%mul3A_0, %dma_start3A_80] : memref<10240x64xf32, #tpu.memory_space<vmem_shared>> -> memref<640x64xf32, #tpu.memory_space<vmem_shared>>
        %dma_start3A_82 = arith.constant 0 : i32
        %dma_start3A_83 = tpu.memref_slice %arg2[%mul3A_0, %dma_start3A_82] : memref<10240x64xf32, #tpu.memory_space<hbm>> -> memref<640x64xf32, #tpu.memory_space<hbm>>
        tpu.enqueue_dma source(%dma_start3A_83 : memref<640x64xf32, #tpu.memory_space<hbm>>) target(%dma_start3A_81 : memref<640x64xf32, #tpu.memory_space<vmem_shared>>) target_semaphore(%run_scoped3A : memref<!tpu.dma_semaphore, #tpu.memory_space<semaphore_mem>>)
        %dma_wait3A_84 = arith.constant 0 : i32
        %dma_wait3A_85 = tpu.memref_slice %arg5[%mul3A_0, %dma_wait3A_84] : memref<10240x64xf32, #tpu.memory_space<vmem_shared>> -> memref<640x64xf32, #tpu.memory_space<vmem_shared>>
        %dma_wait3A_86 = arith.constant 0 : i32
        %dma_wait3A_87 = tpu.memref_slice %arg2[%mul3A_0, %dma_wait3A_86] : memref<10240x64xf32, #tpu.memory_space<hbm>> -> memref<640x64xf32, #tpu.memory_space<hbm>>
        tpu.wait_dma2 semaphore(%run_scoped3A : memref<!tpu.dma_semaphore, #tpu.memory_space<semaphore_mem>>) src(%dma_wait3A_87 : memref<640x64xf32, #tpu.memory_space<hbm>>) dst(%dma_wait3A_85 : memref<640x64xf32, #tpu.memory_space<vmem_shared>>)
        tpu.yield
      }) : () -> ()
    } else {
    }
    %eq3A_3 = arith.constant 1 : i32
    %eq3A_4 = arith.cmpi eq, %arg0, %eq3A_3 : i32
    %convert_element_type3A_5 = arith.extui %eq3A_4 : i1 to i32
    %cond3A_6 = arith.constant 0 : i32
    %cond3A_7 = arith.cmpi ne, %convert_element_type3A_5, %cond3A_6 : i32
    scf.if %cond3A_7 {
      %broadcast_in_dim3A = arith.constant 0.000000e+00 : f32
      %broadcast_in_dim3A_80 = vector.broadcast %broadcast_in_dim3A : f32 to vector<16xf32>
      %scan3A_81 = arith.constant 0 : i32
      %scan3A_82 = arith.constant 0 : i32
      %scan3A_83 = arith.constant 128 : i32
      %scan3A_84 = arith.addi %scan3A_82, %scan3A_83 : i32
      %scan3A_85 = arith.constant 1 : i32
      scf.for %scan3A_97 = %scan3A_82 to %scan3A_84 step %scan3A_85  : i32 {
        %swap3A = arith.index_cast %scan3A_97 : i32 to index
        %swap3A_98 = arith.constant 0 : index
        %swap3A_99 = tpu.vector_load %arg7[%swap3A, %swap3A_98] {strides = array<i32>} : memref<128x64xf32, #tpu.memory_space<vmem>>, vector<16xf32>,
        tpu.vector_store %arg7[%swap3A, %swap3A_98], %broadcast_in_dim3A_80 {strides = array<i32>} : memref<128x64xf32, #tpu.memory_space<vmem>>, vector<16xf32>,
        %swap3A_100 = arith.index_cast %scan3A_97 : i32 to index
        %swap3A_101 = arith.constant 16 : index
        %swap3A_102 = tpu.vector_load %arg7[%swap3A_100, %swap3A_101] {strides = array<i32>} : memref<128x64xf32, #tpu.memory_space<vmem>>, vector<16xf32>,
        tpu.vector_store %arg7[%swap3A_100, %swap3A_101], %broadcast_in_dim3A_80 {strides = array<i32>} : memref<128x64xf32, #tpu.memory_space<vmem>>, vector<16xf32>,
        %swap3A_103 = arith.index_cast %scan3A_97 : i32 to index
        %swap3A_104 = arith.constant 32 : index
        %swap3A_105 = tpu.vector_load %arg7[%swap3A_103, %swap3A_104] {strides = array<i32>} : memref<128x64xf32, #tpu.memory_space<vmem>>, vector<16xf32>,
        tpu.vector_store %arg7[%swap3A_103, %swap3A_104], %broadcast_in_dim3A_80 {strides = array<i32>} : memref<128x64xf32, #tpu.memory_space<vmem>>, vector<16xf32>,
        %swap3A_106 = arith.index_cast %scan3A_97 : i32 to index
        %swap3A_107 = arith.constant 48 : index
        %swap3A_108 = tpu.vector_load %arg7[%swap3A_106, %swap3A_107] {strides = array<i32>} : memref<128x64xf32, #tpu.memory_space<vmem>>, vector<16xf32>,
        tpu.vector_store %arg7[%swap3A_106, %swap3A_107], %broadcast_in_dim3A_80 {strides = array<i32>} : memref<128x64xf32, #tpu.memory_space<vmem>>, vector<16xf32>,
      }
      %scan3A_86 = arith.constant 128 : i32
      %add3A_87 = arith.constant 0 : i32
      %add3A_88 = arith.addi %mul3A_0, %add3A_87 : i32
      "tpu.region"() ({
        %run_scoped3A = tpu.sem_alloc : memref<!tpu.dma_semaphore, #tpu.memory_space<semaphore_mem>>
        %dma_start3A_97 = arith.constant 0 : i32
        %dma_start3A_98 = tpu.memref_slice %arg5[%add3A_88, %dma_start3A_97] : memref<10240x64xf32, #tpu.memory_space<vmem_shared>> -> memref<128x64xf32, #tpu.memory_space<vmem_shared>>
        %dma_start3A_99 = arith.constant 0 : i32
        %dma_start3A_100 = tpu.memref_slice %arg5[%add3A_88, %dma_start3A_99] : memref<10240x64xf32, #tpu.memory_space<vmem_shared>> -> memref<128x64xf32, #tpu.memory_space<vmem_shared>>
        tpu.enqueue_dma source(%arg7 : memref<128x64xf32, #tpu.memory_space<vmem>>) target(%dma_start3A_100 : memref<128x64xf32, #tpu.memory_space<vmem_shared>>) target_semaphore(%run_scoped3A : memref<!tpu.dma_semaphore, #tpu.memory_space<semaphore_mem>>)
        %dma_wait3A_101 = arith.constant 0 : i32
        %dma_wait3A_102 = tpu.memref_slice %arg5[%add3A_88, %dma_wait3A_101] : memref<10240x64xf32, #tpu.memory_space<vmem_shared>> -> memref<128x64xf32, #tpu.memory_space<vmem_shared>>
        %dma_wait3A_103 = arith.constant 0 : i32
        %dma_wait3A_104 = tpu.memref_slice %arg5[%add3A_88, %dma_wait3A_103] : memref<10240x64xf32, #tpu.memory_space<vmem_shared>> -> memref<128x64xf32, #tpu.memory_space<vmem_shared>>
        tpu.wait_dma2 semaphore(%run_scoped3A : memref<!tpu.dma_semaphore, #tpu.memory_space<semaphore_mem>>) src(%arg7 : memref<128x64xf32, #tpu.memory_space<vmem>>) dst(%dma_wait3A_104 : memref<128x64xf32, #tpu.memory_space<vmem_shared>>)
        tpu.yield
      }) : () -> ()
      %add3A_89 = arith.constant 128 : i32
      %add3A_90 = arith.addi %mul3A_0, %add3A_89 : i32
      "tpu.region"() ({
        %run_scoped3A = tpu.sem_alloc : memref<!tpu.dma_semaphore, #tpu.memory_space<semaphore_mem>>
        %dma_start3A_97 = arith.constant 0 : i32
        %dma_start3A_98 = tpu.memref_slice %arg5[%add3A_90, %dma_start3A_97] : memref<10240x64xf32, #tpu.memory_space<vmem_shared>> -> memref<128x64xf32, #tpu.memory_space<vmem_shared>>
        %dma_start3A_99 = arith.constant 0 : i32
        %dma_start3A_100 = tpu.memref_slice %arg5[%add3A_90, %dma_start3A_99] : memref<10240x64xf32, #tpu.memory_space<vmem_shared>> -> memref<128x64xf32, #tpu.memory_space<vmem_shared>>
        tpu.enqueue_dma source(%arg7 : memref<128x64xf32, #tpu.memory_space<vmem>>) target(%dma_start3A_100 : memref<128x64xf32, #tpu.memory_space<vmem_shared>>) target_semaphore(%run_scoped3A : memref<!tpu.dma_semaphore, #tpu.memory_space<semaphore_mem>>)
        %dma_wait3A_101 = arith.constant 0 : i32
        %dma_wait3A_102 = tpu.memref_slice %arg5[%add3A_90, %dma_wait3A_101] : memref<10240x64xf32, #tpu.memory_space<vmem_shared>> -> memref<128x64xf32, #tpu.memory_space<vmem_shared>>
        %dma_wait3A_103 = arith.constant 0 : i32
        %dma_wait3A_104 = tpu.memref_slice %arg5[%add3A_90, %dma_wait3A_103] : memref<10240x64xf32, #tpu.memory_space<vmem_shared>> -> memref<128x64xf32, #tpu.memory_space<vmem_shared>>
        tpu.wait_dma2 semaphore(%run_scoped3A : memref<!tpu.dma_semaphore, #tpu.memory_space<semaphore_mem>>) src(%arg7 : memref<128x64xf32, #tpu.memory_space<vmem>>) dst(%dma_wait3A_104 : memref<128x64xf32, #tpu.memory_space<vmem_shared>>)
        tpu.yield
      }) : () -> ()
      %add3A_91 = arith.constant 256 : i32
      %add3A_92 = arith.addi %mul3A_0, %add3A_91 : i32
      "tpu.region"() ({
        %run_scoped3A = tpu.sem_alloc : memref<!tpu.dma_semaphore, #tpu.memory_space<semaphore_mem>>
        %dma_start3A_97 = arith.constant 0 : i32
        %dma_start3A_98 = tpu.memref_slice %arg5[%add3A_92, %dma_start3A_97] : memref<10240x64xf32, #tpu.memory_space<vmem_shared>> -> memref<128x64xf32, #tpu.memory_space<vmem_shared>>
        %dma_start3A_99 = arith.constant 0 : i32
        %dma_start3A_100 = tpu.memref_slice %arg5[%add3A_92, %dma_start3A_99] : memref<10240x64xf32, #tpu.memory_space<vmem_shared>> -> memref<128x64xf32, #tpu.memory_space<vmem_shared>>
        tpu.enqueue_dma source(%arg7 : memref<128x64xf32, #tpu.memory_space<vmem>>) target(%dma_start3A_100 : memref<128x64xf32, #tpu.memory_space<vmem_shared>>) target_semaphore(%run_scoped3A : memref<!tpu.dma_semaphore, #tpu.memory_space<semaphore_mem>>)
        %dma_wait3A_101 = arith.constant 0 : i32
        %dma_wait3A_102 = tpu.memref_slice %arg5[%add3A_92, %dma_wait3A_101] : memref<10240x64xf32, #tpu.memory_space<vmem_shared>> -> memref<128x64xf32, #tpu.memory_space<vmem_shared>>
        %dma_wait3A_103 = arith.constant 0 : i32
        %dma_wait3A_104 = tpu.memref_slice %arg5[%add3A_92, %dma_wait3A_103] : memref<10240x64xf32, #tpu.memory_space<vmem_shared>> -> memref<128x64xf32, #tpu.memory_space<vmem_shared>>
        tpu.wait_dma2 semaphore(%run_scoped3A : memref<!tpu.dma_semaphore, #tpu.memory_space<semaphore_mem>>) src(%arg7 : memref<128x64xf32, #tpu.memory_space<vmem>>) dst(%dma_wait3A_104 : memref<128x64xf32, #tpu.memory_space<vmem_shared>>)
        tpu.yield
      }) : () -> ()
      %add3A_93 = arith.constant 384 : i32
      %add3A_94 = arith.addi %mul3A_0, %add3A_93 : i32
      "tpu.region"() ({
        %run_scoped3A = tpu.sem_alloc : memref<!tpu.dma_semaphore, #tpu.memory_space<semaphore_mem>>
        %dma_start3A_97 = arith.constant 0 : i32
        %dma_start3A_98 = tpu.memref_slice %arg5[%add3A_94, %dma_start3A_97] : memref<10240x64xf32, #tpu.memory_space<vmem_shared>> -> memref<128x64xf32, #tpu.memory_space<vmem_shared>>
        %dma_start3A_99 = arith.constant 0 : i32
        %dma_start3A_100 = tpu.memref_slice %arg5[%add3A_94, %dma_start3A_99] : memref<10240x64xf32, #tpu.memory_space<vmem_shared>> -> memref<128x64xf32, #tpu.memory_space<vmem_shared>>
        tpu.enqueue_dma source(%arg7 : memref<128x64xf32, #tpu.memory_space<vmem>>) target(%dma_start3A_100 : memref<128x64xf32, #tpu.memory_space<vmem_shared>>) target_semaphore(%run_scoped3A : memref<!tpu.dma_semaphore, #tpu.memory_space<semaphore_mem>>)
        %dma_wait3A_101 = arith.constant 0 : i32
        %dma_wait3A_102 = tpu.memref_slice %arg5[%add3A_94, %dma_wait3A_101] : memref<10240x64xf32, #tpu.memory_space<vmem_shared>> -> memref<128x64xf32, #tpu.memory_space<vmem_shared>>
        %dma_wait3A_103 = arith.constant 0 : i32
        %dma_wait3A_104 = tpu.memref_slice %arg5[%add3A_94, %dma_wait3A_103] : memref<10240x64xf32, #tpu.memory_space<vmem_shared>> -> memref<128x64xf32, #tpu.memory_space<vmem_shared>>
        tpu.wait_dma2 semaphore(%run_scoped3A : memref<!tpu.dma_semaphore, #tpu.memory_space<semaphore_mem>>) src(%arg7 : memref<128x64xf32, #tpu.memory_space<vmem>>) dst(%dma_wait3A_104 : memref<128x64xf32, #tpu.memory_space<vmem_shared>>)
        tpu.yield
      }) : () -> ()
      %add3A_95 = arith.constant 512 : i32
      %add3A_96 = arith.addi %mul3A_0, %add3A_95 : i32
      "tpu.region"() ({
        %run_scoped3A = tpu.sem_alloc : memref<!tpu.dma_semaphore, #tpu.memory_space<semaphore_mem>>
        %dma_start3A_97 = arith.constant 0 : i32
        %dma_start3A_98 = tpu.memref_slice %arg5[%add3A_96, %dma_start3A_97] : memref<10240x64xf32, #tpu.memory_space<vmem_shared>> -> memref<128x64xf32, #tpu.memory_space<vmem_shared>>
        %dma_start3A_99 = arith.constant 0 : i32
        %dma_start3A_100 = tpu.memref_slice %arg5[%add3A_96, %dma_start3A_99] : memref<10240x64xf32, #tpu.memory_space<vmem_shared>> -> memref<128x64xf32, #tpu.memory_space<vmem_shared>>
        tpu.enqueue_dma source(%arg7 : memref<128x64xf32, #tpu.memory_space<vmem>>) target(%dma_start3A_100 : memref<128x64xf32, #tpu.memory_space<vmem_shared>>) target_semaphore(%run_scoped3A : memref<!tpu.dma_semaphore, #tpu.memory_space<semaphore_mem>>)
        %dma_wait3A_101 = arith.constant 0 : i32
        %dma_wait3A_102 = tpu.memref_slice %arg5[%add3A_96, %dma_wait3A_101] : memref<10240x64xf32, #tpu.memory_space<vmem_shared>> -> memref<128x64xf32, #tpu.memory_space<vmem_shared>>
        %dma_wait3A_103 = arith.constant 0 : i32
        %dma_wait3A_104 = tpu.memref_slice %arg5[%add3A_96, %dma_wait3A_103] : memref<10240x64xf32, #tpu.memory_space<vmem_shared>> -> memref<128x64xf32, #tpu.memory_space<vmem_shared>>
        tpu.wait_dma2 semaphore(%run_scoped3A : memref<!tpu.dma_semaphore, #tpu.memory_space<semaphore_mem>>) src(%arg7 : memref<128x64xf32, #tpu.memory_space<vmem>>) dst(%dma_wait3A_104 : memref<128x64xf32, #tpu.memory_space<vmem_shared>>)
        tpu.yield
      }) : () -> ()
    } else {
    }
    %barrier3A = arith.constant 0 : index
    tpu.barrier barrier_id(%barrier3A)
    %mul3A_8 = arith.constant 640 : i32
    %mul3A_9 = arith.muli %arg0, %mul3A_8 : i32
    %mul3A_10 = arith.constant 40 : i32
    %mul3A_11 = arith.muli %arg1, %mul3A_10 : i32
    %add3A = arith.addi %mul3A_9, %mul3A_11 : i32
    "tpu.region"() ({
      %run_scoped3A = tpu.sem_alloc : memref<!tpu.dma_semaphore, #tpu.memory_space<semaphore_mem>>
      %dma_start3A_80 = arith.constant 0 : i32
      %dma_start3A_81 = arith.constant 0 : i32
      %dma_start3A_82 = tpu.memref_slice %arg3[%add3A, %dma_start3A_80, %dma_start3A_81] : memref<1280x2x128xi32, #tpu.memory_space<hbm>> -> memref<40x2x128xi32, #tpu.memory_space<hbm>>
      %dma_start3A_83 = arith.constant 0 : i32
      %dma_start3A_84 = arith.constant 0 : i32
      %dma_start3A_85 = tpu.memref_slice %arg3[%add3A, %dma_start3A_83, %dma_start3A_84] : memref<1280x2x128xi32, #tpu.memory_space<hbm>> -> memref<40x2x128xi32, #tpu.memory_space<hbm>>
      tpu.enqueue_dma source(%dma_start3A_85 : memref<40x2x128xi32, #tpu.memory_space<hbm>>) target(%arg6 : memref<40x2x128xi32, #tpu.memory_space<vmem>>) target_semaphore(%run_scoped3A : memref<!tpu.dma_semaphore, #tpu.memory_space<semaphore_mem>>)
      %dma_wait3A_86 = arith.constant 0 : i32
      %dma_wait3A_87 = arith.constant 0 : i32
      %dma_wait3A_88 = tpu.memref_slice %arg3[%add3A, %dma_wait3A_86, %dma_wait3A_87] : memref<1280x2x128xi32, #tpu.memory_space<hbm>> -> memref<40x2x128xi32, #tpu.memory_space<hbm>>
      %dma_wait3A_89 = arith.constant 0 : i32
      %dma_wait3A_90 = arith.constant 0 : i32
      %dma_wait3A_91 = tpu.memref_slice %arg3[%add3A, %dma_wait3A_89, %dma_wait3A_90] : memref<1280x2x128xi32, #tpu.memory_space<hbm>> -> memref<40x2x128xi32, #tpu.memory_space<hbm>>
      tpu.wait_dma2 semaphore(%run_scoped3A : memref<!tpu.dma_semaphore, #tpu.memory_space<semaphore_mem>>) src(%dma_wait3A_91 : memref<40x2x128xi32, #tpu.memory_space<hbm>>) dst(%arg6 : memref<40x2x128xi32, #tpu.memory_space<vmem>>)
      tpu.yield
    }) : () -> ()
    %dma_start3A = arith.constant 0 : i32
    %dma_start3A_12 = arith.constant 0 : i32
    %dma_start3A_13 = arith.constant 0 : i32
    %dma_start3A_14 = tpu.memref_slice %arg6[%dma_start3A, %dma_start3A_12, %dma_start3A_13] : memref<40x2x128xi32, #tpu.memory_space<vmem>> -> memref<1x1x128xi32, #tpu.memory_space<vmem>>
    %dma_start3A_15 = tpu.memref_squeeze %dma_start3A_14 : memref<1x1x128xi32, #tpu.memory_space<vmem>> -> memref<128xi32, #tpu.memory_space<vmem>>
    %dma_start3A_16 = arith.constant 0 : i32
    %dma_start3A_17 = arith.constant 0 : i32
    %dma_start3A_18 = tpu.memref_slice %arg2[%dma_start3A_16, %dma_start3A_17] : memref<10240x64xf32, #tpu.memory_space<hbm>> -> memref<10240x64xf32, #tpu.memory_space<hbm>>
    tpu.enqueue_indirect_dma source(%dma_start3A_18 : memref<10240x64xf32, #tpu.memory_space<hbm>>) target(%arg8 : memref<128x64xf32, #tpu.memory_space<vmem>>) offsets(%dma_start3A_15 : memref<128xi32, #tpu.memory_space<vmem>>) semaphore(%arg12 : memref<!tpu.dma_semaphore, #tpu.memory_space<semaphore_mem>>)
    %dma_start3A_19 = arith.constant 1 : i32
    %dma_start3A_20 = arith.constant 0 : i32
    %dma_start3A_21 = arith.constant 0 : i32
    %dma_start3A_22 = tpu.memref_slice %arg6[%dma_start3A_19, %dma_start3A_20, %dma_start3A_21] : memref<40x2x128xi32, #tpu.memory_space<vmem>> -> memref<1x1x128xi32, #tpu.memory_space<vmem>>
    %dma_start3A_23 = tpu.memref_squeeze %dma_start3A_22 : memref<1x1x128xi32, #tpu.memory_space<vmem>> -> memref<128xi32, #tpu.memory_space<vmem>>
    %dma_start3A_24 = arith.constant 0 : i32
    %dma_start3A_25 = arith.constant 0 : i32
    %dma_start3A_26 = tpu.memref_slice %arg2[%dma_start3A_24, %dma_start3A_25] : memref<10240x64xf32, #tpu.memory_space<hbm>> -> memref<10240x64xf32, #tpu.memory_space<hbm>>
    tpu.enqueue_indirect_dma source(%dma_start3A_26 : memref<10240x64xf32, #tpu.memory_space<hbm>>) target(%arg9 : memref<128x64xf32, #tpu.memory_space<vmem>>) offsets(%dma_start3A_23 : memref<128xi32, #tpu.memory_space<vmem>>) semaphore(%arg13 : memref<!tpu.dma_semaphore, #tpu.memory_space<semaphore_mem>>)
    %dma_start3A_27 = arith.constant 2 : i32
    %dma_start3A_28 = arith.constant 0 : i32
    %dma_start3A_29 = arith.constant 0 : i32
    %dma_start3A_30 = tpu.memref_slice %arg6[%dma_start3A_27, %dma_start3A_28, %dma_start3A_29] : memref<40x2x128xi32, #tpu.memory_space<vmem>> -> memref<1x1x128xi32, #tpu.memory_space<vmem>>
    %dma_start3A_31 = tpu.memref_squeeze %dma_start3A_30 : memref<1x1x128xi32, #tpu.memory_space<vmem>> -> memref<128xi32, #tpu.memory_space<vmem>>
    %dma_start3A_32 = arith.constant 0 : i32
    %dma_start3A_33 = arith.constant 0 : i32
    %dma_start3A_34 = tpu.memref_slice %arg2[%dma_start3A_32, %dma_start3A_33] : memref<10240x64xf32, #tpu.memory_space<hbm>> -> memref<10240x64xf32, #tpu.memory_space<hbm>>
    tpu.enqueue_indirect_dma source(%dma_start3A_34 : memref<10240x64xf32, #tpu.memory_space<hbm>>) target(%arg10 : memref<128x64xf32, #tpu.memory_space<vmem>>) offsets(%dma_start3A_31 : memref<128xi32, #tpu.memory_space<vmem>>) semaphore(%arg14 : memref<!tpu.dma_semaphore, #tpu.memory_space<semaphore_mem>>)
    %dma_start3A_35 = arith.constant 3 : i32
    %dma_start3A_36 = arith.constant 0 : i32
    %dma_start3A_37 = arith.constant 0 : i32
    %dma_start3A_38 = tpu.memref_slice %arg6[%dma_start3A_35, %dma_start3A_36, %dma_start3A_37] : memref<40x2x128xi32, #tpu.memory_space<vmem>> -> memref<1x1x128xi32, #tpu.memory_space<vmem>>
    %dma_start3A_39 = tpu.memref_squeeze %dma_start3A_38 : memref<1x1x128xi32, #tpu.memory_space<vmem>> -> memref<128xi32, #tpu.memory_space<vmem>>
    %dma_start3A_40 = arith.constant 0 : i32
    %dma_start3A_41 = arith.constant 0 : i32
    %dma_start3A_42 = tpu.memref_slice %arg2[%dma_start3A_40, %dma_start3A_41] : memref<10240x64xf32, #tpu.memory_space<hbm>> -> memref<10240x64xf32, #tpu.memory_space<hbm>>
    tpu.enqueue_indirect_dma source(%dma_start3A_42 : memref<10240x64xf32, #tpu.memory_space<hbm>>) target(%arg11 : memref<128x64xf32, #tpu.memory_space<vmem>>) offsets(%dma_start3A_39 : memref<128xi32, #tpu.memory_space<vmem>>) semaphore(%arg15 : memref<!tpu.dma_semaphore, #tpu.memory_space<semaphore_mem>>)
    %scan3A = arith.constant 0 : i32
    %scan3A_43 = arith.constant 0 : i32
    %scan3A_44 = arith.constant 10 : i32
    %scan3A_45 = arith.addi %scan3A_43, %scan3A_44 : i32
    %scan3A_46 = arith.constant 1 : i32
    scf.for %scan3A_80 = %scan3A_43 to %scan3A_45 step %scan3A_46  : i32 {
      %mul3A_81 = arith.constant 4 : i32
      %mul3A_82 = arith.muli %scan3A_80, %mul3A_81 : i32
      %add3A_83 = arith.constant 0 : i32
      %add3A_84 = arith.addi %mul3A_82, %add3A_83 : i32
      %dma_wait3A_85 = arith.constant 0 : i32
      %dma_wait3A_86 = arith.constant 0 : i32
      %dma_wait3A_87 = tpu.memref_slice %arg6[%add3A_84, %dma_wait3A_85, %dma_wait3A_86] : memref<40x2x128xi32, #tpu.memory_space<vmem>> -> memref<1x1x128xi32, #tpu.memory_space<vmem>>
      %dma_wait3A_88 = tpu.memref_squeeze %dma_wait3A_87 : memref<1x1x128xi32, #tpu.memory_space<vmem>> -> memref<128xi32, #tpu.memory_space<vmem>>
      %dma_wait3A_89 = arith.constant 0 : i32
      %dma_wait3A_90 = arith.constant 0 : i32
      %dma_wait3A_91 = tpu.memref_slice %arg2[%dma_wait3A_89, %dma_wait3A_90] : memref<10240x64xf32, #tpu.memory_space<hbm>> -> memref<10240x64xf32, #tpu.memory_space<hbm>>
      tpu.wait_indirect_dma semaphore(%arg12 : memref<!tpu.dma_semaphore, #tpu.memory_space<semaphore_mem>>) src(%dma_wait3A_91 : memref<10240x64xf32, #tpu.memory_space<hbm>>) dst(%arg8 : memref<128x64xf32, #tpu.memory_space<vmem>>)
      %dma_start3A_92 = arith.constant 1 : i32
      %dma_start3A_93 = arith.constant 0 : i32
      %dma_start3A_94 = tpu.memref_slice %arg6[%add3A_84, %dma_start3A_92, %dma_start3A_93] : memref<40x2x128xi32, #tpu.memory_space<vmem>> -> memref<1x1x128xi32, #tpu.memory_space<vmem>>
      %dma_start3A_95 = tpu.memref_squeeze %dma_start3A_94 : memref<1x1x128xi32, #tpu.memory_space<vmem>> -> memref<128xi32, #tpu.memory_space<vmem>>
      %dma_start3A_96 = arith.constant 0 : i32
      %dma_start3A_97 = arith.constant 0 : i32
      %dma_start3A_98 = tpu.memref_slice %arg5[%dma_start3A_96, %dma_start3A_97] : memref<10240x64xf32, #tpu.memory_space<vmem_shared>> -> memref<10240x64xf32, #tpu.memory_space<vmem_shared>>
      tpu.enqueue_indirect_dma source(%arg8 : memref<128x64xf32, #tpu.memory_space<vmem>>) target(%dma_start3A_98 : memref<10240x64xf32, #tpu.memory_space<vmem_shared>>) offsets(%dma_start3A_95 : memref<128xi32, #tpu.memory_space<vmem>>) semaphore(%arg16 : memref<!tpu.dma_semaphore, #tpu.memory_space<semaphore_mem>>) {add = true}
      %add3A_99 = arith.constant 4 : i32
      %add3A_100 = arith.addi %add3A_84, %add3A_99 : i32
      %lt3A = arith.constant 40 : i32
      %lt3A_101 = arith.cmpi slt, %add3A_100, %lt3A : i32
      %convert_element_type3A_102 = arith.extui %lt3A_101 : i1 to i32
      %cond3A_103 = arith.constant 0 : i32
      %cond3A_104 = arith.cmpi ne, %convert_element_type3A_102, %cond3A_103 : i32
      scf.if %cond3A_104 {
        %dma_wait3A_180 = arith.constant 1 : i32
        %dma_wait3A_181 = arith.constant 0 : i32
        %dma_wait3A_182 = tpu.memref_slice %arg6[%add3A_84, %dma_wait3A_180, %dma_wait3A_181] : memref<40x2x128xi32, #tpu.memory_space<vmem>> -> memref<1x1x128xi32, #tpu.memory_space<vmem>>
        %dma_wait3A_183 = tpu.memref_squeeze %dma_wait3A_182 : memref<1x1x128xi32, #tpu.memory_space<vmem>> -> memref<128xi32, #tpu.memory_space<vmem>>
        %dma_wait3A_184 = arith.constant 0 : i32
        %dma_wait3A_185 = arith.constant 0 : i32
        %dma_wait3A_186 = tpu.memref_slice %arg5[%dma_wait3A_184, %dma_wait3A_185] : memref<10240x64xf32, #tpu.memory_space<vmem_shared>> -> memref<10240x64xf32, #tpu.memory_space<vmem_shared>>
        tpu.wait_indirect_dma semaphore(%arg16 : memref<!tpu.dma_semaphore, #tpu.memory_space<semaphore_mem>>) src(%arg8 : memref<128x64xf32, #tpu.memory_space<vmem>>) dst(%dma_wait3A_186 : memref<10240x64xf32, #tpu.memory_space<vmem_shared>>)
        %add3A_187 = arith.constant 4 : i32
        %add3A_188 = arith.addi %add3A_84, %add3A_187 : i32
        %dma_start3A_189 = arith.constant 0 : i32
        %dma_start3A_190 = arith.constant 0 : i32
        %dma_start3A_191 = tpu.memref_slice %arg6[%add3A_188, %dma_start3A_189, %dma_start3A_190] : memref<40x2x128xi32, #tpu.memory_space<vmem>> -> memref<1x1x128xi32, #tpu.memory_space<vmem>>
        %dma_start3A_192 = tpu.memref_squeeze %dma_start3A_191 : memref<1x1x128xi32, #tpu.memory_space<vmem>> -> memref<128xi32, #tpu.memory_space<vmem>>
        %dma_start3A_193 = arith.constant 0 : i32
        %dma_start3A_194 = arith.constant 0 : i32
        %dma_start3A_195 = tpu.memref_slice %arg2[%dma_start3A_193, %dma_start3A_194] : memref<10240x64xf32, #tpu.memory_space<hbm>> -> memref<10240x64xf32, #tpu.memory_space<hbm>>
        tpu.enqueue_indirect_dma source(%dma_start3A_195 : memref<10240x64xf32, #tpu.memory_space<hbm>>) target(%arg8 : memref<128x64xf32, #tpu.memory_space<vmem>>) offsets(%dma_start3A_192 : memref<128xi32, #tpu.memory_space<vmem>>) semaphore(%arg12 : memref<!tpu.dma_semaphore, #tpu.memory_space<semaphore_mem>>)
      } else {
      }
      %mul3A_105 = arith.constant 4 : i32
      %mul3A_106 = arith.muli %scan3A_80, %mul3A_105 : i32
      %add3A_107 = arith.constant 1 : i32
      %add3A_108 = arith.addi %mul3A_106, %add3A_107 : i32
      %dma_wait3A_109 = arith.constant 0 : i32
      %dma_wait3A_110 = arith.constant 0 : i32
      %dma_wait3A_111 = tpu.memref_slice %arg6[%add3A_108, %dma_wait3A_109, %dma_wait3A_110] : memref<40x2x128xi32, #tpu.memory_space<vmem>> -> memref<1x1x128xi32, #tpu.memory_space<vmem>>
      %dma_wait3A_112 = tpu.memref_squeeze %dma_wait3A_111 : memref<1x1x128xi32, #tpu.memory_space<vmem>> -> memref<128xi32, #tpu.memory_space<vmem>>
      %dma_wait3A_113 = arith.constant 0 : i32
      %dma_wait3A_114 = arith.constant 0 : i32
      %dma_wait3A_115 = tpu.memref_slice %arg2[%dma_wait3A_113, %dma_wait3A_114] : memref<10240x64xf32, #tpu.memory_space<hbm>> -> memref<10240x64xf32, #tpu.memory_space<hbm>>
      tpu.wait_indirect_dma semaphore(%arg13 : memref<!tpu.dma_semaphore, #tpu.memory_space<semaphore_mem>>) src(%dma_wait3A_115 : memref<10240x64xf32, #tpu.memory_space<hbm>>) dst(%arg9 : memref<128x64xf32, #tpu.memory_space<vmem>>)
      %dma_start3A_116 = arith.constant 1 : i32
      %dma_start3A_117 = arith.constant 0 : i32
      %dma_start3A_118 = tpu.memref_slice %arg6[%add3A_108, %dma_start3A_116, %dma_start3A_117] : memref<40x2x128xi32, #tpu.memory_space<vmem>> -> memref<1x1x128xi32, #tpu.memory_space<vmem>>
      %dma_start3A_119 = tpu.memref_squeeze %dma_start3A_118 : memref<1x1x128xi32, #tpu.memory_space<vmem>> -> memref<128xi32, #tpu.memory_space<vmem>>
      %dma_start3A_120 = arith.constant 0 : i32
      %dma_start3A_121 = arith.constant 0 : i32
      %dma_start3A_122 = tpu.memref_slice %arg5[%dma_start3A_120, %dma_start3A_121] : memref<10240x64xf32, #tpu.memory_space<vmem_shared>> -> memref<10240x64xf32, #tpu.memory_space<vmem_shared>>
      tpu.enqueue_indirect_dma source(%arg9 : memref<128x64xf32, #tpu.memory_space<vmem>>) target(%dma_start3A_122 : memref<10240x64xf32, #tpu.memory_space<vmem_shared>>) offsets(%dma_start3A_119 : memref<128xi32, #tpu.memory_space<vmem>>) semaphore(%arg17 : memref<!tpu.dma_semaphore, #tpu.memory_space<semaphore_mem>>) {add = true}
      %add3A_123 = arith.constant 4 : i32
      %add3A_124 = arith.addi %add3A_108, %add3A_123 : i32
      %lt3A_125 = arith.constant 40 : i32
      %lt3A_126 = arith.cmpi slt, %add3A_124, %lt3A_125 : i32
      %convert_element_type3A_127 = arith.extui %lt3A_126 : i1 to i32
      %cond3A_128 = arith.constant 0 : i32
      %cond3A_129 = arith.cmpi ne, %convert_element_type3A_127, %cond3A_128 : i32
      scf.if %cond3A_129 {
        %dma_wait3A_180 = arith.constant 1 : i32
        %dma_wait3A_181 = arith.constant 0 : i32
        %dma_wait3A_182 = tpu.memref_slice %arg6[%add3A_108, %dma_wait3A_180, %dma_wait3A_181] : memref<40x2x128xi32, #tpu.memory_space<vmem>> -> memref<1x1x128xi32, #tpu.memory_space<vmem>>
        %dma_wait3A_183 = tpu.memref_squeeze %dma_wait3A_182 : memref<1x1x128xi32, #tpu.memory_space<vmem>> -> memref<128xi32, #tpu.memory_space<vmem>>
        %dma_wait3A_184 = arith.constant 0 : i32
        %dma_wait3A_185 = arith.constant 0 : i32
        %dma_wait3A_186 = tpu.memref_slice %arg5[%dma_wait3A_184, %dma_wait3A_185] : memref<10240x64xf32, #tpu.memory_space<vmem_shared>> -> memref<10240x64xf32, #tpu.memory_space<vmem_shared>>
        tpu.wait_indirect_dma semaphore(%arg17 : memref<!tpu.dma_semaphore, #tpu.memory_space<semaphore_mem>>) src(%arg9 : memref<128x64xf32, #tpu.memory_space<vmem>>) dst(%dma_wait3A_186 : memref<10240x64xf32, #tpu.memory_space<vmem_shared>>)
        %add3A_187 = arith.constant 4 : i32
        %add3A_188 = arith.addi %add3A_108, %add3A_187 : i32
        %dma_start3A_189 = arith.constant 0 : i32
        %dma_start3A_190 = arith.constant 0 : i32
        %dma_start3A_191 = tpu.memref_slice %arg6[%add3A_188, %dma_start3A_189, %dma_start3A_190] : memref<40x2x128xi32, #tpu.memory_space<vmem>> -> memref<1x1x128xi32, #tpu.memory_space<vmem>>
        %dma_start3A_192 = tpu.memref_squeeze %dma_start3A_191 : memref<1x1x128xi32, #tpu.memory_space<vmem>> -> memref<128xi32, #tpu.memory_space<vmem>>
        %dma_start3A_193 = arith.constant 0 : i32
        %dma_start3A_194 = arith.constant 0 : i32
        %dma_start3A_195 = tpu.memref_slice %arg2[%dma_start3A_193, %dma_start3A_194] : memref<10240x64xf32, #tpu.memory_space<hbm>> -> memref<10240x64xf32, #tpu.memory_space<hbm>>
        tpu.enqueue_indirect_dma source(%dma_start3A_195 : memref<10240x64xf32, #tpu.memory_space<hbm>>) target(%arg9 : memref<128x64xf32, #tpu.memory_space<vmem>>) offsets(%dma_start3A_192 : memref<128xi32, #tpu.memory_space<vmem>>) semaphore(%arg13 : memref<!tpu.dma_semaphore, #tpu.memory_space<semaphore_mem>>)
      } else {
      }
      %mul3A_130 = arith.constant 4 : i32
      %mul3A_131 = arith.muli %scan3A_80, %mul3A_130 : i32
      %add3A_132 = arith.constant 2 : i32
      %add3A_133 = arith.addi %mul3A_131, %add3A_132 : i32
      %dma_wait3A_134 = arith.constant 0 : i32
      %dma_wait3A_135 = arith.constant 0 : i32
      %dma_wait3A_136 = tpu.memref_slice %arg6[%add3A_133, %dma_wait3A_134, %dma_wait3A_135] : memref<40x2x128xi32, #tpu.memory_space<vmem>> -> memref<1x1x128xi32, #tpu.memory_space<vmem>>
      %dma_wait3A_137 = tpu.memref_squeeze %dma_wait3A_136 : memref<1x1x128xi32, #tpu.memory_space<vmem>> -> memref<128xi32, #tpu.memory_space<vmem>>
      %dma_wait3A_138 = arith.constant 0 : i32
      %dma_wait3A_139 = arith.constant 0 : i32
      %dma_wait3A_140 = tpu.memref_slice %arg2[%dma_wait3A_138, %dma_wait3A_139] : memref<10240x64xf32, #tpu.memory_space<hbm>> -> memref<10240x64xf32, #tpu.memory_space<hbm>>
      tpu.wait_indirect_dma semaphore(%arg14 : memref<!tpu.dma_semaphore, #tpu.memory_space<semaphore_mem>>) src(%dma_wait3A_140 : memref<10240x64xf32, #tpu.memory_space<hbm>>) dst(%arg10 : memref<128x64xf32, #tpu.memory_space<vmem>>)
      %dma_start3A_141 = arith.constant 1 : i32
      %dma_start3A_142 = arith.constant 0 : i32
      %dma_start3A_143 = tpu.memref_slice %arg6[%add3A_133, %dma_start3A_141, %dma_start3A_142] : memref<40x2x128xi32, #tpu.memory_space<vmem>> -> memref<1x1x128xi32, #tpu.memory_space<vmem>>
      %dma_start3A_144 = tpu.memref_squeeze %dma_start3A_143 : memref<1x1x128xi32, #tpu.memory_space<vmem>> -> memref<128xi32, #tpu.memory_space<vmem>>
      %dma_start3A_145 = arith.constant 0 : i32
      %dma_start3A_146 = arith.constant 0 : i32
      %dma_start3A_147 = tpu.memref_slice %arg5[%dma_start3A_145, %dma_start3A_146] : memref<10240x64xf32, #tpu.memory_space<vmem_shared>> -> memref<10240x64xf32, #tpu.memory_space<vmem_shared>>
      tpu.enqueue_indirect_dma source(%arg10 : memref<128x64xf32, #tpu.memory_space<vmem>>) target(%dma_start3A_147 : memref<10240x64xf32, #tpu.memory_space<vmem_shared>>) offsets(%dma_start3A_144 : memref<128xi32, #tpu.memory_space<vmem>>) semaphore(%arg18 : memref<!tpu.dma_semaphore, #tpu.memory_space<semaphore_mem>>) {add = true}
      %add3A_148 = arith.constant 4 : i32
      %add3A_149 = arith.addi %add3A_133, %add3A_148 : i32
      %lt3A_150 = arith.constant 40 : i32
      %lt3A_151 = arith.cmpi slt, %add3A_149, %lt3A_150 : i32
      %convert_element_type3A_152 = arith.extui %lt3A_151 : i1 to i32
      %cond3A_153 = arith.constant 0 : i32
      %cond3A_154 = arith.cmpi ne, %convert_element_type3A_152, %cond3A_153 : i32
      scf.if %cond3A_154 {
        %dma_wait3A_180 = arith.constant 1 : i32
        %dma_wait3A_181 = arith.constant 0 : i32
        %dma_wait3A_182 = tpu.memref_slice %arg6[%add3A_133, %dma_wait3A_180, %dma_wait3A_181] : memref<40x2x128xi32, #tpu.memory_space<vmem>> -> memref<1x1x128xi32, #tpu.memory_space<vmem>>
        %dma_wait3A_183 = tpu.memref_squeeze %dma_wait3A_182 : memref<1x1x128xi32, #tpu.memory_space<vmem>> -> memref<128xi32, #tpu.memory_space<vmem>>
        %dma_wait3A_184 = arith.constant 0 : i32
        %dma_wait3A_185 = arith.constant 0 : i32
        %dma_wait3A_186 = tpu.memref_slice %arg5[%dma_wait3A_184, %dma_wait3A_185] : memref<10240x64xf32, #tpu.memory_space<vmem_shared>> -> memref<10240x64xf32, #tpu.memory_space<vmem_shared>>
        tpu.wait_indirect_dma semaphore(%arg18 : memref<!tpu.dma_semaphore, #tpu.memory_space<semaphore_mem>>) src(%arg10 : memref<128x64xf32, #tpu.memory_space<vmem>>) dst(%dma_wait3A_186 : memref<10240x64xf32, #tpu.memory_space<vmem_shared>>)
        %add3A_187 = arith.constant 4 : i32
        %add3A_188 = arith.addi %add3A_133, %add3A_187 : i32
        %dma_start3A_189 = arith.constant 0 : i32
        %dma_start3A_190 = arith.constant 0 : i32
        %dma_start3A_191 = tpu.memref_slice %arg6[%add3A_188, %dma_start3A_189, %dma_start3A_190] : memref<40x2x128xi32, #tpu.memory_space<vmem>> -> memref<1x1x128xi32, #tpu.memory_space<vmem>>
        %dma_start3A_192 = tpu.memref_squeeze %dma_start3A_191 : memref<1x1x128xi32, #tpu.memory_space<vmem>> -> memref<128xi32, #tpu.memory_space<vmem>>
        %dma_start3A_193 = arith.constant 0 : i32
        %dma_start3A_194 = arith.constant 0 : i32
        %dma_start3A_195 = tpu.memref_slice %arg2[%dma_start3A_193, %dma_start3A_194] : memref<10240x64xf32, #tpu.memory_space<hbm>> -> memref<10240x64xf32, #tpu.memory_space<hbm>>
        tpu.enqueue_indirect_dma source(%dma_start3A_195 : memref<10240x64xf32, #tpu.memory_space<hbm>>) target(%arg10 : memref<128x64xf32, #tpu.memory_space<vmem>>) offsets(%dma_start3A_192 : memref<128xi32, #tpu.memory_space<vmem>>) semaphore(%arg14 : memref<!tpu.dma_semaphore, #tpu.memory_space<semaphore_mem>>)
      } else {
      }
      %mul3A_155 = arith.constant 4 : i32
      %mul3A_156 = arith.muli %scan3A_80, %mul3A_155 : i32
      %add3A_157 = arith.constant 3 : i32
      %add3A_158 = arith.addi %mul3A_156, %add3A_157 : i32
      %dma_wait3A_159 = arith.constant 0 : i32
      %dma_wait3A_160 = arith.constant 0 : i32
      %dma_wait3A_161 = tpu.memref_slice %arg6[%add3A_158, %dma_wait3A_159, %dma_wait3A_160] : memref<40x2x128xi32, #tpu.memory_space<vmem>> -> memref<1x1x128xi32, #tpu.memory_space<vmem>>
      %dma_wait3A_162 = tpu.memref_squeeze %dma_wait3A_161 : memref<1x1x128xi32, #tpu.memory_space<vmem>> -> memref<128xi32, #tpu.memory_space<vmem>>
      %dma_wait3A_163 = arith.constant 0 : i32
      %dma_wait3A_164 = arith.constant 0 : i32
      %dma_wait3A_165 = tpu.memref_slice %arg2[%dma_wait3A_163, %dma_wait3A_164] : memref<10240x64xf32, #tpu.memory_space<hbm>> -> memref<10240x64xf32, #tpu.memory_space<hbm>>
      tpu.wait_indirect_dma semaphore(%arg15 : memref<!tpu.dma_semaphore, #tpu.memory_space<semaphore_mem>>) src(%dma_wait3A_165 : memref<10240x64xf32, #tpu.memory_space<hbm>>) dst(%arg11 : memref<128x64xf32, #tpu.memory_space<vmem>>)
      %dma_start3A_166 = arith.constant 1 : i32
      %dma_start3A_167 = arith.constant 0 : i32
      %dma_start3A_168 = tpu.memref_slice %arg6[%add3A_158, %dma_start3A_166, %dma_start3A_167] : memref<40x2x128xi32, #tpu.memory_space<vmem>> -> memref<1x1x128xi32, #tpu.memory_space<vmem>>
      %dma_start3A_169 = tpu.memref_squeeze %dma_start3A_168 : memref<1x1x128xi32, #tpu.memory_space<vmem>> -> memref<128xi32, #tpu.memory_space<vmem>>
      %dma_start3A_170 = arith.constant 0 : i32
      %dma_start3A_171 = arith.constant 0 : i32
      %dma_start3A_172 = tpu.memref_slice %arg5[%dma_start3A_170, %dma_start3A_171] : memref<10240x64xf32, #tpu.memory_space<vmem_shared>> -> memref<10240x64xf32, #tpu.memory_space<vmem_shared>>
      tpu.enqueue_indirect_dma source(%arg11 : memref<128x64xf32, #tpu.memory_space<vmem>>) target(%dma_start3A_172 : memref<10240x64xf32, #tpu.memory_space<vmem_shared>>) offsets(%dma_start3A_169 : memref<128xi32, #tpu.memory_space<vmem>>) semaphore(%arg19 : memref<!tpu.dma_semaphore, #tpu.memory_space<semaphore_mem>>) {add = true}
      %add3A_173 = arith.constant 4 : i32
      %add3A_174 = arith.addi %add3A_158, %add3A_173 : i32
      %lt3A_175 = arith.constant 40 : i32
      %lt3A_176 = arith.cmpi slt, %add3A_174, %lt3A_175 : i32
      %convert_element_type3A_177 = arith.extui %lt3A_176 : i1 to i32
      %cond3A_178 = arith.constant 0 : i32
      %cond3A_179 = arith.cmpi ne, %convert_element_type3A_177, %cond3A_178 : i32
      scf.if %cond3A_179 {
        %dma_wait3A_180 = arith.constant 1 : i32
        %dma_wait3A_181 = arith.constant 0 : i32
        %dma_wait3A_182 = tpu.memref_slice %arg6[%add3A_158, %dma_wait3A_180, %dma_wait3A_181] : memref<40x2x128xi32, #tpu.memory_space<vmem>> -> memref<1x1x128xi32, #tpu.memory_space<vmem>>
        %dma_wait3A_183 = tpu.memref_squeeze %dma_wait3A_182 : memref<1x1x128xi32, #tpu.memory_space<vmem>> -> memref<128xi32, #tpu.memory_space<vmem>>
        %dma_wait3A_184 = arith.constant 0 : i32
        %dma_wait3A_185 = arith.constant 0 : i32
        %dma_wait3A_186 = tpu.memref_slice %arg5[%dma_wait3A_184, %dma_wait3A_185] : memref<10240x64xf32, #tpu.memory_space<vmem_shared>> -> memref<10240x64xf32, #tpu.memory_space<vmem_shared>>
        tpu.wait_indirect_dma semaphore(%arg19 : memref<!tpu.dma_semaphore, #tpu.memory_space<semaphore_mem>>) src(%arg11 : memref<128x64xf32, #tpu.memory_space<vmem>>) dst(%dma_wait3A_186 : memref<10240x64xf32, #tpu.memory_space<vmem_shared>>)
        %add3A_187 = arith.constant 4 : i32
        %add3A_188 = arith.addi %add3A_158, %add3A_187 : i32
        %dma_start3A_189 = arith.constant 0 : i32
        %dma_start3A_190 = arith.constant 0 : i32
        %dma_start3A_191 = tpu.memref_slice %arg6[%add3A_188, %dma_start3A_189, %dma_start3A_190] : memref<40x2x128xi32, #tpu.memory_space<vmem>> -> memref<1x1x128xi32, #tpu.memory_space<vmem>>
        %dma_start3A_192 = tpu.memref_squeeze %dma_start3A_191 : memref<1x1x128xi32, #tpu.memory_space<vmem>> -> memref<128xi32, #tpu.memory_space<vmem>>
        %dma_start3A_193 = arith.constant 0 : i32
        %dma_start3A_194 = arith.constant 0 : i32
        %dma_start3A_195 = tpu.memref_slice %arg2[%dma_start3A_193, %dma_start3A_194] : memref<10240x64xf32, #tpu.memory_space<hbm>> -> memref<10240x64xf32, #tpu.memory_space<hbm>>
        tpu.enqueue_indirect_dma source(%dma_start3A_195 : memref<10240x64xf32, #tpu.memory_space<hbm>>) target(%arg11 : memref<128x64xf32, #tpu.memory_space<vmem>>) offsets(%dma_start3A_192 : memref<128xi32, #tpu.memory_space<vmem>>) semaphore(%arg15 : memref<!tpu.dma_semaphore, #tpu.memory_space<semaphore_mem>>)
      } else {
      }
    }
    %scan3A_47 = arith.constant 10 : i32
    %dma_wait3A = arith.constant 0 : i32
    %dma_wait3A_48 = arith.constant 1 : i32
    %dma_wait3A_49 = arith.constant 0 : i32
    %dma_wait3A_50 = tpu.memref_slice %arg6[%dma_wait3A, %dma_wait3A_48, %dma_wait3A_49] : memref<40x2x128xi32, #tpu.memory_space<vmem>> -> memref<1x1x128xi32, #tpu.memory_space<vmem>>
    %dma_wait3A_51 = tpu.memref_squeeze %dma_wait3A_50 : memref<1x1x128xi32, #tpu.memory_space<vmem>> -> memref<128xi32, #tpu.memory_space<vmem>>
    %dma_wait3A_52 = arith.constant 0 : i32
    %dma_wait3A_53 = arith.constant 0 : i32
    %dma_wait3A_54 = tpu.memref_slice %arg5[%dma_wait3A_52, %dma_wait3A_53] : memref<10240x64xf32, #tpu.memory_space<vmem_shared>> -> memref<10240x64xf32, #tpu.memory_space<vmem_shared>>
    tpu.wait_indirect_dma semaphore(%arg16 : memref<!tpu.dma_semaphore, #tpu.memory_space<semaphore_mem>>) src(%arg8 : memref<128x64xf32, #tpu.memory_space<vmem>>) dst(%dma_wait3A_54 : memref<10240x64xf32, #tpu.memory_space<vmem_shared>>)
    %dma_wait3A_55 = arith.constant 0 : i32
    %dma_wait3A_56 = arith.constant 1 : i32
    %dma_wait3A_57 = arith.constant 0 : i32
    %dma_wait3A_58 = tpu.memref_slice %arg6[%dma_wait3A_55, %dma_wait3A_56, %dma_wait3A_57] : memref<40x2x128xi32, #tpu.memory_space<vmem>> -> memref<1x1x128xi32, #tpu.memory_space<vmem>>
    %dma_wait3A_59 = tpu.memref_squeeze %dma_wait3A_58 : memref<1x1x128xi32, #tpu.memory_space<vmem>> -> memref<128xi32, #tpu.memory_space<vmem>>
    %dma_wait3A_60 = arith.constant 0 : i32
    %dma_wait3A_61 = arith.constant 0 : i32
    %dma_wait3A_62 = tpu.memref_slice %arg5[%dma_wait3A_60, %dma_wait3A_61] : memref<10240x64xf32, #tpu.memory_space<vmem_shared>> -> memref<10240x64xf32, #tpu.memory_space<vmem_shared>>
    tpu.wait_indirect_dma semaphore(%arg17 : memref<!tpu.dma_semaphore, #tpu.memory_space<semaphore_mem>>) src(%arg9 : memref<128x64xf32, #tpu.memory_space<vmem>>) dst(%dma_wait3A_62 : memref<10240x64xf32, #tpu.memory_space<vmem_shared>>)
    %dma_wait3A_63 = arith.constant 0 : i32
    %dma_wait3A_64 = arith.constant 1 : i32
    %dma_wait3A_65 = arith.constant 0 : i32
    %dma_wait3A_66 = tpu.memref_slice %arg6[%dma_wait3A_63, %dma_wait3A_64, %dma_wait3A_65] : memref<40x2x128xi32, #tpu.memory_space<vmem>> -> memref<1x1x128xi32, #tpu.memory_space<vmem>>
    %dma_wait3A_67 = tpu.memref_squeeze %dma_wait3A_66 : memref<1x1x128xi32, #tpu.memory_space<vmem>> -> memref<128xi32, #tpu.memory_space<vmem>>
    %dma_wait3A_68 = arith.constant 0 : i32
    %dma_wait3A_69 = arith.constant 0 : i32
    %dma_wait3A_70 = tpu.memref_slice %arg5[%dma_wait3A_68, %dma_wait3A_69] : memref<10240x64xf32, #tpu.memory_space<vmem_shared>> -> memref<10240x64xf32, #tpu.memory_space<vmem_shared>>
    tpu.wait_indirect_dma semaphore(%arg18 : memref<!tpu.dma_semaphore, #tpu.memory_space<semaphore_mem>>) src(%arg10 : memref<128x64xf32, #tpu.memory_space<vmem>>) dst(%dma_wait3A_70 : memref<10240x64xf32, #tpu.memory_space<vmem_shared>>)
    %dma_wait3A_71 = arith.constant 0 : i32
    %dma_wait3A_72 = arith.constant 1 : i32
    %dma_wait3A_73 = arith.constant 0 : i32
    %dma_wait3A_74 = tpu.memref_slice %arg6[%dma_wait3A_71, %dma_wait3A_72, %dma_wait3A_73] : memref<40x2x128xi32, #tpu.memory_space<vmem>> -> memref<1x1x128xi32, #tpu.memory_space<vmem>>
    %dma_wait3A_75 = tpu.memref_squeeze %dma_wait3A_74 : memref<1x1x128xi32, #tpu.memory_space<vmem>> -> memref<128xi32, #tpu.memory_space<vmem>>
    %dma_wait3A_76 = arith.constant 0 : i32
    %dma_wait3A_77 = arith.constant 0 : i32
    %dma_wait3A_78 = tpu.memref_slice %arg5[%dma_wait3A_76, %dma_wait3A_77] : memref<10240x64xf32, #tpu.memory_space<vmem_shared>> -> memref<10240x64xf32, #tpu.memory_space<vmem_shared>>
    tpu.wait_indirect_dma semaphore(%arg19 : memref<!tpu.dma_semaphore, #tpu.memory_space<semaphore_mem>>) src(%arg11 : memref<128x64xf32, #tpu.memory_space<vmem>>) dst(%dma_wait3A_78 : memref<10240x64xf32, #tpu.memory_space<vmem_shared>>)
    %barrier3A_79 = arith.constant 0 : index
    tpu.barrier barrier_id(%barrier3A_79)
    "tpu.region"() ({
      %run_scoped3A = tpu.sem_alloc : memref<!tpu.dma_semaphore, #tpu.memory_space<semaphore_mem>>
      %dma_start3A_80 = arith.constant 0 : i32
      %dma_start3A_81 = arith.constant 0 : i32
      %dma_start3A_82 = tpu.memref_slice %arg4[%arg0, %dma_start3A_80, %dma_start3A_81] : memref<2x10240x64xf32, #tpu.memory_space<hbm>> -> memref<1x10240x64xf32, #tpu.memory_space<hbm>>
      %dma_start3A_83 = tpu.memref_squeeze %dma_start3A_82 : memref<1x10240x64xf32, #tpu.memory_space<hbm>> -> memref<10240x64xf32, #tpu.memory_space<hbm>>
      %dma_start3A_84 = arith.constant 0 : i32
      %dma_start3A_85 = tpu.memref_slice %dma_start3A_83[%mul3A_0, %dma_start3A_84] : memref<10240x64xf32, #tpu.memory_space<hbm>> -> memref<640x64xf32, #tpu.memory_space<hbm>>
      %dma_start3A_86 = arith.constant 0 : i32
      %dma_start3A_87 = tpu.memref_slice %arg5[%mul3A_0, %dma_start3A_86] : memref<10240x64xf32, #tpu.memory_space<vmem_shared>> -> memref<640x64xf32, #tpu.memory_space<vmem_shared>>
      tpu.enqueue_dma source(%dma_start3A_87 : memref<640x64xf32, #tpu.memory_space<vmem_shared>>) target(%dma_start3A_85 : memref<640x64xf32, #tpu.memory_space<hbm>>) target_semaphore(%run_scoped3A : memref<!tpu.dma_semaphore, #tpu.memory_space<semaphore_mem>>)
      %dma_wait3A_88 = arith.constant 0 : i32
      %dma_wait3A_89 = arith.constant 0 : i32
      %dma_wait3A_90 = tpu.memref_slice %arg4[%arg0, %dma_wait3A_88, %dma_wait3A_89] : memref<2x10240x64xf32, #tpu.memory_space<hbm>> -> memref<1x10240x64xf32, #tpu.memory_space<hbm>>
      %dma_wait3A_91 = tpu.memref_squeeze %dma_wait3A_90 : memref<1x10240x64xf32, #tpu.memory_space<hbm>> -> memref<10240x64xf32, #tpu.memory_space<hbm>>
      %dma_wait3A_92 = arith.constant 0 : i32
      %dma_wait3A_93 = tpu.memref_slice %dma_wait3A_91[%mul3A_0, %dma_wait3A_92] : memref<10240x64xf32, #tpu.memory_space<hbm>> -> memref<640x64xf32, #tpu.memory_space<hbm>>
      %dma_wait3A_94 = arith.constant 0 : i32
      %dma_wait3A_95 = tpu.memref_slice %arg5[%mul3A_0, %dma_wait3A_94] : memref<10240x64xf32, #tpu.memory_space<vmem_shared>> -> memref<640x64xf32, #tpu.memory_space<vmem_shared>>
      tpu.wait_dma2 semaphore(%run_scoped3A : memref<!tpu.dma_semaphore, #tpu.memory_space<semaphore_mem>>) src(%dma_wait3A_95 : memref<640x64xf32, #tpu.memory_space<vmem_shared>>) dst(%dma_wait3A_93 : memref<640x64xf32, #tpu.memory_space<hbm>>)
      tpu.yield
    }) : () -> ()
    return
  }
}

module attributes {stable_mosaic.version = 14 : i64} {
  func.func @body(%arg0: i32, %arg1: i32, %arg2: memref<1024x256xf32, #tpu.memory_space<vmem>>, %arg3: memref<256x128xf32, #tpu.memory_space<vmem>>, %arg4: memref<32x1024xf32, #tpu.memory_space<vmem>>, %arg5: memref<1x1024x128xbf16, #tpu.memory_space<vmem>>) attributes {dimension_semantics = [#tpu.dimension_semantics<arbitrary>, #tpu.dimension_semantics<arbitrary>], iteration_bounds = array<i64: 2, 10>, scalar_prefetch = 0 : i64, scratch_operands = 0 : i64, tpu.core_type = #tpu.core_type<tc>, window_params = [{transform_indices = @transform_0, window_bounds = array<i64: 1024, 256>}, {transform_indices = @transform_1, window_bounds = array<i64: 256, 128>}, {transform_indices = @transform_2, window_bounds = array<i64: 32, 1024>}, {transform_indices = @transform_3, window_bounds = array<i64: 1, 1024, 128>}]} {
    %get3A = arith.constant 0 : index
    %get3A_0 = arith.constant 0 : index
    %get3A_1 = vector.load %arg4[%get3A, %get3A_0] : memref<32x1024xf32, #tpu.memory_space<vmem>>, vector<32x1024xf32>
    %reduce_sum3A = arith.constant dense<0.000000e+00> : vector<1024xf32>
    %reduce_sum3A_2 = vector.multi_reduction <add>, %get3A_1, %reduce_sum3A [0] : vector<32x1024xf32> to vector<1024xf32>
    %add3A = arith.constant 1.000000e+00 : f32
    %add3A_3 = vector.broadcast %add3A : f32 to vector<1024xf32>
    %add3A_4 = arith.addf %reduce_sum3A_2, %add3A_3 : vector<1024xf32>
    %rsqrt3A = math.rsqrt %add3A_4 : vector<1024xf32>
    %get3A_5 = arith.constant 0 : index
    %get3A_6 = arith.constant 0 : index
    %get3A_7 = vector.load %arg2[%get3A_5, %get3A_6] : memref<1024x256xf32, #tpu.memory_space<vmem>>, vector<1024x256xf32>
    %get3A_8 = arith.constant 0 : index
    %get3A_9 = arith.constant 0 : index
    %get3A_10 = vector.load %arg3[%get3A_8, %get3A_9] : memref<256x128xf32, #tpu.memory_space<vmem>>, vector<256x128xf32>
    %dot_general3A = arith.constant dense<0.000000e+00> : vector<1024x128xf32>
    %dot_general3A_11 = tpu.matmul %get3A_7, %get3A_10, %dot_general3A {dimension_numbers = #tpu.dot_dimension_numbers<[1], [0], [0], [1], [0, 0, 1, 1], [], []>, transpose_lhs_hint = false} : vector<1024x256xf32>, vector<256x128xf32>, vector<1024x128xf32> -> vector<1024x128xf32>
    %broadcast_in_dim3A = vector.shape_cast %rsqrt3A : vector<1024xf32> to vector<1024x1xf32>
    %mul3A = vector.broadcast %broadcast_in_dim3A : vector<1024x1xf32> to vector<1024x128xf32>
    %mul3A_12 = arith.mulf %dot_general3A_11, %mul3A : vector<1024x128xf32>
    %convert_element_type3A = arith.truncf %mul3A_12 : vector<1024x128xf32> to vector<1024x128xbf16>
    %swap3A = arith.constant 0 : index
    %swap3A_13 = arith.constant 0 : index
    %swap3A_14 = arith.constant 0 : index
    %swap3A_15 = vector.load %arg5[%swap3A, %swap3A_13, %swap3A_14] : memref<1x1024x128xbf16, #tpu.memory_space<vmem>>, vector<1x1024x128xbf16>
    %swap3A_16 = vector.shape_cast %swap3A_15 : vector<1x1024x128xbf16> to vector<1024x128xbf16>
    %swap3A_17 = vector.shape_cast %convert_element_type3A : vector<1024x128xbf16> to vector<1x1024x128xbf16>
    tpu.vector_store %arg5[%swap3A, %swap3A_13, %swap3A_14], %swap3A_17 {strides = array<i32>} : memref<1x1024x128xbf16, #tpu.memory_space<vmem>>, vector<1x1024x128xbf16>,
    return
  }
  func.func @transform_0(%arg0: i32, %arg1: i32) -> (i32, i32) {
    %c0_i32 = arith.constant 0 : i32
    %c0_i32_0 = arith.constant 0 : i32
    return %arg1, %c0_i32 : i32, i32
  }
  func.func @transform_1(%arg0: i32, %arg1: i32) -> (i32, i32) {
    %c0_i32 = arith.constant 0 : i32
    %c0_i32_0 = arith.constant 0 : i32
    return %c0_i32, %arg0 : i32, i32
  }
  func.func @transform_2(%arg0: i32, %arg1: i32) -> (i32, i32) {
    %c0_i32 = arith.constant 0 : i32
    %c0_i32_0 = arith.constant 0 : i32
    return %c0_i32, %arg1 : i32, i32
  }
  func.func @transform_3(%arg0: i32, %arg1: i32) -> (i32, i32, i32) {
    %c0_i32 = arith.constant 0 : i32
    %c0_i32_0 = arith.constant 0 : i32
    return %arg0, %arg1, %c0_i32 : i32, i32, i32
  }
}

module attributes {stable_mosaic.version = 14 : i64} {
  func.func @body(%arg0: i32, %arg1: memref<2x1024x128xbf16, #tpu.memory_space<vmem>>, %arg2: memref<32x1024xf32, #tpu.memory_space<vmem>>, %arg3: memref<1x256xf32, #tpu.memory_space<vmem>>, %arg4: memref<256x64xf32, #tpu.memory_space<vmem>>, %arg5: memref<1024x64xf32, #tpu.memory_space<vmem>>) attributes {dimension_semantics = [#tpu.dimension_semantics<arbitrary>], iteration_bounds = array<i64: 10>, scalar_prefetch = 0 : i64, scratch_operands = 0 : i64, tpu.core_type = #tpu.core_type<tc>, window_params = [{transform_indices = @transform_0, window_bounds = array<i64: 2, 1024, 128>}, {transform_indices = @transform_1, window_bounds = array<i64: 32, 1024>}, {pipeline_mode = #tpu.pipeline_mode<synchronous>, transform_indices = @transform_2, window_bounds = array<i64: 1, 256>}, {pipeline_mode = #tpu.pipeline_mode<synchronous>, transform_indices = @transform_3, window_bounds = array<i64: 256, 64>}, {transform_indices = @transform_4, window_bounds = array<i64: 1024, 64>}]} {
    %get3A = arith.constant 0 : index
    %get3A_0 = arith.constant 0 : index
    %get3A_1 = vector.load %arg2[%get3A, %get3A_0] : memref<32x1024xf32, #tpu.memory_space<vmem>>, vector<32x1024xf32>
    %reduce_sum3A = arith.constant dense<0.000000e+00> : vector<1024xf32>
    %reduce_sum3A_2 = vector.multi_reduction <add>, %get3A_1, %reduce_sum3A [0] : vector<32x1024xf32> to vector<1024xf32>
    %add3A = arith.constant 1.000000e+00 : f32
    %add3A_3 = vector.broadcast %add3A : f32 to vector<1024xf32>
    %add3A_4 = arith.addf %reduce_sum3A_2, %add3A_3 : vector<1024xf32>
    %rsqrt3A = math.rsqrt %add3A_4 : vector<1024xf32>
    %get3A_5 = arith.constant 0 : index
    %get3A_6 = arith.constant 0 : index
    %get3A_7 = arith.constant 0 : index
    %get3A_8 = vector.load %arg1[%get3A_5, %get3A_6, %get3A_7] : memref<2x1024x128xbf16, #tpu.memory_space<vmem>>, vector<1x1024x128xbf16>
    %get3A_9 = vector.shape_cast %get3A_8 : vector<1x1024x128xbf16> to vector<1024x128xbf16>
    %get3A_10 = arith.constant 1 : index
    %get3A_11 = arith.constant 0 : index
    %get3A_12 = arith.constant 0 : index
    %get3A_13 = vector.load %arg1[%get3A_10, %get3A_11, %get3A_12] : memref<2x1024x128xbf16, #tpu.memory_space<vmem>>, vector<1x1024x128xbf16>
    %get3A_14 = vector.shape_cast %get3A_13 : vector<1x1024x128xbf16> to vector<1024x128xbf16>
    %concatenate3A = tpu.concatenate %get3A_9, %get3A_14 in 1 : vector<1024x128xbf16>, vector<1024x128xbf16> -> vector<1024x256xbf16>
    %convert_element_type3A = arith.extf %concatenate3A : vector<1024x256xbf16> to vector<1024x256xf32>
    %broadcast_in_dim3A = vector.shape_cast %rsqrt3A : vector<1024xf32> to vector<1024x1xf32>
    %mul3A = vector.broadcast %broadcast_in_dim3A : vector<1024x1xf32> to vector<1024x256xf32>
    %mul3A_15 = arith.mulf %convert_element_type3A, %mul3A : vector<1024x256xf32>
    %get3A_16 = arith.constant 0 : index
    %get3A_17 = arith.constant 0 : index
    %get3A_18 = vector.load %arg3[%get3A_16, %get3A_17] : memref<1x256xf32, #tpu.memory_space<vmem>>, vector<1x256xf32>
    %add3A_19 = vector.broadcast %get3A_18 : vector<1x256xf32> to vector<1024x256xf32>
    %add3A_20 = arith.addf %mul3A_15, %add3A_19 : vector<1024x256xf32>
    %max3A = arith.constant 0.000000e+00 : f32
    %max3A_21 = vector.broadcast %max3A : f32 to vector<1024x256xf32>
    %max3A_22 = arith.maximumf %add3A_20, %max3A_21 : vector<1024x256xf32>
    %get3A_23 = arith.constant 0 : index
    %get3A_24 = arith.constant 0 : index
    %get3A_25 = vector.load %arg4[%get3A_23, %get3A_24] : memref<256x64xf32, #tpu.memory_space<vmem>>, vector<256x64xf32>
    %dot_general3A = arith.constant dense<0.000000e+00> : vector<1024x64xf32>
    %dot_general3A_26 = tpu.matmul %max3A_22, %get3A_25, %dot_general3A {dimension_numbers = #tpu.dot_dimension_numbers<[1], [0], [0], [1], [0, 0, 1, 1], [], []>, transpose_lhs_hint = false} : vector<1024x256xf32>, vector<256x64xf32>, vector<1024x64xf32> -> vector<1024x64xf32>
    %broadcast_in_dim3A_27 = vector.shape_cast %rsqrt3A : vector<1024xf32> to vector<1024x1xf32>
    %mul3A_28 = vector.broadcast %broadcast_in_dim3A_27 : vector<1024x1xf32> to vector<1024x64xf32>
    %mul3A_29 = arith.mulf %dot_general3A_26, %mul3A_28 : vector<1024x64xf32>
    %swap3A = arith.constant 0 : index
    %swap3A_30 = arith.constant 0 : index
    %swap3A_31 = vector.load %arg5[%swap3A, %swap3A_30] : memref<1024x64xf32, #tpu.memory_space<vmem>>, vector<1024x64xf32>
    tpu.vector_store %arg5[%swap3A, %swap3A_30], %mul3A_29 {strides = array<i32>} : memref<1024x64xf32, #tpu.memory_space<vmem>>, vector<1024x64xf32>,
    return
  }
  func.func @transform_0(%arg0: i32) -> (i32, i32, i32) {
    %c0_i32 = arith.constant 0 : i32
    %c0_i32_0 = arith.constant 0 : i32
    %c0_i32_1 = arith.constant 0 : i32
    return %c0_i32, %arg0, %c0_i32_0 : i32, i32, i32
  }
  func.func @transform_1(%arg0: i32) -> (i32, i32) {
    %c0_i32 = arith.constant 0 : i32
    %c0_i32_0 = arith.constant 0 : i32
    return %c0_i32, %arg0 : i32, i32
  }
  func.func @transform_2(%arg0: i32) -> (i32, i32) {
    %c0_i32 = arith.constant 0 : i32
    %c0_i32_0 = arith.constant 0 : i32
    %c0_i32_1 = arith.constant 0 : i32
    return %c0_i32, %c0_i32_0 : i32, i32
  }
  func.func @transform_3(%arg0: i32) -> (i32, i32) {
    %c0_i32 = arith.constant 0 : i32
    %c0_i32_0 = arith.constant 0 : i32
    %c0_i32_1 = arith.constant 0 : i32
    return %c0_i32, %c0_i32_0 : i32, i32
  }
  func.func @transform_4(%arg0: i32) -> (i32, i32) {
    %c0_i32 = arith.constant 0 : i32
    %c0_i32_0 = arith.constant 0 : i32
    return %arg0, %c0_i32 : i32, i32
  }
}

module attributes {stable_mosaic.version = 14 : i64} {
  func.func @body(%arg0: i32, %arg1: memref<2x1024x64xf32, #tpu.memory_space<vmem>>, %arg2: memref<32x1024xf32, #tpu.memory_space<vmem>>, %arg3: memref<1x64xf32, #tpu.memory_space<vmem>>, %arg4: memref<64x40xf32, #tpu.memory_space<vmem>>, %arg5: memref<1x40xf32, #tpu.memory_space<vmem>>, %arg6: memref<1024x40xf32, #tpu.memory_space<vmem>>) attributes {dimension_semantics = [#tpu.dimension_semantics<arbitrary>], iteration_bounds = array<i64: 10>, scalar_prefetch = 0 : i64, scratch_operands = 0 : i64, tpu.core_type = #tpu.core_type<tc>, window_params = [{transform_indices = @transform_0, window_bounds = array<i64: 2, 1024, 64>}, {transform_indices = @transform_1, window_bounds = array<i64: 32, 1024>}, {pipeline_mode = #tpu.pipeline_mode<synchronous>, transform_indices = @transform_2, window_bounds = array<i64: 1, 64>}, {pipeline_mode = #tpu.pipeline_mode<synchronous>, transform_indices = @transform_3, window_bounds = array<i64: 64, 40>}, {pipeline_mode = #tpu.pipeline_mode<synchronous>, transform_indices = @transform_4, window_bounds = array<i64: 1, 40>}, {transform_indices = @transform_5, window_bounds = array<i64: 1024, 40>}]} {
    %get3A = arith.constant 0 : index
    %get3A_0 = arith.constant 0 : index
    %get3A_1 = vector.load %arg2[%get3A, %get3A_0] : memref<32x1024xf32, #tpu.memory_space<vmem>>, vector<32x1024xf32>
    %reduce_sum3A = arith.constant dense<0.000000e+00> : vector<1024xf32>
    %reduce_sum3A_2 = vector.multi_reduction <add>, %get3A_1, %reduce_sum3A [0] : vector<32x1024xf32> to vector<1024xf32>
    %add3A = arith.constant 1.000000e+00 : f32
    %add3A_3 = vector.broadcast %add3A : f32 to vector<1024xf32>
    %add3A_4 = arith.addf %reduce_sum3A_2, %add3A_3 : vector<1024xf32>
    %rsqrt3A = math.rsqrt %add3A_4 : vector<1024xf32>
    %get3A_5 = arith.constant 0 : index
    %get3A_6 = arith.constant 0 : index
    %get3A_7 = arith.constant 0 : index
    %get3A_8 = vector.load %arg1[%get3A_5, %get3A_6, %get3A_7] : memref<2x1024x64xf32, #tpu.memory_space<vmem>>, vector<1x1024x64xf32>
    %get3A_9 = vector.shape_cast %get3A_8 : vector<1x1024x64xf32> to vector<1024x64xf32>
    %get3A_10 = arith.constant 1 : index
    %get3A_11 = arith.constant 0 : index
    %get3A_12 = arith.constant 0 : index
    %get3A_13 = vector.load %arg1[%get3A_10, %get3A_11, %get3A_12] : memref<2x1024x64xf32, #tpu.memory_space<vmem>>, vector<1x1024x64xf32>
    %get3A_14 = vector.shape_cast %get3A_13 : vector<1x1024x64xf32> to vector<1024x64xf32>
    %add3A_15 = arith.addf %get3A_9, %get3A_14 : vector<1024x64xf32>
    %broadcast_in_dim3A = vector.shape_cast %rsqrt3A : vector<1024xf32> to vector<1024x1xf32>
    %mul3A = vector.broadcast %broadcast_in_dim3A : vector<1024x1xf32> to vector<1024x64xf32>
    %mul3A_16 = arith.mulf %add3A_15, %mul3A : vector<1024x64xf32>
    %get3A_17 = arith.constant 0 : index
    %get3A_18 = arith.constant 0 : index
    %get3A_19 = vector.load %arg3[%get3A_17, %get3A_18] : memref<1x64xf32, #tpu.memory_space<vmem>>, vector<1x64xf32>
    %add3A_20 = vector.broadcast %get3A_19 : vector<1x64xf32> to vector<1024x64xf32>
    %add3A_21 = arith.addf %mul3A_16, %add3A_20 : vector<1024x64xf32>
    %get3A_22 = arith.constant 0 : index
    %get3A_23 = arith.constant 0 : index
    %get3A_24 = vector.load %arg4[%get3A_22, %get3A_23] : memref<64x40xf32, #tpu.memory_space<vmem>>, vector<64x40xf32>
    %dot_general3A = arith.constant dense<0.000000e+00> : vector<1024x40xf32>
    %dot_general3A_25 = tpu.matmul %add3A_21, %get3A_24, %dot_general3A {dimension_numbers = #tpu.dot_dimension_numbers<[1], [0], [0], [1], [0, 0, 1, 1], [], []>, transpose_lhs_hint = false} : vector<1024x64xf32>, vector<64x40xf32>, vector<1024x40xf32> -> vector<1024x40xf32>
    %get3A_26 = arith.constant 0 : index
    %get3A_27 = arith.constant 0 : index
    %get3A_28 = vector.load %arg5[%get3A_26, %get3A_27] : memref<1x40xf32, #tpu.memory_space<vmem>>, vector<1x40xf32>
    %add3A_29 = vector.broadcast %get3A_28 : vector<1x40xf32> to vector<1024x40xf32>
    %add3A_30 = arith.addf %dot_general3A_25, %add3A_29 : vector<1024x40xf32>
    %swap3A = arith.constant 0 : index
    %swap3A_31 = arith.constant 0 : index
    %swap3A_32 = vector.load %arg6[%swap3A, %swap3A_31] : memref<1024x40xf32, #tpu.memory_space<vmem>>, vector<1024x40xf32>
    tpu.vector_store %arg6[%swap3A, %swap3A_31], %add3A_30 {strides = array<i32>} : memref<1024x40xf32, #tpu.memory_space<vmem>>, vector<1024x40xf32>,
    return
  }
  func.func @transform_0(%arg0: i32) -> (i32, i32, i32) {
    %c0_i32 = arith.constant 0 : i32
    %c0_i32_0 = arith.constant 0 : i32
    %c0_i32_1 = arith.constant 0 : i32
    return %c0_i32, %arg0, %c0_i32_0 : i32, i32, i32
  }
  func.func @transform_1(%arg0: i32) -> (i32, i32) {
    %c0_i32 = arith.constant 0 : i32
    %c0_i32_0 = arith.constant 0 : i32
    return %c0_i32, %arg0 : i32, i32
  }
  func.func @transform_2(%arg0: i32) -> (i32, i32) {
    %c0_i32 = arith.constant 0 : i32
    %c0_i32_0 = arith.constant 0 : i32
    %c0_i32_1 = arith.constant 0 : i32
    return %c0_i32, %c0_i32_0 : i32, i32
  }
  func.func @transform_3(%arg0: i32) -> (i32, i32) {
    %c0_i32 = arith.constant 0 : i32
    %c0_i32_0 = arith.constant 0 : i32
    %c0_i32_1 = arith.constant 0 : i32
    return %c0_i32, %c0_i32_0 : i32, i32
  }
  func.func @transform_4(%arg0: i32) -> (i32, i32) {
    %c0_i32 = arith.constant 0 : i32
    %c0_i32_0 = arith.constant 0 : i32
    %c0_i32_1 = arith.constant 0 : i32
    return %c0_i32, %c0_i32_0 : i32, i32
  }
  func.func @transform_5(%arg0: i32) -> (i32, i32) {
    %c0_i32 = arith.constant 0 : i32
    %c0_i32_0 = arith.constant 0 : i32
    return %arg0, %c0_i32 : i32, i32
  }
}

</mosaic_0001>

<sc_bundles>
// kernel: kernel.11.cloned.1.call-start
scs
__scs_entry_jumppad:
0x0: {  	(pc) =	sbr.rel $0x88, $3  }
0x1: {  	(tag) =	ssettag $0x0;
	lr =	simm.s32 $0x1  }
0x2: {  	[smem:$0x3F99] =	sst lr;
	_ =	strace $0xD0000000  }
0x3: {  	_ = 	snop  }
0x4: {  	_ = 	snop  }
0x5: {  	_ = 	snop  }
0x6: {  	_ = 	snop  }
0x7: {  	_ = 	snop  }
__scs_overlays_trampoline_lowered:
0x8: {  	[smem:$0x3FA8] =	sst s0  }
0x9: {  	[smem:$0x3FA9] =	sst s1  }
0xa: {  	[smem:$0x3FAA] =	sst s2  }
0xb: {  	[smem:$0x3FAB] =	sst s3  }
0xc: {  	[smem:$0x3FAC] =	sst s4  }
0xd: {  	[smem:$0x3FAD] =	sst s5  }
0xe: {  	[smem:$0x3FAE] =	sst s6  }
0xf: {  	[smem:$0x3FAF] =	sst s7  }
0x10: {  	[smem:$0x3FB0] =	sst s8  }
0x11: {  	[smem:$0x3FB1] =	sst s9;
	s0 =	simm.s32 @!p0 $0x0  }
0x12: {  	s1 =	sld [smem:$0x3F97];
	s0 =	simm.s32 @p0 $0x1  }
0x13: {  	[smem:$0x3FB2] =	sst s0;
	s0 =	simm.s32 @!p1 $0x0  }
0x14: {  	s2 =	sld [smem:$0x3F96];
	s0 =	simm.s32 @p1 $0x1  }
0x15: {  	[smem:$0x3FB3] =	sst s0;
	s0 =	simm.s32 @!p2 $0x0  }
0x16: {  	s3 =	sld [smem:$0x3FDB];
	s0 =	simm.s32 @p2 $0x1  }
0x17: {  	s4 =	simm.s32 $0x1BF5;
	[smem:$0x3FB5] =	sst s0  }
0x18: {  	s0 =	sld [smem:$0x3F98];
	_ =	swait.ge [sflag:s4], $0x0  }
0x19: {  	s7 =	sld [smem:$0x3F99]  }
0x1a: {  	s8 =	sadd.s32 $0xFFFFE003, lr  }
0x1b: {  	s9 =	sadd.s32 $0xFFFFFEF7, lr;
	s5 =	simm.s32 $0xFFFFFFFF;
	p2 =	slt.u32 s8, $0xFFFFF086  }
0x1c: {  	p1 =	slt.u32 s9, $0xF7A;
	s5 =	simm.s32 @!p2 $0x0  }
0x1d: {  	s5 =	simm.s32 @p1 $0x1;
	p0 =	seq.s32 s7, s2  }
0x1e: {  	s7 =	smul.u32 @!p0 $0xF7A, s2;
	p2 =	seq.s32 @!p0 s5, $0x0  }
0x1f: {  	s9 =	smul.u32 $0xF7A, s1;
	s8 =	simm.s32 @!p0 $0x1BF5;
	p2 =	por !p2, p0  }
0x20: {  	[sflag:s8] =	ssyncset.s32 @!p0 $0xFFFFF086;
	s6 =	sadd.s32 @!p0 s3, s7;
	s7 =	simm.s32 @!p0 $0x108  }
0x21: {  	s3 =	sadd.s32 s3, s9;
	s6 =	sadd.s32 @!p0 $0x88, s6;
	s7 =	simm.s32 @p2 $0x1082  }
0x22: {  	[simem:s7], [sflag:s8] =	dma.local @!p0 [hbm:s6], $0xF7A  }
0x23: {  	s9 =	sor.u32 $0xD0000000, s2;
	s6 =	simm.s32 $0x108;
	_ =	swait.ge @!p0 [sflag:s8], $0x0  }
0x24: {  	s3 =	sadd.s32 $0x88, s3;
	s6 =	simm.s32 @!p1 $0x1082;
	[sflag:s4] =	ssyncset.s32 $0xFFFFF086  }
0x25: {  	[simem:s6], [sflag:s4] =	dma.local [hbm:s3], $0xF7A  }
0x26: {  	[smem:$0x3F99] =	sst s1;
	(tag) =	ssettag s2;
	_ =	strace s9  }
0x27: {  	s1 =	sld [smem:$0x3FA9]  }
0x28: {  	s2 =	sld [smem:$0x3FAA]  }
0x29: {  	s4 =	sld [smem:$0x3FAC]  }
0x2a: {  	p0 =	seq.s32 s5, $0x0;
	s5 =	sld [smem:$0x3FAD]  }
0x2b: {  	s6 =	sld [smem:$0x3FAE]  }
0x2c: {  	s7 =	sld [smem:$0x3FAF]  }
0x2d: {  	s3 =	simm.s32 $0x108;
	s8 =	sld [smem:$0x3FB0]  }
0x2e: {  	s3 =	simm.s32 @!p0 $0x1082;
	s9 =	sld [smem:$0x3FB1]  }
0x2f: {  	lr =	sadd.s32 s0, s3;
	s0 =	sld [smem:$0x3FA8]  }
0x30: {  	s3 =	sld [smem:$0x3FAB]  }
0x31: {  	[smem:$0x3FB4] =	sst s10  }
0x32: {  	s10 =	sld [smem:$0x3FB2];
	_ =	sdelay $0x3  }
0x33: {  	p0 =	seq.s32 s10, $0x1;
	s10 =	sld [smem:$0x3FB4];
	_ =	sdelay $0x3  }
0x34: {  	[smem:$0x3FB4] =	sst s10  }
0x35: {  	s10 =	sld [smem:$0x3FB3];
	_ =	sdelay $0x3  }
0x36: {  	p1 =	seq.s32 s10, $0x1;
	s10 =	sld [smem:$0x3FB4];
	_ =	sdelay $0x3  }
0x37: {  	[smem:$0x3FB4] =	sst s10  }
0x38: {  	s10 =	sld [smem:$0x3FB5]  }
0x39: {  	_ = 	snop;
	(pc) =	sbr.ind lr, $3  }
0x3a: {  	_ = 	snop  }
0x3b: {  	_ = 	snop  }
0x3c: {  	p2 =	seq.s32 s10, $0x1;
	s10 =	sld [smem:$0x3FB4]  }
0x3d: {  	_ =	shalt  }
0x3e: {  	_ =	shalt  }
0x3f: {  	_ =	shalt  }
0x40: {  	_ =	shalt  }
0x41: {  	_ =	shalt  }
0x42: {  	_ =	shalt  }
0x43: {  	_ =	shalt  }
0x44: {  	_ =	shalt  }
0x45: {  	_ =	shalt  }
0x46: {  	_ =	shalt  }
0x47: {  	_ =	shalt  }
0x48: {  	_ =	shalt  }
0x49: {  	_ =	shalt  }
0x4a: {  	_ =	shalt  }
0x4b: {  	_ =	shalt  }
0x4c: {  	_ =	shalt  }
0x4d: {  	_ =	shalt  }
0x4e: {  	_ =	shalt  }
0x4f: {  	_ =	shalt  }
0x50: {  	_ =	shalt  }
0x51: {  	_ =	shalt  }
0x52: {  	_ =	shalt  }
0x53: {  	_ =	shalt  }
0x54: {  	_ =	shalt  }
0x55: {  	_ =	shalt  }
0x56: {  	_ =	shalt  }
0x57: {  	_ =	shalt  }
0x58: {  	_ =	shalt  }
0x59: {  	_ =	shalt  }
0x5a: {  	_ =	shalt  }
0x5b: {  	_ =	shalt  }
0x5c: {  	_ =	shalt  }
0x5d: {  	_ =	shalt  }
0x5e: {  	_ =	shalt  }
0x5f: {  	_ =	shalt  }
0x60: {  	_ =	shalt  }
0x61: {  	_ =	shalt  }
0x62: {  	_ =	shalt  }
0x63: {  	_ =	shalt  }
0x64: {  	_ =	shalt  }
0x65: {  	_ =	shalt  }
0x66: {  	_ =	shalt  }
0x67: {  	_ =	shalt  }
0x68: {  	_ =	shalt  }
0x69: {  	_ =	shalt  }
0x6a: {  	_ =	shalt  }
0x6b: {  	_ =	shalt  }
0x6c: {  	_ =	shalt  }
0x6d: {  	_ =	shalt  }
0x6e: {  	_ =	shalt  }
0x6f: {  	_ =	shalt  }
0x70: {  	_ =	shalt  }
0x71: {  	_ =	shalt  }
0x72: {  	_ =	shalt  }
0x73: {  	_ =	shalt  }
0x74: {  	_ =	shalt  }
0x75: {  	_ =	shalt  }
0x76: {  	_ =	shalt  }
0x77: {  	_ =	shalt  }
0x78: {  	_ =	shalt  }
0x79: {  	_ =	shalt  }
0x7a: {  	_ =	shalt  }
0x7b: {  	_ =	shalt  }
0x7c: {  	_ =	shalt  }
0x7d: {  	_ =	shalt  }
0x7e: {  	_ =	shalt  }
0x7f: {  	_ =	shalt  }
0x80: {  	_ =	shalt  }
0x81: {  	_ =	shalt  }
0x82: {  	_ =	shalt  }
0x83: {  	_ =	shalt  }
0x84: {  	_ =	shalt  }
0x85: {  	_ =	shalt  }
0x86: {  	_ =	shalt  }
0x87: {  	_ =	shalt  }
.Lfunc_end0:
.L_simem_size_0:
called_computation.1_lowered:
.L_overlay_start_0:
0x88: {  	s2 =	sld [smem:$0x3FD9]  }
0x89: {  	s3 =	sld [smem:$0x3FFE];
	_ =	sdelay $0x1  }
0x8a: {  	s1 =	srdreg.scid  }
0x8b: {  	s0 =	sand.u32 $0x1, s1  }
0x8c: {  	s17 =	sshll.u32 s0, $0xA;
	s2 =	sadd.s32 s3, s2  }
0x8d: {  	s2 =	sadd.s32 s2, s17  }
0x8e: {  	[smem:$0x3FC0] =	sst s2  }
0x8f: {  	_ = 	snop  }
0x90: {  	s2 =	sld [smem:$0x3FD0];
	(tm) =	ssettm $0x1  }
0x91: {  	s18 =	sld [smem:$0x3FFB];
	_ =	sdelay $0x3  }
0x92: {  	_ =	strace s18  }
0x93: {  	s3 =	sld [smem:$0x3FFC];
	_ =	sdelay $0x3  }
0x94: {  	_ =	strace s3  }
0x95: {  	s3 =	sld [smem:$0x3FFD];
	_ =	sdelay $0x3  }
0x96: {  	_ =	strace s3  }
0x97: {  	_ =	strace $0x8FFFFFFF  }
0x98: {  	s19 =	sld [smem:$0x3FDB];
	_ =	sdelay $0x1  }
0x99: {  	s4 =	simm.s32 $_scs_section_size  }
0x9a: {  	s5 =	simm.s32 $_size__tile_overlayer_lowered;
	s6 =	simm.s32 $_tile_overlayer_lowered  }
0x9b: {  	s22 =	simm.s32 $0x1BFF;
	s21 =	sshll.u32 s6, $0x1;
	s3 =	sadd.s32 s4, s19  }
0x9c: {  	s7 =	simm.s32 $0x0;
	s20 =	sshll.u32 s5, $0x1;
	s5 =	sadd.s32 s21, s3  }
0x9d: {  	[timem:s7], [sflag:s22] =	dma.local [hbm:s5], s20  }
0x9e: {  	_ =	swait.ge [sflag:s22], s20  }
0x9f: {  	s4 =	ssub.s32 $0x0, s20;
	[sflag:s22] =	ssyncset.done $0x0  }
0xa0: {  	[sflag:s22] =	ssyncadd.s32 s4;
	_ =	sdelay $0x1  }
0xa1: {  	s23 =	simm.s32 $0x1B8B  }
0xa2: {  	_ =	swait.ge [sflag:s23], $0x1  }
0xa3: {  	[sflag:s23] =	ssyncset.done $0x0  }
0xa4: {  	s25 =	simm.s32 $0x1B8E;
	s24 =	sld [smem:$0x3FFE];
	[sflag:s23] =	ssyncadd.s32 $0xFFFFFFFF  }
0xa5: {  	s26 =	simm.s32 $execute0_lowered;
	[smem:$0x3FD2] =	sst s25  }
0xa6: {  	s5 =	sshll.u32 s26, $0x1;
	_ =	strace $0x80000049;
	[dreg:$0x1] =	wrdreg $0xFFFFFFFF  }
0xa7: {  	s28 =	simm.s32 $_size_execute0_lowered;
	s3 =	sadd.s32 s3, s5;
	[dreg:$0x0] =	wrdreg $0x0  }
0xa8: {  	s5 =	sshll.u32 s28, $0x1;
	[dreg:$0x2] =	wrdreg s3  }
0xa9: {  	[dreg:$0x3] =	wrdreg s5  }
0xaa: {  	[dreg:$0x4] =	wrdreg $0xC0  }
0xab: {  	_ =	task [dreg:s7], $0x5FFFF  }
0xac: {  	[dreg:$0x1] =	wrdreg $0xFFFFFFFF  }
0xad: {  	[dreg:$0x0] =	wrdreg $0x60  }
0xae: {  	[dreg:$0x2] =	wrdreg s24  }
0xaf: {  	[dreg:$0x3] =	wrdreg s2  }
0xb0: {  	[dreg:$0x4] =	wrdreg $0x0  }
0xb1: {  	[dreg:$0x5] =	wrdreg $0x9  }
0xb2: {  	_ =	task.clear_ibuf [dreg:s7], $0x6FFFF;
	_ =	strace $0x90000049  }
0xb3: {  	s29 =	simm.s32 $0x9;
	_ =	strace $0x8000004B  }
0xb4: {  	_ =	swait.ge [sflag:s29], $0x1  }
0xb5: {  	[sflag:s29] =	ssyncadd.s32 $0xFFFFFFFF  }
0xb6: {  	_ =	strace $0x9000004B  }
0xb7: {  	_ =	sfence  }
0xb8: {  	s30 =	sld [smem:$0x0];
	_ =	sdelay $0x2  }
0xb9: {  	s31 =	sshll.u32 s1, $0xD;
	s1 =	sshrl.u32 s1, $0x2  }
0xba: {  	s3 =	sand.u32 $0x4000, s31;
	s1 =	sadd.s32 s1, s30  }
0xbb: {  	s0 =	sor.u32 s3, s0;
	s1 =	sshll.u32 s1, $0x11  }
0xbc: {  	s0 =	sor.u32 s1, s0  }
0xbd: {  	s0 =	sadd.s32 $0x8F2B, s0  }
0xbe: {  	[sflag:s0] =	ssyncadd.remote.s32 $0x1  }
0xbf: {  	_ =	sfence.sel $0xFFFF  }
0xc0: {  	[dreg:$0x0] =	wrdreg $0xFFFFFFFF;
	(pc) =	sbr.abs _section_cstart, $3  }
0xc1: {  	[dreg:$0x1] =	wrdreg $0xFFFFFFFF  }
0xc2: {  	_ =	task.clear_ibuf [dreg:s7], $0x2FFFF;
	_ =	strace $0x9FFFFFFF  }
0xc3: {  	(tm) =	ssettm $0x7FFFFFFF  }
tec
execute0_lowered:
.L_overlay_start_1:
0x0: {  	(tag) =	ssettag $0x1  }
0x1: {  	s0 =	rddreg [dreg:$0x0]  }
0x2: {  	s2 =	rddreg [dreg:$0x1]  }
0x3: {  	s1 =	rddreg [dreg:$0x2];
	s3 =	srdreg.scid;
	s5 =	simm.s32 $0x0  }
0x4: {  	s10 =	stileid.u32;
	s11 =	simm.s32 $0x9;
	s12 =	simm.s32 $0xA000  }
0x5: {  	s13 =	simm.s32 $0x80;
	s14 =	simm.s32 $0xC800;
	s15 =	simm.s32 $0xA100  }
0x6: {  	s16 =	simm.s32 $0xE800;
	s17 =	simm.s32 $0xA200;
	s18 =	simm.s32 $0x10800  }
0x7: {  	s28 =	simm.s32 $0x7;
	s29 =	simm.s32 $0x4;
	s19 =	smul.u32 $0x14000, s10  }
0x8: {  	s30 =	simm.s32 $0x8;
	s31 =	simm.s32 $0xC480;
	s7 =	smul.u32 $0x5000, s10  }
0x9: {  	s3 =	sand.u32 $0x1, s3;
	[smem:$0x7FF] =	sst s5;
	s9 =	smul.u32 $0xA00, s10  }
0xa: {  	s23 =	sshll.u32 s10, $0x6;
	s4 =	smul.u32 $0x14000, s3;
	s3 =	ssub.s32 $0x2, s3  }
0xb: {  	_ =	strace $0x8000004A;
	s20 =	sshrl.u32 s3, $0x1;
	s6 =	sshrl.u32 s19, $0x1  }
0xc: {  	s5 =	sshrl.u32 s19, $0x4;
	s21 =	sshrl.u32 s7, $0x3;
	s19 =	simm.s32 $0xA300  }
0xd: {  	s0 =	sadd.s32 s4, s0;
	s3 =	ssub.s32 s3, s20;
	s8 =	sadd.s32 s6, s1  }
0xe: {  	s24 =	sadd.s32 s2, s21;
	s6 =	sor.u32 $0x1C09, s23;
	s2 =	sadd.s32 s2, s9  }
0xf: {  	s20 =	simm.s32 $0x12800;
	s21 =	simm.s32 $0x1;
	s23 =	simm.s32 $0x2  }
0x10: {  	s4 =	sadd.s32 $0x1600, s0;
	[dreg:$0x5] =	wrdreg s2;
	s25 =	sadd.s32 $0x500, s24  }
0x11: {  	s0 =	sadd.s32 $0x29600, s0;
	s26 =	smax.u32 s3, $0x1;
	s10 =	sshrl.u32 s8, $0x3  }
0x12: {  	s2 =	simm.s32 $0xC680;
	s3 =	simm.s32 $0xC780;
	[dreg:$0x6] =	wrdreg s25  }
0x13: {  	s22 =	sadd.s32 s5, s4;
	[dreg:$0x7] =	wrdreg s26;
	s24 =	sadd.s32 s5, s0  }
0x14: {  	s25 =	simm.s32 $0x6;
	s26 =	simm.s32 $0x3;
	s0 =	simm.s32 $0xC580  }
0x15: {  	s5 =	simm.s32 $0x0;
	[dreg:$0x4] =	wrdreg s22;
	s22 =	simm.s32 $0x5  }
.LBB2_1:
0x16: {  	s7 =	rddreg [dreg:$0x4]  }
0x17: {  	[spmem:s10], [sflag:s6] =	dma.local [hbm:s7], $0x1400  }
0x18: {  	_ =	swait.ge [sflag:s11], $0x1400  }
0x19: {  	[sflag:s11] =	ssyncset.done $0x0  }
0x1a: {  	[sflag:s11] =	ssyncadd.s32 $0xFFFFEC00  }
0x1b: {  	[bflag:$0x0] =	sbarrier.arrive $0xFFFF  }
0x1c: {  	s9 =	simm.s32 $0x0;
	s8 =	rddreg [dreg:$0x5]  }
0x1d: {  	[tilespmem:s12], [sflag:$0x9] =	stream.linear.gather [hbm4b:s8+s9], $0x2800, $0x38;
	[tilespmem:$0x14800] =	vst v63  }
0x1e: {  	_ =	swait.ge [sflag:s11], $0x2800  }
0x1f: {  	[sflag:s11] =	ssyncset.done $0x0  }
0x20: {  	[sflag:s11] =	ssyncadd.s32 $0xFFFFD800  }
0x21: {  	[tilespmem:s14], [sflag:$0x1] =	stream.indirect.gather [hbm4b:s4+s13], $0x40, s12, s13, $0xb8;
	[tilespmem:$0x14800] =	vst v63  }
0x22: {  	_ = 	snop  }
0x23: {  	[tilespmem:s16], [sflag:$0x2] =	stream.indirect.gather [hbm4b:s4+s13], $0x40, s15, s13, $0xb8;
	[tilespmem:$0x14800] =	vst v63  }
0x24: {  	_ = 	snop  }
0x25: {  	[tilespmem:s18], [sflag:$0x3] =	stream.indirect.gather [hbm4b:s4+s13], $0x40, s17, s13, $0xb8;
	[tilespmem:$0x14800] =	vst v63  }
0x26: {  	_ = 	snop  }
0x27: {  	[tilespmem:s20], [sflag:$0x4] =	stream.indirect.gather [hbm4b:s4+s13], $0x40, s19, s13, $0xb8;
	[tilespmem:$0x14800] =	vst v63  }
0x28: {  	_ =	swait.ge [sflag:s21], $0x2000  }
0x29: {  	[sflag:s21] =	ssyncset.done $0x0  }
0x2a: {  	s9 =	simm.s32 $0xA080;
	[sflag:s21] =	ssyncadd.s32 $0xFFFFE000  }
0x2b: {  	[spmem:s1] =	stream.indirect.scatter.add.bf16 [tilespmem:s14], [sflag:$0x5], $0x40, s9, s13, $0xb8;
	[tilespmem:$0x14800] =	vst v63  }
0x2c: {  	_ =	swait.ge [sflag:s22], $0x2000  }
0x2d: {  	[sflag:s22] =	ssyncset.done $0x0  }
0x2e: {  	s8 =	simm.s32 $0xA400;
	[sflag:s22] =	ssyncadd.s32 $0xFFFFE000  }
0x2f: {  	[tilespmem:s14], [sflag:$0x1] =	stream.indirect.gather [hbm4b:s4+s13], $0x40, s8, s13, $0xb8;
	[tilespmem:$0x14800] =	vst v63  }
0x30: {  	_ =	swait.ge [sflag:s23], $0x2000  }
0x31: {  	[sflag:s23] =	ssyncset.done $0x0  }
0x32: {  	s9 =	simm.s32 $0xA180;
	[sflag:s23] =	ssyncadd.s32 $0xFFFFE000  }
0x33: {  	[spmem:s1] =	stream.indirect.scatter.add.bf16 [tilespmem:s16], [sflag:$0x6], $0x40, s9, s13, $0xb8;
	[tilespmem:$0x14800] =	vst v63  }
0x34: {  	_ =	swait.ge [sflag:s25], $0x2000  }
0x35: {  	[sflag:s25] =	ssyncset.done $0x0  }
0x36: {  	s8 =	simm.s32 $0xA500;
	[sflag:s25] =	ssyncadd.s32 $0xFFFFE000  }
0x37: {  	[tilespmem:s16], [sflag:$0x2] =	stream.indirect.gather [hbm4b:s4+s13], $0x40, s8, s13, $0xb8;
	[tilespmem:$0x14800] =	vst v63  }
0x38: {  	_ =	swait.ge [sflag:s26], $0x2000  }
0x39: {  	[sflag:s26] =	ssyncset.done $0x0  }
0x3a: {  	s9 =	simm.s32 $0xA280;
	[sflag:s26] =	ssyncadd.s32 $0xFFFFE000  }
0x3b: {  	[spmem:s1] =	stream.indirect.scatter.add.bf16 [tilespmem:s18], [sflag:$0x7], $0x40, s9, s13, $0xb8;
	[tilespmem:$0x14800] =	vst v63  }
0x3c: {  	_ =	swait.ge [sflag:s28], $0x2000  }
0x3d: {  	[sflag:s28] =	ssyncset.done $0x0  }
0x3e: {  	s8 =	simm.s32 $0xA600;
	[sflag:s28] =	ssyncadd.s32 $0xFFFFE000  }
0x3f: {  	[tilespmem:s18], [sflag:$0x3] =	stream.indirect.gather [hbm4b:s4+s13], $0x40, s8, s13, $0xb8;
	[tilespmem:$0x14800] =	vst v63  }
0x40: {  	_ =	swait.ge [sflag:s29], $0x2000  }
0x41: {  	[sflag:s29] =	ssyncset.done $0x0  }
0x42: {  	s9 =	simm.s32 $0xA380;
	[sflag:s29] =	ssyncadd.s32 $0xFFFFE000  }
0x43: {  	[spmem:s1] =	stream.indirect.scatter.add.bf16 [tilespmem:s20], [sflag:$0x8], $0x40, s9, s13, $0xb8;
	[tilespmem:$0x14800] =	vst v63  }
0x44: {  	_ =	swait.ge [sflag:s30], $0x2000  }
0x45: {  	[sflag:s30] =	ssyncset.done $0x0  }
0x46: {  	s7 =	simm.s32 $0x1000;
	s8 =	simm.s32 $0xA700;
	[sflag:s30] =	ssyncadd.s32 $0xFFFFE000  }
.LBB2_2:
0x47: {  	[tilespmem:s20], [sflag:$0x4] =	stream.indirect.gather [hbm4b:s4+s13], $0x40, s8, s13, $0xb8;
	[tilespmem:$0x14800] =	vst v63  }
0x48: {  	s8 =	smov.u32 s7  }
0x49: {  	p0 =	sne.s32 s7, $0x8000;
	s7 =	sadd.s32 $0x1000, s7;
	_ =	swait.ge [sflag:s21], $0x2000  }
0x4a: {  	s8 =	sshra.s32 s8, $0x2;
	[sflag:s21] =	ssyncset.done $0x0  }
0x4b: {  	s9 =	sadd.s32 $0xA080, s8;
	[sflag:s21] =	ssyncadd.s32 $0xFFFFE000  }
0x4c: {  	[spmem:s1] =	stream.indirect.scatter.add.bf16 [tilespmem:s14], [sflag:$0x5], $0x40, s9, s13, $0xb8;
	[tilespmem:$0x14800] =	vst v63  }
0x4d: {  	_ =	swait.ge [sflag:s22], $0x2000  }
0x4e: {  	[sflag:s22] =	ssyncset.done $0x0  }
0x4f: {  	s9 =	sadd.s32 $0xA400, s8;
	[sflag:s22] =	ssyncadd.s32 $0xFFFFE000  }
0x50: {  	[tilespmem:s14], [sflag:$0x1] =	stream.indirect.gather [hbm4b:s4+s13], $0x40, s9, s13, $0xb8;
	[tilespmem:$0x14800] =	vst v63  }
0x51: {  	_ =	swait.ge [sflag:s23], $0x2000  }
0x52: {  	[sflag:s23] =	ssyncset.done $0x0  }
0x53: {  	s9 =	sadd.s32 $0xA180, s8;
	[sflag:s23] =	ssyncadd.s32 $0xFFFFE000  }
0x54: {  	[spmem:s1] =	stream.indirect.scatter.add.bf16 [tilespmem:s16], [sflag:$0x6], $0x40, s9, s13, $0xb8;
	[tilespmem:$0x14800] =	vst v63  }
0x55: {  	_ =	swait.ge [sflag:s25], $0x2000  }
0x56: {  	[sflag:s25] =	ssyncset.done $0x0  }
0x57: {  	s9 =	sadd.s32 $0xA500, s8;
	[sflag:s25] =	ssyncadd.s32 $0xFFFFE000  }
0x58: {  	[tilespmem:s16], [sflag:$0x2] =	stream.indirect.gather [hbm4b:s4+s13], $0x40, s9, s13, $0xb8;
	[tilespmem:$0x14800] =	vst v63  }
0x59: {  	_ =	swait.ge [sflag:s26], $0x2000  }
0x5a: {  	[sflag:s26] =	ssyncset.done $0x0  }
0x5b: {  	s9 =	sadd.s32 $0xA280, s8;
	[sflag:s26] =	ssyncadd.s32 $0xFFFFE000  }
0x5c: {  	[spmem:s1] =	stream.indirect.scatter.add.bf16 [tilespmem:s18], [sflag:$0x7], $0x40, s9, s13, $0xb8;
	[tilespmem:$0x14800] =	vst v63  }
0x5d: {  	_ =	swait.ge [sflag:s28], $0x2000  }
0x5e: {  	[sflag:s28] =	ssyncset.done $0x0  }
0x5f: {  	s9 =	sadd.s32 $0xA600, s8;
	[sflag:s28] =	ssyncadd.s32 $0xFFFFE000  }
0x60: {  	[tilespmem:s18], [sflag:$0x3] =	stream.indirect.gather [hbm4b:s4+s13], $0x40, s9, s13, $0xb8;
	[tilespmem:$0x14800] =	vst v63  }
0x61: {  	_ =	swait.ge [sflag:s29], $0x2000  }
0x62: {  	[sflag:s29] =	ssyncset.done $0x0  }
.Ltmp0:
0x63: {  	s9 =	sadd.s32 $0xA380, s8;
	[sflag:s29] =	ssyncadd.s32 $0xFFFFE000;
	(pc) =	sbr.rel @p0 .LBB2_2-.Ltmp0, $4  }
0x64: {  	[spmem:s1] =	stream.indirect.scatter.add.bf16 [tilespmem:s20], [sflag:$0x8], $0x40, s9, s13, $0xb8;
	[tilespmem:$0x14800] =	vst v63  }
0x65: {  	_ =	swait.ge [sflag:s30], $0x2000  }
0x66: {  	[sflag:s30] =	ssyncset.done $0x0  }
0x67: {  	s8 =	sadd.s32 $0xA700, s8;
	[sflag:s30] =	ssyncadd.s32 $0xFFFFE000  }
0x68: {  	[tilespmem:s20], [sflag:$0x4] =	stream.indirect.gather [hbm4b:s4+s13], $0x40, s8, s13, $0xb8;
	[tilespmem:$0x14800] =	vst v63  }
0x69: {  	_ =	swait.ge [sflag:s21], $0x2000  }
0x6a: {  	[sflag:s21] =	ssyncset.done $0x0  }
0x6b: {  	[sflag:s21] =	ssyncadd.s32 $0xFFFFE000  }
0x6c: {  	[spmem:s1] =	stream.indirect.scatter.add.bf16 [tilespmem:s14], [sflag:$0x5], $0x40, s31, s13, $0xb8;
	[tilespmem:$0x14800] =	vst v63  }
0x6d: {  	_ =	swait.ge [sflag:s23], $0x2000  }
0x6e: {  	[sflag:s23] =	ssyncset.done $0x0  }
0x6f: {  	[sflag:s23] =	ssyncadd.s32 $0xFFFFE000  }
0x70: {  	[spmem:s1] =	stream.indirect.scatter.add.bf16 [tilespmem:s16], [sflag:$0x6], $0x40, s0, s13, $0xb8;
	[tilespmem:$0x14800] =	vst v63  }
0x71: {  	_ =	swait.ge [sflag:s26], $0x2000  }
0x72: {  	[sflag:s26] =	ssyncset.done $0x0  }
0x73: {  	[sflag:s26] =	ssyncadd.s32 $0xFFFFE000  }
0x74: {  	[spmem:s1] =	stream.indirect.scatter.add.bf16 [tilespmem:s18], [sflag:$0x7], $0x40, s2, s13, $0xb8;
	[tilespmem:$0x14800] =	vst v63  }
0x75: {  	_ =	swait.ge [sflag:s29], $0x2000  }
0x76: {  	[sflag:s29] =	ssyncset.done $0x0  }
0x77: {  	[sflag:s29] =	ssyncadd.s32 $0xFFFFE000  }
0x78: {  	[spmem:s1] =	stream.indirect.scatter.add.bf16 [tilespmem:s20], [sflag:$0x8], $0x40, s3, s13, $0xb8;
	[tilespmem:$0x14800] =	vst v63  }
0x79: {  	_ =	swait.ge [sflag:s22], $0x2000  }
0x7a: {  	[sflag:s22] =	ssyncset.done $0x0  }
0x7b: {  	[sflag:s22] =	ssyncadd.s32 $0xFFFFE000  }
0x7c: {  	_ =	swait.ge [sflag:s25], $0x2000  }
0x7d: {  	[sflag:s25] =	ssyncset.done $0x0  }
0x7e: {  	[sflag:s25] =	ssyncadd.s32 $0xFFFFE000  }
0x7f: {  	_ =	swait.ge [sflag:s28], $0x2000  }
0x80: {  	[sflag:s28] =	ssyncset.done $0x0  }
0x81: {  	[sflag:s28] =	ssyncadd.s32 $0xFFFFE000  }
0x82: {  	_ =	swait.ge [sflag:s30], $0x2000  }
0x83: {  	[sflag:s30] =	ssyncset.done $0x0  }
0x84: {  	s7 =	simm.s32 $0x0;
	s9 =	rddreg [dreg:$0x6];
	[sflag:s30] =	ssyncadd.s32 $0xFFFFE000  }
0x85: {  	[tilespmem:s12], [sflag:$0x9] =	stream.linear.gather [hbm4b:s9+s7], $0x2800, $0x38;
	[tilespmem:$0x14800] =	vst v63  }
0x86: {  	_ =	swait.ge [sflag:s11], $0x2800  }
0x87: {  	[sflag:s11] =	ssyncset.done $0x0  }
0x88: {  	[sflag:s11] =	ssyncadd.s32 $0xFFFFD800  }
0x89: {  	[tilespmem:s14], [sflag:$0x1] =	stream.indirect.gather [hbm4b:s4+s13], $0x40, s12, s13, $0xb8;
	[tilespmem:$0x14800] =	vst v63  }
0x8a: {  	_ = 	snop  }
0x8b: {  	[tilespmem:s16], [sflag:$0x2] =	stream.indirect.gather [hbm4b:s4+s13], $0x40, s15, s13, $0xb8;
	[tilespmem:$0x14800] =	vst v63  }
0x8c: {  	_ = 	snop  }
0x8d: {  	[tilespmem:s18], [sflag:$0x3] =	stream.indirect.gather [hbm4b:s4+s13], $0x40, s17, s13, $0xb8;
	[tilespmem:$0x14800] =	vst v63  }
0x8e: {  	_ = 	snop  }
0x8f: {  	[tilespmem:s20], [sflag:$0x4] =	stream.indirect.gather [hbm4b:s4+s13], $0x40, s19, s13, $0xb8;
	[tilespmem:$0x14800] =	vst v63  }
0x90: {  	_ =	swait.ge [sflag:s21], $0x2000  }
0x91: {  	[sflag:s21] =	ssyncset.done $0x0  }
0x92: {  	s9 =	simm.s32 $0xA080;
	[sflag:s21] =	ssyncadd.s32 $0xFFFFE000  }
0x93: {  	[spmem:s1] =	stream.indirect.scatter.add.bf16 [tilespmem:s14], [sflag:$0x5], $0x40, s9, s13, $0xb8;
	[tilespmem:$0x14800] =	vst v63  }
0x94: {  	_ =	swait.ge [sflag:s22], $0x2000  }
0x95: {  	[sflag:s22] =	ssyncset.done $0x0  }
0x96: {  	s8 =	simm.s32 $0xA400;
	[sflag:s22] =	ssyncadd.s32 $0xFFFFE000  }
0x97: {  	[tilespmem:s14], [sflag:$0x1] =	stream.indirect.gather [hbm4b:s4+s13], $0x40, s8, s13, $0xb8;
	[tilespmem:$0x14800] =	vst v63  }
0x98: {  	_ =	swait.ge [sflag:s23], $0x2000  }
0x99: {  	[sflag:s23] =	ssyncset.done $0x0  }
0x9a: {  	s9 =	simm.s32 $0xA180;
	[sflag:s23] =	ssyncadd.s32 $0xFFFFE000  }
0x9b: {  	[spmem:s1] =	stream.indirect.scatter.add.bf16 [tilespmem:s16], [sflag:$0x6], $0x40, s9, s13, $0xb8;
	[tilespmem:$0x14800] =	vst v63  }
0x9c: {  	_ =	swait.ge [sflag:s25], $0x2000  }
0x9d: {  	[sflag:s25] =	ssyncset.done $0x0  }
0x9e: {  	s8 =	simm.s32 $0xA500;
	[sflag:s25] =	ssyncadd.s32 $0xFFFFE000  }
0x9f: {  	[tilespmem:s16], [sflag:$0x2] =	stream.indirect.gather [hbm4b:s4+s13], $0x40, s8, s13, $0xb8;
	[tilespmem:$0x14800] =	vst v63  }
0xa0: {  	_ =	swait.ge [sflag:s26], $0x2000  }
0xa1: {  	[sflag:s26] =	ssyncset.done $0x0  }
0xa2: {  	s9 =	simm.s32 $0xA280;
	[sflag:s26] =	ssyncadd.s32 $0xFFFFE000  }
0xa3: {  	[spmem:s1] =	stream.indirect.scatter.add.bf16 [tilespmem:s18], [sflag:$0x7], $0x40, s9, s13, $0xb8;
	[tilespmem:$0x14800] =	vst v63  }
0xa4: {  	_ =	swait.ge [sflag:s28], $0x2000  }
0xa5: {  	[sflag:s28] =	ssyncset.done $0x0  }
0xa6: {  	s8 =	simm.s32 $0xA600;
	[sflag:s28] =	ssyncadd.s32 $0xFFFFE000  }
0xa7: {  	[tilespmem:s18], [sflag:$0x3] =	stream.indirect.gather [hbm4b:s4+s13], $0x40, s8, s13, $0xb8;
	[tilespmem:$0x14800] =	vst v63  }
0xa8: {  	_ =	swait.ge [sflag:s29], $0x2000  }
0xa9: {  	[sflag:s29] =	ssyncset.done $0x0  }
0xaa: {  	s9 =	simm.s32 $0xA380;
	[sflag:s29] =	ssyncadd.s32 $0xFFFFE000  }
0xab: {  	[spmem:s1] =	stream.indirect.scatter.add.bf16 [tilespmem:s20], [sflag:$0x8], $0x40, s9, s13, $0xb8;
	[tilespmem:$0x14800] =	vst v63  }
0xac: {  	_ =	swait.ge [sflag:s30], $0x2000  }
0xad: {  	[sflag:s30] =	ssyncset.done $0x0  }
0xae: {  	s7 =	simm.s32 $0x1000;
	s8 =	simm.s32 $0xA700;
	[sflag:s30] =	ssyncadd.s32 $0xFFFFE000  }
.LBB2_4:
0xaf: {  	[tilespmem:s20], [sflag:$0x4] =	stream.indirect.gather [hbm4b:s4+s13], $0x40, s8, s13, $0xb8;
	[tilespmem:$0x14800] =	vst v63  }
0xb0: {  	s8 =	smov.u32 s7  }
0xb1: {  	p0 =	sne.s32 s7, $0x8000;
	s7 =	sadd.s32 $0x1000, s7;
	_ =	swait.ge [sflag:s21], $0x2000  }
0xb2: {  	s8 =	sshra.s32 s8, $0x2;
	[sflag:s21] =	ssyncset.done $0x0  }
0xb3: {  	s9 =	sadd.s32 $0xA080, s8;
	[sflag:s21] =	ssyncadd.s32 $0xFFFFE000  }
0xb4: {  	[spmem:s1] =	stream.indirect.scatter.add.bf16 [tilespmem:s14], [sflag:$0x5], $0x40, s9, s13, $0xb8;
	[tilespmem:$0x14800] =	vst v63  }
0xb5: {  	_ =	swait.ge [sflag:s22], $0x2000  }
0xb6: {  	[sflag:s22] =	ssyncset.done $0x0  }
0xb7: {  	s9 =	sadd.s32 $0xA400, s8;
	[sflag:s22] =	ssyncadd.s32 $0xFFFFE000  }
0xb8: {  	[tilespmem:s14], [sflag:$0x1] =	stream.indirect.gather [hbm4b:s4+s13], $0x40, s9, s13, $0xb8;
	[tilespmem:$0x14800] =	vst v63  }
0xb9: {  	_ =	swait.ge [sflag:s23], $0x2000  }
0xba: {  	[sflag:s23] =	ssyncset.done $0x0  }
0xbb: {  	s9 =	sadd.s32 $0xA180, s8;
	[sflag:s23] =	ssyncadd.s32 $0xFFFFE000  }
0xbc: {  	[spmem:s1] =	stream.indirect.scatter.add.bf16 [tilespmem:s16], [sflag:$0x6], $0x40, s9, s13, $0xb8;
	[tilespmem:$0x14800] =	vst v63  }
0xbd: {  	_ =	swait.ge [sflag:s25], $0x2000  }
0xbe: {  	[sflag:s25] =	ssyncset.done $0x0  }
0xbf: {  	s9 =	sadd.s32 $0xA500, s8;
	[sflag:s25] =	ssyncadd.s32 $0xFFFFE000  }
0xc0: {  	[tilespmem:s16], [sflag:$0x2] =	stream.indirect.gather [hbm4b:s4+s13], $0x40, s9, s13, $0xb8;
	[tilespmem:$0x14800] =	vst v63  }
0xc1: {  	_ =	swait.ge [sflag:s26], $0x2000  }
0xc2: {  	[sflag:s26] =	ssyncset.done $0x0  }
0xc3: {  	s9 =	sadd.s32 $0xA280, s8;
	[sflag:s26] =	ssyncadd.s32 $0xFFFFE000  }
0xc4: {  	[spmem:s1] =	stream.indirect.scatter.add.bf16 [tilespmem:s18], [sflag:$0x7], $0x40, s9, s13, $0xb8;
	[tilespmem:$0x14800] =	vst v63  }
0xc5: {  	_ =	swait.ge [sflag:s28], $0x2000  }
0xc6: {  	[sflag:s28] =	ssyncset.done $0x0  }
0xc7: {  	s9 =	sadd.s32 $0xA600, s8;
	[sflag:s28] =	ssyncadd.s32 $0xFFFFE000  }
0xc8: {  	[tilespmem:s18], [sflag:$0x3] =	stream.indirect.gather [hbm4b:s4+s13], $0x40, s9, s13, $0xb8;
	[tilespmem:$0x14800] =	vst v63  }
0xc9: {  	_ =	swait.ge [sflag:s29], $0x2000  }
0xca: {  	[sflag:s29] =	ssyncset.done $0x0  }
.Ltmp1:
0xcb: {  	s9 =	sadd.s32 $0xA380, s8;
	[sflag:s29] =	ssyncadd.s32 $0xFFFFE000;
	(pc) =	sbr.rel @p0 .LBB2_4-.Ltmp1, $4  }
0xcc: {  	[spmem:s1] =	stream.indirect.scatter.add.bf16 [tilespmem:s20], [sflag:$0x8], $0x40, s9, s13, $0xb8;
	[tilespmem:$0x14800] =	vst v63  }
0xcd: {  	_ =	swait.ge [sflag:s30], $0x2000  }
0xce: {  	[sflag:s30] =	ssyncset.done $0x0  }
0xcf: {  	s8 =	sadd.s32 $0xA700, s8;
	[sflag:s30] =	ssyncadd.s32 $0xFFFFE000  }
0xd0: {  	[tilespmem:s20], [sflag:$0x4] =	stream.indirect.gather [hbm4b:s4+s13], $0x40, s8, s13, $0xb8;
	[tilespmem:$0x14800] =	vst v63  }
0xd1: {  	_ =	swait.ge [sflag:s21], $0x2000  }
0xd2: {  	[sflag:s21] =	ssyncset.done $0x0  }
0xd3: {  	[sflag:s21] =	ssyncadd.s32 $0xFFFFE000  }
0xd4: {  	[spmem:s1] =	stream.indirect.scatter.add.bf16 [tilespmem:s14], [sflag:$0x5], $0x40, s31, s13, $0xb8;
	[tilespmem:$0x14800] =	vst v63  }
0xd5: {  	_ =	swait.ge [sflag:s23], $0x2000  }
0xd6: {  	[sflag:s23] =	ssyncset.done $0x0  }
0xd7: {  	[sflag:s23] =	ssyncadd.s32 $0xFFFFE000  }
0xd8: {  	[spmem:s1] =	stream.indirect.scatter.add.bf16 [tilespmem:s16], [sflag:$0x6], $0x40, s0, s13, $0xb8;
	[tilespmem:$0x14800] =	vst v63  }
0xd9: {  	_ =	swait.ge [sflag:s26], $0x2000  }
0xda: {  	[sflag:s26] =	ssyncset.done $0x0  }
0xdb: {  	[sflag:s26] =	ssyncadd.s32 $0xFFFFE000  }
0xdc: {  	[spmem:s1] =	stream.indirect.scatter.add.bf16 [tilespmem:s18], [sflag:$0x7], $0x40, s2, s13, $0xb8;
	[tilespmem:$0x14800] =	vst v63  }
0xdd: {  	_ =	swait.ge [sflag:s29], $0x2000  }
0xde: {  	[sflag:s29] =	ssyncset.done $0x0  }
0xdf: {  	[sflag:s29] =	ssyncadd.s32 $0xFFFFE000  }
0xe0: {  	[spmem:s1] =	stream.indirect.scatter.add.bf16 [tilespmem:s20], [sflag:$0x8], $0x40, s3, s13, $0xb8;
	[tilespmem:$0x14800] =	vst v63  }
0xe1: {  	_ =	swait.ge [sflag:s22], $0x2000  }
0xe2: {  	[sflag:s22] =	ssyncset.done $0x0  }
0xe3: {  	[sflag:s22] =	ssyncadd.s32 $0xFFFFE000  }
0xe4: {  	_ =	swait.ge [sflag:s25], $0x2000  }
0xe5: {  	[sflag:s25] =	ssyncset.done $0x0  }
0xe6: {  	[sflag:s25] =	ssyncadd.s32 $0xFFFFE000  }
0xe7: {  	_ =	swait.ge [sflag:s28], $0x2000  }
0xe8: {  	[sflag:s28] =	ssyncset.done $0x0  }
0xe9: {  	[sflag:s28] =	ssyncadd.s32 $0xFFFFE000  }
0xea: {  	_ =	swait.ge [sflag:s30], $0x2000  }
0xeb: {  	[sflag:s30] =	ssyncset.done $0x0  }
0xec: {  	[sflag:s30] =	ssyncadd.s32 $0xFFFFE000  }
0xed: {  	[bflag:$0x0] =	sbarrier.arrive $0xFFFF  }
0xee: {  	[hbm:s24], [sflag:s6] =	dma.local [spmem:s10], $0x1400  }
0xef: {  	_ =	swait.ge [sflag:s11], $0x1400  }
0xf0: {  	s5 =	sadd.s32 $0x1, s5;
	s7 =	rddreg [dreg:$0x7]  }
0xf1: {  	p0 =	sne.s32 s5, s7  }
.Ltmp2:
0xf2: {  	_ = 	snop;
	(pc) =	sbr.rel @p0 .LBB2_1-.Ltmp2, $3  }
0xf3: {  	_ =	sdelay $0x1  }
0xf4: {  	[sflag:s11] =	ssyncset.done $0x0  }
0xf5: {  	[sflag:s11] =	ssyncadd.s32 $0xFFFFEC00  }
0xf6: {  	_ =	sfence.sel $0x180000  }
0xf7: {  	[bflag:$0x0] =	sbarrier.arrive $0xFFFF  }
0xf8: {  	_ =	strace $0x9000004A  }
0xf9: {  	s0 =	stileid.u32;
	[bflag:$0x2] =	sbarrier.arrive $0xFFFF  }
0xfa: {  	p0 =	sne.s32 s0, $0x0;
	s0 =	rddreg [dreg:$0x3]  }
0xfb: {  	s0 =	sadd.s32 @!p0 $0x100000, s0  }
0xfc: {  	[sflag:s0] =	ssyncadd.tile.s32 @!p0 $0x1;
	_ =	shalt  }
.Lfunc_end2:
_tile_overlayer_lowered:
.L_overlay_start_2:
0xfd: {  	(tag) =	ssettag $0x2  }
0xfe: {  	s0 =	rddreg [dreg:$0x0];
	s2 =	stileid.u32  }
0xff: {  	s1 =	rddreg [dreg:$0x1];
	p0 =	sne.s32 s2, $0x0  }
0x100: {  	s3 =	rddreg [dreg:$0x2];
	[bflag:$0x3] =	sbarrier.arrive $0xFFFF;
	s2 =	simm.s32 @!p0 $0x1C09  }
0x101: {  	[timem:s3], [sflag:s2] =	dma.local @!p0 [hbm:s0], s1  }
0x102: {  	s0 =	simm.s32 @!p0 $0x9  }
0x103: {  	_ =	swait.ge @!p0 [sflag:s0], s1  }
0x104: {  	s1 =	ssub.s32 @!p0 $0x0, s1;
	[sflag:s0] =	ssyncset.done @!p0 $0x0  }
0x105: {  	[sflag:s0] =	ssyncadd.s32 @!p0 s1  }
0x106: {  	[bflag:$0x3] =	sbarrier.arrive $0xFFFF  }
0x107: {  	_ =	shalt  }

// kernel: kernel.14.cloned.1.call-start
scs
__scs_entry_jumppad:
0x0: {  	(pc) =	sbr.rel $0x88, $3  }
0x1: {  	(tag) =	ssettag $0x0;
	lr =	simm.s32 $0x1  }
0x2: {  	[smem:$0x3F99] =	sst lr;
	_ =	strace $0xD0000000  }
0x3: {  	_ = 	snop  }
0x4: {  	_ = 	snop  }
0x5: {  	_ = 	snop  }
0x6: {  	_ = 	snop  }
0x7: {  	_ = 	snop  }
__scs_overlays_trampoline_lowered:
0x8: {  	[smem:$0x3FA8] =	sst s0  }
0x9: {  	[smem:$0x3FA9] =	sst s1  }
0xa: {  	[smem:$0x3FAA] =	sst s2  }
0xb: {  	[smem:$0x3FAB] =	sst s3  }
0xc: {  	[smem:$0x3FAC] =	sst s4  }
0xd: {  	[smem:$0x3FAD] =	sst s5  }
0xe: {  	[smem:$0x3FAE] =	sst s6  }
0xf: {  	[smem:$0x3FAF] =	sst s7  }
0x10: {  	[smem:$0x3FB0] =	sst s8  }
0x11: {  	[smem:$0x3FB1] =	sst s9;
	s0 =	simm.s32 @!p0 $0x0  }
0x12: {  	s1 =	sld [smem:$0x3F97];
	s0 =	simm.s32 @p0 $0x1  }
0x13: {  	[smem:$0x3FB2] =	sst s0;
	s0 =	simm.s32 @!p1 $0x0  }
0x14: {  	s2 =	sld [smem:$0x3F96];
	s0 =	simm.s32 @p1 $0x1  }
0x15: {  	[smem:$0x3FB3] =	sst s0;
	s0 =	simm.s32 @!p2 $0x0  }
0x16: {  	s3 =	sld [smem:$0x3FDB];
	s0 =	simm.s32 @p2 $0x1  }
0x17: {  	s4 =	simm.s32 $0x1BF5;
	[smem:$0x3FB5] =	sst s0  }
0x18: {  	s0 =	sld [smem:$0x3F98];
	_ =	swait.ge [sflag:s4], $0x0  }
0x19: {  	s7 =	sld [smem:$0x3F99]  }
0x1a: {  	s8 =	sadd.s32 $0xFFFFE003, lr  }
0x1b: {  	s9 =	sadd.s32 $0xFFFFFEF7, lr;
	s5 =	simm.s32 $0xFFFFFFFF;
	p2 =	slt.u32 s8, $0xFFFFF086  }
0x1c: {  	p1 =	slt.u32 s9, $0xF7A;
	s5 =	simm.s32 @!p2 $0x0  }
0x1d: {  	s5 =	simm.s32 @p1 $0x1;
	p0 =	seq.s32 s7, s2  }
0x1e: {  	s7 =	smul.u32 @!p0 $0xF7A, s2;
	p2 =	seq.s32 @!p0 s5, $0x0  }
0x1f: {  	s9 =	smul.u32 $0xF7A, s1;
	s8 =	simm.s32 @!p0 $0x1BF5;
	p2 =	por !p2, p0  }
0x20: {  	[sflag:s8] =	ssyncset.s32 @!p0 $0xFFFFF086;
	s6 =	sadd.s32 @!p0 s3, s7;
	s7 =	simm.s32 @!p0 $0x108  }
0x21: {  	s3 =	sadd.s32 s3, s9;
	s6 =	sadd.s32 @!p0 $0x88, s6;
	s7 =	simm.s32 @p2 $0x1082  }
0x22: {  	[simem:s7], [sflag:s8] =	dma.local @!p0 [hbm:s6], $0xF7A  }
0x23: {  	s9 =	sor.u32 $0xD0000000, s2;
	s6 =	simm.s32 $0x108;
	_ =	swait.ge @!p0 [sflag:s8], $0x0  }
0x24: {  	s3 =	sadd.s32 $0x88, s3;
	s6 =	simm.s32 @!p1 $0x1082;
	[sflag:s4] =	ssyncset.s32 $0xFFFFF086  }
0x25: {  	[simem:s6], [sflag:s4] =	dma.local [hbm:s3], $0xF7A  }
0x26: {  	[smem:$0x3F99] =	sst s1;
	(tag) =	ssettag s2;
	_ =	strace s9  }
0x27: {  	s1 =	sld [smem:$0x3FA9]  }
0x28: {  	s2 =	sld [smem:$0x3FAA]  }
0x29: {  	s4 =	sld [smem:$0x3FAC]  }
0x2a: {  	p0 =	seq.s32 s5, $0x0;
	s5 =	sld [smem:$0x3FAD]  }
0x2b: {  	s6 =	sld [smem:$0x3FAE]  }
0x2c: {  	s7 =	sld [smem:$0x3FAF]  }
0x2d: {  	s3 =	simm.s32 $0x108;
	s8 =	sld [smem:$0x3FB0]  }
0x2e: {  	s3 =	simm.s32 @!p0 $0x1082;
	s9 =	sld [smem:$0x3FB1]  }
0x2f: {  	lr =	sadd.s32 s0, s3;
	s0 =	sld [smem:$0x3FA8]  }
0x30: {  	s3 =	sld [smem:$0x3FAB]  }
0x31: {  	[smem:$0x3FB4] =	sst s10  }
0x32: {  	s10 =	sld [smem:$0x3FB2];
	_ =	sdelay $0x3  }
0x33: {  	p0 =	seq.s32 s10, $0x1;
	s10 =	sld [smem:$0x3FB4];
	_ =	sdelay $0x3  }
0x34: {  	[smem:$0x3FB4] =	sst s10  }
0x35: {  	s10 =	sld [smem:$0x3FB3];
	_ =	sdelay $0x3  }
0x36: {  	p1 =	seq.s32 s10, $0x1;
	s10 =	sld [smem:$0x3FB4];
	_ =	sdelay $0x3  }
0x37: {  	[smem:$0x3FB4] =	sst s10  }
0x38: {  	s10 =	sld [smem:$0x3FB5]  }
0x39: {  	_ = 	snop;
	(pc) =	sbr.ind lr, $3  }
0x3a: {  	_ = 	snop  }
0x3b: {  	_ = 	snop  }
0x3c: {  	p2 =	seq.s32 s10, $0x1;
	s10 =	sld [smem:$0x3FB4]  }
0x3d: {  	_ =	shalt  }
0x3e: {  	_ =	shalt  }
0x3f: {  	_ =	shalt  }
0x40: {  	_ =	shalt  }
0x41: {  	_ =	shalt  }
0x42: {  	_ =	shalt  }
0x43: {  	_ =	shalt  }
0x44: {  	_ =	shalt  }
0x45: {  	_ =	shalt  }
0x46: {  	_ =	shalt  }
0x47: {  	_ =	shalt  }
0x48: {  	_ =	shalt  }
0x49: {  	_ =	shalt  }
0x4a: {  	_ =	shalt  }
0x4b: {  	_ =	shalt  }
0x4c: {  	_ =	shalt  }
0x4d: {  	_ =	shalt  }
0x4e: {  	_ =	shalt  }
0x4f: {  	_ =	shalt  }
0x50: {  	_ =	shalt  }
0x51: {  	_ =	shalt  }
0x52: {  	_ =	shalt  }
0x53: {  	_ =	shalt  }
0x54: {  	_ =	shalt  }
0x55: {  	_ =	shalt  }
0x56: {  	_ =	shalt  }
0x57: {  	_ =	shalt  }
0x58: {  	_ =	shalt  }
0x59: {  	_ =	shalt  }
0x5a: {  	_ =	shalt  }
0x5b: {  	_ =	shalt  }
0x5c: {  	_ =	shalt  }
0x5d: {  	_ =	shalt  }
0x5e: {  	_ =	shalt  }
0x5f: {  	_ =	shalt  }
0x60: {  	_ =	shalt  }
0x61: {  	_ =	shalt  }
0x62: {  	_ =	shalt  }
0x63: {  	_ =	shalt  }
0x64: {  	_ =	shalt  }
0x65: {  	_ =	shalt  }
0x66: {  	_ =	shalt  }
0x67: {  	_ =	shalt  }
0x68: {  	_ =	shalt  }
0x69: {  	_ =	shalt  }
0x6a: {  	_ =	shalt  }
0x6b: {  	_ =	shalt  }
0x6c: {  	_ =	shalt  }
0x6d: {  	_ =	shalt  }
0x6e: {  	_ =	shalt  }
0x6f: {  	_ =	shalt  }
0x70: {  	_ =	shalt  }
0x71: {  	_ =	shalt  }
0x72: {  	_ =	shalt  }
0x73: {  	_ =	shalt  }
0x74: {  	_ =	shalt  }
0x75: {  	_ =	shalt  }
0x76: {  	_ =	shalt  }
0x77: {  	_ =	shalt  }
0x78: {  	_ =	shalt  }
0x79: {  	_ =	shalt  }
0x7a: {  	_ =	shalt  }
0x7b: {  	_ =	shalt  }
0x7c: {  	_ =	shalt  }
0x7d: {  	_ =	shalt  }
0x7e: {  	_ =	shalt  }
0x7f: {  	_ =	shalt  }
0x80: {  	_ =	shalt  }
0x81: {  	_ =	shalt  }
0x82: {  	_ =	shalt  }
0x83: {  	_ =	shalt  }
0x84: {  	_ =	shalt  }
0x85: {  	_ =	shalt  }
0x86: {  	_ =	shalt  }
0x87: {  	_ =	shalt  }
.Lfunc_end0:
.L_simem_size_0:
called_computation.2_lowered:
.L_overlay_start_0:
0x88: {  	s2 =	sld [smem:$0x3FD9]  }
0x89: {  	s3 =	sld [smem:$0x3FFE];
	_ =	sdelay $0x1  }
0x8a: {  	s1 =	srdreg.scid  }
0x8b: {  	s0 =	sand.u32 $0x1, s1  }
0x8c: {  	s17 =	sshll.u32 s0, $0xA;
	s2 =	sadd.s32 s3, s2  }
0x8d: {  	s2 =	sadd.s32 s2, s17  }
0x8e: {  	[smem:$0x3FC0] =	sst s2  }
0x8f: {  	_ = 	snop  }
0x90: {  	s2 =	sld [smem:$0x3FD0];
	(tm) =	ssettm $0x1  }
0x91: {  	s18 =	sld [smem:$0x3FFB];
	_ =	sdelay $0x3  }
0x92: {  	_ =	strace s18  }
0x93: {  	s3 =	sld [smem:$0x3FFC];
	_ =	sdelay $0x3  }
0x94: {  	_ =	strace s3  }
0x95: {  	s3 =	sld [smem:$0x3FFD];
	_ =	sdelay $0x3  }
0x96: {  	_ =	strace s3  }
0x97: {  	_ =	strace $0x8FFFFFFF  }
0x98: {  	s19 =	sld [smem:$0x3FDB];
	_ =	sdelay $0x1  }
0x99: {  	s4 =	simm.s32 $_scs_section_size  }
0x9a: {  	s5 =	simm.s32 $_size__tile_overlayer_lowered;
	s6 =	simm.s32 $_tile_overlayer_lowered  }
0x9b: {  	s22 =	simm.s32 $0x1BFF;
	s21 =	sshll.u32 s6, $0x1;
	s3 =	sadd.s32 s4, s19  }
0x9c: {  	s7 =	simm.s32 $0x0;
	s20 =	sshll.u32 s5, $0x1;
	s5 =	sadd.s32 s21, s3  }
0x9d: {  	[timem:s7], [sflag:s22] =	dma.local [hbm:s5], s20  }
0x9e: {  	_ =	swait.ge [sflag:s22], s20  }
0x9f: {  	s4 =	ssub.s32 $0x0, s20;
	[sflag:s22] =	ssyncset.done $0x0  }
0xa0: {  	[sflag:s22] =	ssyncadd.s32 s4;
	_ =	sdelay $0x1  }
0xa1: {  	s23 =	simm.s32 $0x1B8B  }
0xa2: {  	_ =	swait.ge [sflag:s23], $0x1  }
0xa3: {  	[sflag:s23] =	ssyncset.done $0x0  }
0xa4: {  	s25 =	simm.s32 $0x1B8E;
	s24 =	sld [smem:$0x3FFE];
	[sflag:s23] =	ssyncadd.s32 $0xFFFFFFFF  }
0xa5: {  	s26 =	simm.s32 $execute0_lowered;
	[smem:$0x3FD2] =	sst s25  }
0xa6: {  	s5 =	sshll.u32 s26, $0x1;
	_ =	strace $0x8000004C;
	[dreg:$0x1] =	wrdreg $0xFFFFFFFF  }
0xa7: {  	s28 =	simm.s32 $_size_execute0_lowered;
	s3 =	sadd.s32 s3, s5;
	[dreg:$0x0] =	wrdreg $0x0  }
0xa8: {  	s5 =	sshll.u32 s28, $0x1;
	[dreg:$0x2] =	wrdreg s3  }
0xa9: {  	[dreg:$0x3] =	wrdreg s5  }
0xaa: {  	[dreg:$0x4] =	wrdreg $0xC0  }
0xab: {  	_ =	task [dreg:s7], $0x5FFFF  }
0xac: {  	[dreg:$0x1] =	wrdreg $0xFFFFFFFF  }
0xad: {  	[dreg:$0x0] =	wrdreg $0x60  }
0xae: {  	[dreg:$0x2] =	wrdreg s24  }
0xaf: {  	[dreg:$0x3] =	wrdreg s2  }
0xb0: {  	[dreg:$0x4] =	wrdreg $0x0  }
0xb1: {  	[dreg:$0x5] =	wrdreg $0x9  }
0xb2: {  	_ =	task.clear_ibuf [dreg:s7], $0x6FFFF;
	_ =	strace $0x9000004C  }
0xb3: {  	s29 =	simm.s32 $0x9;
	_ =	strace $0x8000004E  }
0xb4: {  	_ =	swait.ge [sflag:s29], $0x1  }
0xb5: {  	[sflag:s29] =	ssyncadd.s32 $0xFFFFFFFF  }
0xb6: {  	_ =	strace $0x9000004E  }
0xb7: {  	_ =	sfence  }
0xb8: {  	s30 =	sld [smem:$0x0];
	_ =	sdelay $0x2  }
0xb9: {  	s31 =	sshll.u32 s1, $0xD;
	s1 =	sshrl.u32 s1, $0x2  }
0xba: {  	s3 =	sand.u32 $0x4000, s31;
	s1 =	sadd.s32 s1, s30  }
0xbb: {  	s0 =	sor.u32 s3, s0;
	s1 =	sshll.u32 s1, $0x11  }
0xbc: {  	s0 =	sor.u32 s1, s0  }
0xbd: {  	s0 =	sadd.s32 $0x8F2B, s0  }
0xbe: {  	[sflag:s0] =	ssyncadd.remote.s32 $0x1  }
0xbf: {  	_ =	sfence.sel $0xFFFF  }
0xc0: {  	[dreg:$0x0] =	wrdreg $0xFFFFFFFF;
	(pc) =	sbr.abs _section_cstart, $3  }
0xc1: {  	[dreg:$0x1] =	wrdreg $0xFFFFFFFF  }
0xc2: {  	_ =	task.clear_ibuf [dreg:s7], $0x2FFFF;
	_ =	strace $0x9FFFFFFF  }
0xc3: {  	(tm) =	ssettm $0x7FFFFFFF  }
tec
execute0_lowered:
.L_overlay_start_1:
0x0: {  	(tag) =	ssettag $0x1  }
0x1: {  	s0 =	rddreg [dreg:$0x0]  }
0x2: {  	s7 =	rddreg [dreg:$0x1]  }
0x3: {  	s1 =	rddreg [dreg:$0x2];
	s2 =	simm.s32 $0x0  }
0x4: {  	s3 =	srdreg.scid;
	s14 =	simm.s32 $0xC800;
	s15 =	simm.s32 $0x9  }
0x5: {  	s16 =	simm.s32 $0xA000;
	s17 =	simm.s32 $0x80;
	s18 =	simm.s32 $0xE800  }
0x6: {  	s28 =	simm.s32 $0x5;
	s29 =	simm.s32 $0x2;
	s6 =	sand.u32 $0x1, s3  }
0x7: {  	s30 =	simm.s32 $0x6;
	s3 =	stileid.u32;
	s5 =	smul.u32 $0x14000, s6  }
0x8: {  	s31 =	simm.s32 $0x3;
	s19 =	simm.s32 $0xC780;
	s9 =	smul.u32 $0xA000, s3  }
0x9: {  	[smem:$0x7FF] =	sst s2;
	s4 =	sadd.s32 $0x1600, s0;
	s11 =	smul.u32 $0x28000, s3  }
0xa: {  	_ =	strace $0x8000004D;
	s8 =	ssub.s32 $0x2, s6;
	s21 =	smul.u32 $0x5000, s6  }
0xb: {  	p0 =	seq.s32 s6, $0x1;
	s22 =	smul.u32 $0x500, s3;
	s10 =	sshrl.u32 s8, $0x1  }
0xc: {  	s0 =	sadd.s32 s5, s0;
	s8 =	ssub.s32 s8, s10;
	s5 =	sadd.s32 s9, s1  }
0xd: {  	s20 =	sshrl.u32 s11, $0x2;
	s9 =	sshrl.u32 s9, $0x3;
	s10 =	sadd.s32 s22, s21  }
0xe: {  	s22 =	simm.s32 $0x12800;
	s11 =	simm.s32 $0xC680;
	s6 =	sadd.s32 s20, s1  }
0xf: {  	s12 =	sadd.s32 s4, s9;
	s0 =	sadd.s32 $0x15600, s0;
	s13 =	smax.u32 s8, $0x1  }
0x10: {  	s20 =	simm.s32 $0x10800;
	[dreg:$0x4] =	wrdreg s12;
	s23 =	sadd.s32 $0x2000, s6  }
0x11: {  	s8 =	simm.s32 $0x8;
	s24 =	sadd.s32 $0x4000, s6;
	[dreg:$0x5] =	wrdreg s23  }
0x12: {  	s25 =	sadd.s32 $0x6000, s6;
	s26 =	sadd.s32 $0x8000, s6;
	[dreg:$0x6] =	wrdreg s24  }
0x13: {  	s12 =	sadd.s32 s7, s10;
	s7 =	simm.s32 $0x4;
	[dreg:$0x7] =	wrdreg s25  }
0x14: {  	s10 =	simm.s32 $0xC580;
	[dreg:$0x8] =	wrdreg s26;
	s24 =	sadd.s32 s9, s0  }
0x15: {  	v0 =	vimm.f32 $0.0e+00;
	s25 =	simm.s32 $0x14800;
	s26 =	simm.s32 $0x1;
	s0 =	simm.s32 $0x7  }
.LBB2_1:
.Ltmp0:
0x16: {  	(pc) =	sbr.rel @!p0 .LBB2_2-.Ltmp0, $1  }
0x17: {  	_ =	sdelay $0x3  }
0x18: {  	s23 =	simm.s32 $0x100;
	s21 =	simm.s32 $0x0  }
.LBB2_4:
0x19: {  	p1 =	sne.s32 s23, $0x7F00;
	[tilespmem:s21+$0xC830] =	vst v0;
	s9 =	smov.u32 s23;
	s23 =	sadd.s32 $0x100, s23  }
.Ltmp1:
0x1a: {  	[tilespmem:s21+$0xC820] =	vst v0;
	(pc) =	sbr.rel @p1 .LBB2_4-.Ltmp1, $3  }
0x1b: {  	[tilespmem:s21+$0xC800] =	vst v0  }
0x1c: {  	[tilespmem:s21+$0xC810] =	vst v0;
	_ =	sdelay $0x1  }
0x1d: {  	s21 =	sshra.s32 s9, $0x2  }
0x1e: {  	[tilespmem:s21+$0xC830] =	vst v0  }
0x1f: {  	[tilespmem:s21+$0xC820] =	vst v0  }
0x20: {  	[tilespmem:s21+$0xC800] =	vst v0  }
0x21: {  	[tilespmem:s21+$0xC810] =	vst v0  }
0x22: {  	[spmem:s6] =	stream.linear.scatter [tilespmem:s14], [sflag:$0x9], $0x2000, $0x38;
	[tilespmem:$0x16800] =	vst v63  }
0x23: {  	_ =	swait.ge [sflag:s15], $0x2000  }
0x24: {  	[sflag:s15] =	ssyncset.done $0x0  }
0x25: {  	s9 =	rddreg [dreg:$0x5];
	[sflag:s15] =	ssyncadd.s32 $0xFFFFE000  }
0x26: {  	[spmem:s9] =	stream.linear.scatter [tilespmem:s14], [sflag:$0x9], $0x2000, $0x38;
	[tilespmem:$0x16800] =	vst v63  }
0x27: {  	_ =	swait.ge [sflag:s15], $0x2000  }
0x28: {  	[sflag:s15] =	ssyncset.done $0x0  }
0x29: {  	s23 =	rddreg [dreg:$0x6];
	[sflag:s15] =	ssyncadd.s32 $0xFFFFE000  }
0x2a: {  	[spmem:s23] =	stream.linear.scatter [tilespmem:s14], [sflag:$0x9], $0x2000, $0x38;
	[tilespmem:$0x16800] =	vst v63  }
0x2b: {  	_ =	swait.ge [sflag:s15], $0x2000  }
0x2c: {  	[sflag:s15] =	ssyncset.done $0x0  }
0x2d: {  	s21 =	rddreg [dreg:$0x7];
	[sflag:s15] =	ssyncadd.s32 $0xFFFFE000  }
0x2e: {  	[spmem:s21] =	stream.linear.scatter [tilespmem:s14], [sflag:$0x9], $0x2000, $0x38;
	[tilespmem:$0x16800] =	vst v63  }
0x2f: {  	_ =	swait.ge [sflag:s15], $0x2000  }
0x30: {  	[sflag:s15] =	ssyncset.done $0x0  }
.Ltmp2:
0x31: {  	s23 =	rddreg [dreg:$0x8];
	[sflag:s15] =	ssyncadd.s32 $0xFFFFE000;
	(pc) =	sbr.rel .LBB2_6-.Ltmp2, $4  }
0x32: {  	[spmem:s23] =	stream.linear.scatter [tilespmem:s14], [sflag:$0x9], $0x2000, $0x38;
	[tilespmem:$0x16800] =	vst v63  }
0x33: {  	_ =	swait.ge [sflag:s15], $0x2000  }
0x34: {  	[sflag:s15] =	ssyncset.done $0x0  }
0x35: {  	[sflag:s15] =	ssyncadd.s32 $0xFFFFE000  }
.LBB2_2:
0x36: {  	s21 =	sshll.u32 s3, $0x6  }
0x37: {  	s23 =	sshrl.u32 s5, $0x3;
	s9 =	rddreg [dreg:$0x4];
	s21 =	sor.u32 $0x1C09, s21  }
0x38: {  	[spmem:s23], [sflag:s21] =	dma.local [hbm:s9], $0x1400  }
0x39: {  	_ =	swait.ge [sflag:s15], $0x1400  }
0x3a: {  	[sflag:s15] =	ssyncset.done $0x0  }
0x3b: {  	[sflag:s15] =	ssyncadd.s32 $0xFFFFEC00  }
.LBB2_6:
0x3c: {  	[bflag:$0x0] =	sbarrier.arrive $0xFFFF;
	s9 =	simm.s32 $0x0  }
0x3d: {  	[tilespmem:s16], [sflag:$0x9] =	stream.linear.gather [hbm4b:s12+s9], $0x2800, $0x38;
	[tilespmem:$0x16800] =	vst v63  }
0x3e: {  	_ =	swait.ge [sflag:s15], $0x2800  }
0x3f: {  	[sflag:s15] =	ssyncset.done $0x0  }
0x40: {  	[sflag:s15] =	ssyncadd.s32 $0xFFFFD800  }
0x41: {  	[tilespmem:s18], [sflag:$0x1] =	stream.indirect.gather [hbm4b:s4+s17], $0x40, s16, s17, $0xb8;
	[tilespmem:$0x16800] =	vst v63  }
0x42: {  	s21 =	simm.s32 $0xA100  }
0x43: {  	[tilespmem:s20], [sflag:$0x2] =	stream.indirect.gather [hbm4b:s4+s17], $0x40, s21, s17, $0xb8;
	[tilespmem:$0x16800] =	vst v63  }
0x44: {  	s23 =	simm.s32 $0xA200  }
0x45: {  	[tilespmem:s22], [sflag:$0x3] =	stream.indirect.gather [hbm4b:s4+s17], $0x40, s23, s17, $0xb8;
	[tilespmem:$0x16800] =	vst v63  }
0x46: {  	s21 =	simm.s32 $0xA300  }
0x47: {  	[tilespmem:s25], [sflag:$0x4] =	stream.indirect.gather [hbm4b:s4+s17], $0x40, s21, s17, $0xb8;
	[tilespmem:$0x16800] =	vst v63  }
0x48: {  	_ =	swait.ge [sflag:s26], $0x2000  }
0x49: {  	[sflag:s26] =	ssyncset.done $0x0  }
0x4a: {  	s23 =	simm.s32 $0xA080;
	[sflag:s26] =	ssyncadd.s32 $0xFFFFE000  }
0x4b: {  	[spmem:s1] =	stream.indirect.scatter.add.f32 [tilespmem:s18], [sflag:$0x5], $0x40, s23, s17, $0xb8;
	[tilespmem:$0x16800] =	vst v63  }
0x4c: {  	_ =	swait.ge [sflag:s28], $0x2000  }
0x4d: {  	[sflag:s28] =	ssyncset.done $0x0  }
0x4e: {  	s21 =	simm.s32 $0xA400;
	[sflag:s28] =	ssyncadd.s32 $0xFFFFE000  }
0x4f: {  	[tilespmem:s18], [sflag:$0x1] =	stream.indirect.gather [hbm4b:s4+s17], $0x40, s21, s17, $0xb8;
	[tilespmem:$0x16800] =	vst v63  }
0x50: {  	_ =	swait.ge [sflag:s29], $0x2000  }
0x51: {  	[sflag:s29] =	ssyncset.done $0x0  }
0x52: {  	s23 =	simm.s32 $0xA180;
	[sflag:s29] =	ssyncadd.s32 $0xFFFFE000  }
0x53: {  	[spmem:s1] =	stream.indirect.scatter.add.f32 [tilespmem:s20], [sflag:$0x6], $0x40, s23, s17, $0xb8;
	[tilespmem:$0x16800] =	vst v63  }
0x54: {  	_ =	swait.ge [sflag:s30], $0x2000  }
0x55: {  	[sflag:s30] =	ssyncset.done $0x0  }
0x56: {  	s21 =	simm.s32 $0xA500;
	[sflag:s30] =	ssyncadd.s32 $0xFFFFE000  }
0x57: {  	[tilespmem:s20], [sflag:$0x2] =	stream.indirect.gather [hbm4b:s4+s17], $0x40, s21, s17, $0xb8;
	[tilespmem:$0x16800] =	vst v63  }
0x58: {  	_ =	swait.ge [sflag:s31], $0x2000  }
0x59: {  	[sflag:s31] =	ssyncset.done $0x0  }
0x5a: {  	s23 =	simm.s32 $0xA280;
	[sflag:s31] =	ssyncadd.s32 $0xFFFFE000  }
0x5b: {  	[spmem:s1] =	stream.indirect.scatter.add.f32 [tilespmem:s22], [sflag:$0x7], $0x40, s23, s17, $0xb8;
	[tilespmem:$0x16800] =	vst v63  }
0x5c: {  	_ =	swait.ge [sflag:s0], $0x2000  }
0x5d: {  	[sflag:s0] =	ssyncset.done $0x0  }
0x5e: {  	s21 =	simm.s32 $0xA600;
	[sflag:s0] =	ssyncadd.s32 $0xFFFFE000  }
0x5f: {  	[tilespmem:s22], [sflag:$0x3] =	stream.indirect.gather [hbm4b:s4+s17], $0x40, s21, s17, $0xb8;
	[tilespmem:$0x16800] =	vst v63  }
0x60: {  	_ =	swait.ge [sflag:s7], $0x2000  }
0x61: {  	[sflag:s7] =	ssyncset.done $0x0  }
0x62: {  	s23 =	simm.s32 $0xA380;
	[sflag:s7] =	ssyncadd.s32 $0xFFFFE000  }
0x63: {  	[spmem:s1] =	stream.indirect.scatter.add.f32 [tilespmem:s25], [sflag:$0x8], $0x40, s23, s17, $0xb8;
	[tilespmem:$0x16800] =	vst v63  }
0x64: {  	_ =	swait.ge [sflag:s8], $0x2000  }
0x65: {  	[sflag:s8] =	ssyncset.done $0x0  }
0x66: {  	s21 =	simm.s32 $0x1000;
	s23 =	simm.s32 $0xA700;
	[sflag:s8] =	ssyncadd.s32 $0xFFFFE000  }
.LBB2_7:
0x67: {  	[tilespmem:s25], [sflag:$0x4] =	stream.indirect.gather [hbm4b:s4+s17], $0x40, s23, s17, $0xb8;
	[tilespmem:$0x16800] =	vst v63  }
0x68: {  	s9 =	smov.u32 s21  }
0x69: {  	p1 =	sne.s32 s21, $0x8000;
	s21 =	sadd.s32 $0x1000, s21;
	_ =	swait.ge [sflag:s26], $0x2000  }
0x6a: {  	s23 =	sshra.s32 s9, $0x2;
	[sflag:s26] =	ssyncset.done $0x0  }
0x6b: {  	s9 =	sadd.s32 $0xA080, s23;
	[sflag:s26] =	ssyncadd.s32 $0xFFFFE000  }
0x6c: {  	[spmem:s1] =	stream.indirect.scatter.add.f32 [tilespmem:s18], [sflag:$0x5], $0x40, s9, s17, $0xb8;
	[tilespmem:$0x16800] =	vst v63  }
0x6d: {  	_ =	swait.ge [sflag:s28], $0x2000  }
0x6e: {  	[sflag:s28] =	ssyncset.done $0x0  }
0x6f: {  	s9 =	sadd.s32 $0xA400, s23;
	[sflag:s28] =	ssyncadd.s32 $0xFFFFE000  }
0x70: {  	[tilespmem:s18], [sflag:$0x1] =	stream.indirect.gather [hbm4b:s4+s17], $0x40, s9, s17, $0xb8;
	[tilespmem:$0x16800] =	vst v63  }
0x71: {  	_ =	swait.ge [sflag:s29], $0x2000  }
0x72: {  	[sflag:s29] =	ssyncset.done $0x0  }
0x73: {  	s9 =	sadd.s32 $0xA180, s23;
	[sflag:s29] =	ssyncadd.s32 $0xFFFFE000  }
0x74: {  	[spmem:s1] =	stream.indirect.scatter.add.f32 [tilespmem:s20], [sflag:$0x6], $0x40, s9, s17, $0xb8;
	[tilespmem:$0x16800] =	vst v63  }
0x75: {  	_ =	swait.ge [sflag:s30], $0x2000  }
0x76: {  	[sflag:s30] =	ssyncset.done $0x0  }
0x77: {  	s9 =	sadd.s32 $0xA500, s23;
	[sflag:s30] =	ssyncadd.s32 $0xFFFFE000  }
0x78: {  	[tilespmem:s20], [sflag:$0x2] =	stream.indirect.gather [hbm4b:s4+s17], $0x40, s9, s17, $0xb8;
	[tilespmem:$0x16800] =	vst v63  }
0x79: {  	_ =	swait.ge [sflag:s31], $0x2000  }
0x7a: {  	[sflag:s31] =	ssyncset.done $0x0  }
0x7b: {  	s9 =	sadd.s32 $0xA280, s23;
	[sflag:s31] =	ssyncadd.s32 $0xFFFFE000  }
0x7c: {  	[spmem:s1] =	stream.indirect.scatter.add.f32 [tilespmem:s22], [sflag:$0x7], $0x40, s9, s17, $0xb8;
	[tilespmem:$0x16800] =	vst v63  }
0x7d: {  	_ =	swait.ge [sflag:s0], $0x2000  }
0x7e: {  	[sflag:s0] =	ssyncset.done $0x0  }
0x7f: {  	s9 =	sadd.s32 $0xA600, s23;
	[sflag:s0] =	ssyncadd.s32 $0xFFFFE000  }
0x80: {  	[tilespmem:s22], [sflag:$0x3] =	stream.indirect.gather [hbm4b:s4+s17], $0x40, s9, s17, $0xb8;
	[tilespmem:$0x16800] =	vst v63  }
0x81: {  	_ =	swait.ge [sflag:s7], $0x2000  }
0x82: {  	[sflag:s7] =	ssyncset.done $0x0  }
.Ltmp3:
0x83: {  	s9 =	sadd.s32 $0xA380, s23;
	[sflag:s7] =	ssyncadd.s32 $0xFFFFE000;
	(pc) =	sbr.rel @p1 .LBB2_7-.Ltmp3, $4  }
0x84: {  	[spmem:s1] =	stream.indirect.scatter.add.f32 [tilespmem:s25], [sflag:$0x8], $0x40, s9, s17, $0xb8;
	[tilespmem:$0x16800] =	vst v63  }
0x85: {  	_ =	swait.ge [sflag:s8], $0x2000  }
0x86: {  	[sflag:s8] =	ssyncset.done $0x0  }
0x87: {  	s23 =	sadd.s32 $0xA700, s23;
	[sflag:s8] =	ssyncadd.s32 $0xFFFFE000  }
0x88: {  	[tilespmem:s25], [sflag:$0x4] =	stream.indirect.gather [hbm4b:s4+s17], $0x40, s23, s17, $0xb8;
	[tilespmem:$0x16800] =	vst v63  }
0x89: {  	_ =	swait.ge [sflag:s26], $0x2000  }
0x8a: {  	[sflag:s26] =	ssyncset.done $0x0  }
0x8b: {  	s9 =	simm.s32 $0xC480;
	[sflag:s26] =	ssyncadd.s32 $0xFFFFE000  }
0x8c: {  	[spmem:s1] =	stream.indirect.scatter.add.f32 [tilespmem:s18], [sflag:$0x5], $0x40, s9, s17, $0xb8;
	[tilespmem:$0x16800] =	vst v63  }
0x8d: {  	_ =	swait.ge [sflag:s29], $0x2000  }
0x8e: {  	[sflag:s29] =	ssyncset.done $0x0  }
0x8f: {  	[sflag:s29] =	ssyncadd.s32 $0xFFFFE000  }
0x90: {  	[spmem:s1] =	stream.indirect.scatter.add.f32 [tilespmem:s20], [sflag:$0x6], $0x40, s10, s17, $0xb8;
	[tilespmem:$0x16800] =	vst v63  }
0x91: {  	_ =	swait.ge [sflag:s31], $0x2000  }
0x92: {  	[sflag:s31] =	ssyncset.done $0x0  }
0x93: {  	[sflag:s31] =	ssyncadd.s32 $0xFFFFE000  }
0x94: {  	[spmem:s1] =	stream.indirect.scatter.add.f32 [tilespmem:s22], [sflag:$0x7], $0x40, s11, s17, $0xb8;
	[tilespmem:$0x16800] =	vst v63  }
0x95: {  	_ =	swait.ge [sflag:s7], $0x2000  }
0x96: {  	[sflag:s7] =	ssyncset.done $0x0  }
0x97: {  	[sflag:s7] =	ssyncadd.s32 $0xFFFFE000  }
0x98: {  	[spmem:s1] =	stream.indirect.scatter.add.f32 [tilespmem:s25], [sflag:$0x8], $0x40, s19, s17, $0xb8;
	[tilespmem:$0x16800] =	vst v63  }
0x99: {  	_ =	swait.ge [sflag:s28], $0x2000  }
0x9a: {  	[sflag:s28] =	ssyncset.done $0x0  }
0x9b: {  	[sflag:s28] =	ssyncadd.s32 $0xFFFFE000  }
0x9c: {  	_ =	swait.ge [sflag:s30], $0x2000  }
0x9d: {  	[sflag:s30] =	ssyncset.done $0x0  }
0x9e: {  	[sflag:s30] =	ssyncadd.s32 $0xFFFFE000  }
0x9f: {  	_ =	swait.ge [sflag:s0], $0x2000  }
0xa0: {  	[sflag:s0] =	ssyncset.done $0x0  }
0xa1: {  	[sflag:s0] =	ssyncadd.s32 $0xFFFFE000  }
0xa2: {  	_ =	swait.ge [sflag:s8], $0x2000  }
0xa3: {  	s23 =	sshll.u32 s3, $0x6;
	s2 =	sadd.s32 $0x1, s2;
	[sflag:s8] =	ssyncset.done $0x0  }
0xa4: {  	s21 =	sshrl.u32 s5, $0x3;
	p1 =	sne.s32 s2, s13;
	[sflag:s8] =	ssyncadd.s32 $0xFFFFE000  }
.Ltmp4:
0xa5: {  	s9 =	sor.u32 $0x1C09, s23;
	[bflag:$0x0] =	sbarrier.arrive $0xFFFF;
	(pc) =	sbr.rel @p1 .LBB2_1-.Ltmp4, $4  }
0xa6: {  	[hbm:s24], [sflag:s9] =	dma.local [spmem:s21], $0x1400  }
0xa7: {  	_ =	swait.ge [sflag:s15], $0x1400  }
0xa8: {  	[sflag:s15] =	ssyncset.done $0x0  }
0xa9: {  	[sflag:s15] =	ssyncadd.s32 $0xFFFFEC00  }
0xaa: {  	_ =	sfence.sel $0x180000  }
0xab: {  	[bflag:$0x0] =	sbarrier.arrive $0xFFFF  }
0xac: {  	_ =	strace $0x9000004D  }
0xad: {  	[bflag:$0x2] =	sbarrier.arrive $0xFFFF  }
0xae: {  	p0 =	sne.s32 s3, $0x0;
	s0 =	rddreg [dreg:$0x3]  }
0xaf: {  	s0 =	sadd.s32 @!p0 $0x100000, s0  }
0xb0: {  	[sflag:s0] =	ssyncadd.tile.s32 @!p0 $0x1;
	_ =	shalt  }
.Lfunc_end2:
_tile_overlayer_lowered:
.L_overlay_start_2:
0xb1: {  	(tag) =	ssettag $0x2  }
0xb2: {  	s0 =	rddreg [dreg:$0x0];
	s2 =	stileid.u32  }
0xb3: {  	s1 =	rddreg [dreg:$0x1];
	p0 =	sne.s32 s2, $0x0  }
0xb4: {  	s3 =	rddreg [dreg:$0x2];
	[bflag:$0x3] =	sbarrier.arrive $0xFFFF;
	s2 =	simm.s32 @!p0 $0x1C09  }
0xb5: {  	[timem:s3], [sflag:s2] =	dma.local @!p0 [hbm:s0], s1  }
0xb6: {  	s0 =	simm.s32 @!p0 $0x9  }
0xb7: {  	_ =	swait.ge @!p0 [sflag:s0], s1  }
0xb8: {  	s1 =	ssub.s32 @!p0 $0x0, s1;
	[sflag:s0] =	ssyncset.done @!p0 $0x0  }
0xb9: {  	[sflag:s0] =	ssyncadd.s32 @!p0 s1  }
0xba: {  	[bflag:$0x3] =	sbarrier.arrive $0xFFFF  }
0xbb: {  	_ =	shalt  }

// kernel: kernel.8.cloned.1.call-start
scs
__scs_entry_jumppad:
0x0: {  	(pc) =	sbr.rel $0x88, $3  }
0x1: {  	(tag) =	ssettag $0x0;
	lr =	simm.s32 $0x1  }
0x2: {  	[smem:$0x3F99] =	sst lr;
	_ =	strace $0xD0000000  }
0x3: {  	_ = 	snop  }
0x4: {  	_ = 	snop  }
0x5: {  	_ = 	snop  }
0x6: {  	_ = 	snop  }
0x7: {  	_ = 	snop  }
__scs_overlays_trampoline_lowered:
0x8: {  	[smem:$0x3FA8] =	sst s0  }
0x9: {  	[smem:$0x3FA9] =	sst s1  }
0xa: {  	[smem:$0x3FAA] =	sst s2  }
0xb: {  	[smem:$0x3FAB] =	sst s3  }
0xc: {  	[smem:$0x3FAC] =	sst s4  }
0xd: {  	[smem:$0x3FAD] =	sst s5  }
0xe: {  	[smem:$0x3FAE] =	sst s6  }
0xf: {  	[smem:$0x3FAF] =	sst s7  }
0x10: {  	[smem:$0x3FB0] =	sst s8  }
0x11: {  	[smem:$0x3FB1] =	sst s9;
	s0 =	simm.s32 @!p0 $0x0  }
0x12: {  	s1 =	sld [smem:$0x3F97];
	s0 =	simm.s32 @p0 $0x1  }
0x13: {  	[smem:$0x3FB2] =	sst s0;
	s0 =	simm.s32 @!p1 $0x0  }
0x14: {  	s2 =	sld [smem:$0x3F96];
	s0 =	simm.s32 @p1 $0x1  }
0x15: {  	[smem:$0x3FB3] =	sst s0;
	s0 =	simm.s32 @!p2 $0x0  }
0x16: {  	s3 =	sld [smem:$0x3FDB];
	s0 =	simm.s32 @p2 $0x1  }
0x17: {  	s4 =	simm.s32 $0x1BF5;
	[smem:$0x3FB5] =	sst s0  }
0x18: {  	s0 =	sld [smem:$0x3F98];
	_ =	swait.ge [sflag:s4], $0x0  }
0x19: {  	s7 =	sld [smem:$0x3F99]  }
0x1a: {  	s8 =	sadd.s32 $0xFFFFE003, lr  }
0x1b: {  	s9 =	sadd.s32 $0xFFFFFEF7, lr;
	s5 =	simm.s32 $0xFFFFFFFF;
	p2 =	slt.u32 s8, $0xFFFFF086  }
0x1c: {  	p1 =	slt.u32 s9, $0xF7A;
	s5 =	simm.s32 @!p2 $0x0  }
0x1d: {  	s5 =	simm.s32 @p1 $0x1;
	p0 =	seq.s32 s7, s2  }
0x1e: {  	s7 =	smul.u32 @!p0 $0xF7A, s2;
	p2 =	seq.s32 @!p0 s5, $0x0  }
0x1f: {  	s9 =	smul.u32 $0xF7A, s1;
	s8 =	simm.s32 @!p0 $0x1BF5;
	p2 =	por !p2, p0  }
0x20: {  	[sflag:s8] =	ssyncset.s32 @!p0 $0xFFFFF086;
	s6 =	sadd.s32 @!p0 s3, s7;
	s7 =	simm.s32 @!p0 $0x108  }
0x21: {  	s3 =	sadd.s32 s3, s9;
	s6 =	sadd.s32 @!p0 $0x88, s6;
	s7 =	simm.s32 @p2 $0x1082  }
0x22: {  	[simem:s7], [sflag:s8] =	dma.local @!p0 [hbm:s6], $0xF7A  }
0x23: {  	s9 =	sor.u32 $0xD0000000, s2;
	s6 =	simm.s32 $0x108;
	_ =	swait.ge @!p0 [sflag:s8], $0x0  }
0x24: {  	s3 =	sadd.s32 $0x88, s3;
	s6 =	simm.s32 @!p1 $0x1082;
	[sflag:s4] =	ssyncset.s32 $0xFFFFF086  }
0x25: {  	[simem:s6], [sflag:s4] =	dma.local [hbm:s3], $0xF7A  }
0x26: {  	[smem:$0x3F99] =	sst s1;
	(tag) =	ssettag s2;
	_ =	strace s9  }
0x27: {  	s1 =	sld [smem:$0x3FA9]  }
0x28: {  	s2 =	sld [smem:$0x3FAA]  }
0x29: {  	s4 =	sld [smem:$0x3FAC]  }
0x2a: {  	p0 =	seq.s32 s5, $0x0;
	s5 =	sld [smem:$0x3FAD]  }
0x2b: {  	s6 =	sld [smem:$0x3FAE]  }
0x2c: {  	s7 =	sld [smem:$0x3FAF]  }
0x2d: {  	s3 =	simm.s32 $0x108;
	s8 =	sld [smem:$0x3FB0]  }
0x2e: {  	s3 =	simm.s32 @!p0 $0x1082;
	s9 =	sld [smem:$0x3FB1]  }
0x2f: {  	lr =	sadd.s32 s0, s3;
	s0 =	sld [smem:$0x3FA8]  }
0x30: {  	s3 =	sld [smem:$0x3FAB]  }
0x31: {  	[smem:$0x3FB4] =	sst s10  }
0x32: {  	s10 =	sld [smem:$0x3FB2];
	_ =	sdelay $0x3  }
0x33: {  	p0 =	seq.s32 s10, $0x1;
	s10 =	sld [smem:$0x3FB4];
	_ =	sdelay $0x3  }
0x34: {  	[smem:$0x3FB4] =	sst s10  }
0x35: {  	s10 =	sld [smem:$0x3FB3];
	_ =	sdelay $0x3  }
0x36: {  	p1 =	seq.s32 s10, $0x1;
	s10 =	sld [smem:$0x3FB4];
	_ =	sdelay $0x3  }
0x37: {  	[smem:$0x3FB4] =	sst s10  }
0x38: {  	s10 =	sld [smem:$0x3FB5]  }
0x39: {  	_ = 	snop;
	(pc) =	sbr.ind lr, $3  }
0x3a: {  	_ = 	snop  }
0x3b: {  	_ = 	snop  }
0x3c: {  	p2 =	seq.s32 s10, $0x1;
	s10 =	sld [smem:$0x3FB4]  }
0x3d: {  	_ =	shalt  }
0x3e: {  	_ =	shalt  }
0x3f: {  	_ =	shalt  }
0x40: {  	_ =	shalt  }
0x41: {  	_ =	shalt  }
0x42: {  	_ =	shalt  }
0x43: {  	_ =	shalt  }
0x44: {  	_ =	shalt  }
0x45: {  	_ =	shalt  }
0x46: {  	_ =	shalt  }
0x47: {  	_ =	shalt  }
0x48: {  	_ =	shalt  }
0x49: {  	_ =	shalt  }
0x4a: {  	_ =	shalt  }
0x4b: {  	_ =	shalt  }
0x4c: {  	_ =	shalt  }
0x4d: {  	_ =	shalt  }
0x4e: {  	_ =	shalt  }
0x4f: {  	_ =	shalt  }
0x50: {  	_ =	shalt  }
0x51: {  	_ =	shalt  }
0x52: {  	_ =	shalt  }
0x53: {  	_ =	shalt  }
0x54: {  	_ =	shalt  }
0x55: {  	_ =	shalt  }
0x56: {  	_ =	shalt  }
0x57: {  	_ =	shalt  }
0x58: {  	_ =	shalt  }
0x59: {  	_ =	shalt  }
0x5a: {  	_ =	shalt  }
0x5b: {  	_ =	shalt  }
0x5c: {  	_ =	shalt  }
0x5d: {  	_ =	shalt  }
0x5e: {  	_ =	shalt  }
0x5f: {  	_ =	shalt  }
0x60: {  	_ =	shalt  }
0x61: {  	_ =	shalt  }
0x62: {  	_ =	shalt  }
0x63: {  	_ =	shalt  }
0x64: {  	_ =	shalt  }
0x65: {  	_ =	shalt  }
0x66: {  	_ =	shalt  }
0x67: {  	_ =	shalt  }
0x68: {  	_ =	shalt  }
0x69: {  	_ =	shalt  }
0x6a: {  	_ =	shalt  }
0x6b: {  	_ =	shalt  }
0x6c: {  	_ =	shalt  }
0x6d: {  	_ =	shalt  }
0x6e: {  	_ =	shalt  }
0x6f: {  	_ =	shalt  }
0x70: {  	_ =	shalt  }
0x71: {  	_ =	shalt  }
0x72: {  	_ =	shalt  }
0x73: {  	_ =	shalt  }
0x74: {  	_ =	shalt  }
0x75: {  	_ =	shalt  }
0x76: {  	_ =	shalt  }
0x77: {  	_ =	shalt  }
0x78: {  	_ =	shalt  }
0x79: {  	_ =	shalt  }
0x7a: {  	_ =	shalt  }
0x7b: {  	_ =	shalt  }
0x7c: {  	_ =	shalt  }
0x7d: {  	_ =	shalt  }
0x7e: {  	_ =	shalt  }
0x7f: {  	_ =	shalt  }
0x80: {  	_ =	shalt  }
0x81: {  	_ =	shalt  }
0x82: {  	_ =	shalt  }
0x83: {  	_ =	shalt  }
0x84: {  	_ =	shalt  }
0x85: {  	_ =	shalt  }
0x86: {  	_ =	shalt  }
0x87: {  	_ =	shalt  }
.Lfunc_end0:
.L_simem_size_0:
called_computation_lowered:
.L_overlay_start_0:
0x88: {  	s2 =	sld [smem:$0x3FD9]  }
0x89: {  	s3 =	sld [smem:$0x3FFE];
	_ =	sdelay $0x1  }
0x8a: {  	s1 =	srdreg.scid  }
0x8b: {  	s0 =	sand.u32 $0x1, s1  }
0x8c: {  	s16 =	sshll.u32 s0, $0xA;
	s2 =	sadd.s32 s3, s2  }
0x8d: {  	s2 =	sadd.s32 s2, s16  }
0x8e: {  	[smem:$0x3FC0] =	sst s2  }
0x8f: {  	_ = 	snop  }
0x90: {  	(tm) =	ssettm $0x1  }
0x91: {  	s17 =	sld [smem:$0x3FFB];
	_ =	sdelay $0x3  }
0x92: {  	_ =	strace s17  }
0x93: {  	s2 =	sld [smem:$0x3FFC];
	_ =	sdelay $0x3  }
0x94: {  	_ =	strace s2  }
0x95: {  	s2 =	sld [smem:$0x3FFD];
	_ =	sdelay $0x3  }
0x96: {  	_ =	strace s2  }
0x97: {  	_ =	strace $0x8FFFFFFF  }
0x98: {  	s18 =	sld [smem:$0x3FDB];
	_ =	sdelay $0x1  }
0x99: {  	s19 =	simm.s32 $_scs_section_size  }
0x9a: {  	s4 =	simm.s32 $_size__tile_overlayer_lowered;
	s5 =	simm.s32 $_tile_overlayer_lowered  }
0x9b: {  	s22 =	simm.s32 $0x1BFF;
	s21 =	sshll.u32 s5, $0x1;
	s2 =	sadd.s32 s19, s18  }
0x9c: {  	s6 =	simm.s32 $0x0;
	s20 =	sshll.u32 s4, $0x1;
	s4 =	sadd.s32 s21, s2  }
0x9d: {  	[timem:s6], [sflag:s22] =	dma.local [hbm:s4], s20  }
0x9e: {  	_ =	swait.ge [sflag:s22], s20  }
0x9f: {  	s3 =	ssub.s32 $0x0, s20;
	[sflag:s22] =	ssyncset.done $0x0  }
0xa0: {  	[sflag:s22] =	ssyncadd.s32 s3;
	_ =	sdelay $0x1  }
0xa1: {  	s23 =	simm.s32 $0x1B8B  }
0xa2: {  	_ =	swait.ge [sflag:s23], $0x1  }
0xa3: {  	[sflag:s23] =	ssyncset.done $0x0  }
0xa4: {  	s25 =	simm.s32 $0x1B8E;
	s24 =	sld [smem:$0x3FFE];
	[sflag:s23] =	ssyncadd.s32 $0xFFFFFFFF  }
0xa5: {  	s26 =	simm.s32 $execute0_lowered;
	[smem:$0x3FD2] =	sst s25  }
0xa6: {  	s4 =	sshll.u32 s26, $0x1;
	_ =	strace $0x80000046;
	[dreg:$0x1] =	wrdreg $0xFFFFFFFF  }
0xa7: {  	s28 =	simm.s32 $_size_execute0_lowered;
	s2 =	sadd.s32 s2, s4;
	[dreg:$0x0] =	wrdreg $0x0  }
0xa8: {  	s4 =	sshll.u32 s28, $0x1;
	[dreg:$0x2] =	wrdreg s2  }
0xa9: {  	[dreg:$0x3] =	wrdreg s4  }
0xaa: {  	[dreg:$0x4] =	wrdreg $0xC0  }
0xab: {  	_ =	task [dreg:s6], $0x5FFFF  }
0xac: {  	[dreg:$0x1] =	wrdreg $0xFFFFFFFF  }
0xad: {  	[dreg:$0x0] =	wrdreg $0x60  }
0xae: {  	[dreg:$0x2] =	wrdreg s24  }
0xaf: {  	[dreg:$0x3] =	wrdreg $0x9  }
0xb0: {  	_ =	task.clear_ibuf [dreg:s6], $0x4FFFF;
	_ =	strace $0x90000046  }
0xb1: {  	s29 =	simm.s32 $0x9;
	_ =	strace $0x80000048  }
0xb2: {  	_ =	swait.ge [sflag:s29], $0x1  }
0xb3: {  	[sflag:s29] =	ssyncadd.s32 $0xFFFFFFFF  }
0xb4: {  	_ =	strace $0x90000048  }
0xb5: {  	_ =	sfence  }
0xb6: {  	s30 =	sld [smem:$0x0];
	_ =	sdelay $0x2  }
0xb7: {  	s31 =	sshll.u32 s1, $0xD;
	s1 =	sshrl.u32 s1, $0x2  }
0xb8: {  	s3 =	sand.u32 $0x4000, s31;
	s1 =	sadd.s32 s1, s30  }
0xb9: {  	s0 =	sor.u32 s3, s0;
	s1 =	sshll.u32 s1, $0x11  }
0xba: {  	s0 =	sor.u32 s1, s0  }
0xbb: {  	s0 =	sadd.s32 $0x8F2B, s0  }
0xbc: {  	[sflag:s0] =	ssyncadd.remote.s32 $0x1  }
0xbd: {  	_ =	sfence.sel $0xFFFF  }
0xbe: {  	[dreg:$0x0] =	wrdreg $0xFFFFFFFF;
	(pc) =	sbr.abs _section_cstart, $3  }
0xbf: {  	[dreg:$0x1] =	wrdreg $0xFFFFFFFF  }
0xc0: {  	_ =	task.clear_ibuf [dreg:s6], $0x2FFFF;
	_ =	strace $0x9FFFFFFF  }
0xc1: {  	(tm) =	ssettm $0x7FFFFFFF  }
tec
execute0_lowered:
.L_overlay_start_1:
0x0: {  	(tag) =	ssettag $0x1  }
0x1: {  	s0 =	srdreg.scid  }
0x2: {  	s3 =	sand.u32 $0x1, s0  }
0x3: {  	s4 =	rddreg [dreg:$0x0];
	s0 =	stileid.u32;
	s1 =	sshll.u32 s3, $0x4  }
0x4: {  	s2 =	simm.s32 $0x0;
	s8 =	simm.s32 $0x80;
	s5 =	sor.u32 s0, s1  }
0x5: {  	s9 =	simm.s32 $0x400;
	[smem:$0x7FF] =	sst s2;
	s6 =	sshrl.u32 s5, $0x3  }
0x6: {  	s7 =	sshll.u32 s0, $0x7;
	s3 =	ssub.s32 $0x2, s3;
	s6 =	smul.u32 $0x14000, s6  }
0x7: {  	s1 =	rddreg [dreg:$0x1];
	s7 =	sand.u32 $0x380, s7;
	s5 =	smul.u32 $0x280, s5  }
0x8: {  	_ =	strace $0x80000047;
	s30 =	sshrl.u32 s3, $0x1;
	s6 =	sor.u32 s7, s6  }
0x9: {  	s31 =	ssub.s32 s3, s30;
	s5 =	sadd.s32 s5, s4;
	s6 =	sshrl.u32 s6, $0x3  }
0xa: {  	s3 =	sadd.s32 $0x1600, s5;
	s5 =	smax.u32 s31, $0x1;
	s4 =	sadd.s32 s6, s4  }
0xb: {  	v0 =	vimm.f32 $0.0e+00;
	v1 =	vimm.f32 $1.000000000e+00;
	s7 =	simm.s32 $0x1400;
	s6 =	simm.s32 $0x1;
	s4 =	sadd.s32 $0x6600, s4  }
.LBB2_1:
0xc: {  	s10 =	simm.s32 $0x40;
	s11 =	simm.s32 $0x0  }
.LBB2_2:
0xd: {  	p0 =	sne.s32 s10, $0x9FC0;
	[tilespmem:s11+$0x1400] =	vst v0;
	s11 =	smov.u32 s10;
	s10 =	sadd.s32 $0x40, s10  }
.Ltmp0:
0xe: {  	(pc) =	sbr.rel @p0 .LBB2_2-.Ltmp0, $2  }
0xf: {  	_ =	sdelay $0x2  }
0x10: {  	s11 =	sshra.s32 s11, $0x2  }
0x11: {  	[tilespmem:s11+$0x1400] =	vst v0;
	s10 =	simm.s32 $0x0  }
0x12: {  	[tilespmem:s10], [sflag:$0x1] =	stream.linear.gather [hbm4b:s3+s10], $0x1400, $0x38;
	[tilespmem:$0x3C00] =	vst v63  }
0x13: {  	_ =	swait.ge [sflag:s6], $0x1400  }
0x14: {  	[sflag:s6] =	ssyncset.done $0x0  }
0x15: {  	s11 =	simm.s32 $0x0;
	s10 =	simm.s32 $0x40;
	[sflag:s6] =	ssyncadd.s32 $0xFFFFEC00  }
.LBB2_4:
0x16: {  	p0 =	sne.s32 s10, $0x4FC0;
	v2 =	vld [tilespmem:s11+$0x0];
	_ =	sdelay $0x3  }
.Ltmp1:
0x17: {  	(pc) =	sbr.rel @p0 .LBB2_4-.Ltmp1, $2  }
0x18: {  	_ =	sdelay $0x2  }
0x19: {  	s11 =	sshra.s32 s10, $0x2;
	s10 =	sadd.s32 $0x40, s10;
	[tilespmem:v2+s7+$0x0] =	vst.idx.add.f32.msk $0xffff, v1  }
0x1a: {  	v2 =	vld [tilespmem:s11+$0x0];
	_ =	sdelay $0x5  }
0x1b: {  	s2 =	sadd.s32 $0x1, s2  }
0x1c: {  	p0 =	sne.s32 s2, s5  }
.Ltmp2:
0x1d: {  	[tilespmem:v2+s7+$0x0] =	vst.idx.add.f32.msk $0xffff, v1;
	(pc) =	sbr.rel @p0 .LBB2_1-.Ltmp2, $4  }
0x1e: {  	[hbm4b:s4+s8] =	stream.strided.scatter [tilespmem:s7], [sflag:$0x1], $0x2800, s9, s8, $0x38;
	[tilespmem:$0x3C00] =	vst v63  }
0x1f: {  	_ =	swait.ge [sflag:s6], $0x2800  }
0x20: {  	[sflag:s6] =	ssyncset.done $0x0  }
0x21: {  	[sflag:s6] =	ssyncadd.s32 $0xFFFFD800  }
0x22: {  	_ =	sfence.sel $0x180000  }
0x23: {  	[bflag:$0x0] =	sbarrier.arrive $0xFFFF  }
0x24: {  	p0 =	sne.s32 s0, $0x0;
	_ =	strace $0x90000047  }
0x25: {  	s0 =	sadd.s32 @!p0 $0x100000, s1;
	[bflag:$0x2] =	sbarrier.arrive $0xFFFF  }
0x26: {  	[sflag:s0] =	ssyncadd.tile.s32 @!p0 $0x1;
	_ =	shalt  }
.Lfunc_end2:
_tile_overlayer_lowered:
.L_overlay_start_2:
0x27: {  	(tag) =	ssettag $0x2  }
0x28: {  	s0 =	rddreg [dreg:$0x0];
	s2 =	stileid.u32  }
0x29: {  	s1 =	rddreg [dreg:$0x1];
	p0 =	sne.s32 s2, $0x0  }
0x2a: {  	s3 =	rddreg [dreg:$0x2];
	[bflag:$0x3] =	sbarrier.arrive $0xFFFF;
	s2 =	simm.s32 @!p0 $0x1C01  }
0x2b: {  	[timem:s3], [sflag:s2] =	dma.local @!p0 [hbm:s0], s1  }
0x2c: {  	s0 =	simm.s32 @!p0 $0x1  }
0x2d: {  	_ =	swait.ge @!p0 [sflag:s0], s1  }
0x2e: {  	s1 =	ssub.s32 @!p0 $0x0, s1;
	[sflag:s0] =	ssyncset.done @!p0 $0x0  }
0x2f: {  	[sflag:s0] =	ssyncadd.s32 @!p0 s1  }
0x30: {  	[bflag:$0x3] =	sbarrier.arrive $0xFFFF  }
0x31: {  	_ =	shalt  }

</sc_bundles>
